<compile_context>
chip_gen: v7x
topology: tpu7x:2x2x1
jax: 0.10.2.dev20260603
libtpu: 0.0.44.dev20260713+nightly
codegen_flags: <defaults>
</compile_context>

<pallas_src>
import functools

import jax
import jax.numpy as jnp
from jax import lax
from jax.experimental import pallas as pl
from jax.experimental.pallas import tpu as pltpu
from jax.experimental.pallas import tpu_sc as plsc

NC = 2
NS = 16
IPC = 128
K = 8
CH = IPC * K


def _tc_transform1(x, Wl, Wr):
    n, d = x.shape
    f = Wl.shape[1]
    B = 5000

    def body(x_ref, wl_ref, wr_ref, ol_ref, or_ref):
        xb = x_ref[...]
        ol_ref[...] = jnp.dot(xb, wl_ref[...], preferred_element_type=jnp.float32, precision=jax.lax.Precision.HIGHEST)
        or_ref[...] = jnp.dot(xb, wr_ref[...], preferred_element_type=jnp.float32, precision=jax.lax.Precision.HIGHEST)

    return pl.pallas_call(
        body,
        grid=(n // B,),
        in_specs=[
            pl.BlockSpec((B, d), lambda i: (i, 0)),
            pl.BlockSpec((d, f), lambda i: (0, 0)),
            pl.BlockSpec((d, f), lambda i: (0, 0)),
        ],
        out_specs=[pl.BlockSpec((B, f), lambda i: (i, 0))] * 2,
        out_shape=[jax.ShapeDtypeStruct((n, f), jnp.float32)] * 2,
    )(x, Wl, Wr)


def _tc_edgemath(xj, xi, attrow, S, ST, w):
    e, f = xj.shape
    h = S.shape[1]
    B = 4096

    def body(xj_ref, xi_ref, att_ref, s_ref, st_ref, o_ref):
        xjb = xj_ref[...]
        z = xi_ref[...] + xjb
        lr = jnp.where(z > 0, z, 0.2 * z)
        p = lr * att_ref[...]
        score = jnp.dot(p, s_ref[...], preferred_element_type=jnp.float32, precision=jax.lax.Precision.HIGHEST)
        ex = jnp.exp(score)
        exb = jnp.dot(ex, st_ref[...], preferred_element_type=jnp.float32, precision=jax.lax.Precision.HIGHEST)
        parts = [xjb * exb, ex]
        if w > f + h:
            parts.append(jnp.zeros((B, w - f - h), jnp.float32))
        o_ref[...] = jnp.concatenate(parts, axis=1)

    return pl.pallas_call(
        body,
        grid=(e // B,),
        in_specs=[
            pl.BlockSpec((B, f), lambda i: (i, 0)),
            pl.BlockSpec((B, f), lambda i: (i, 0)),
            pl.BlockSpec((1, f), lambda i: (0, 0)),
            pl.BlockSpec((f, h), lambda i: (0, 0)),
            pl.BlockSpec((h, f), lambda i: (0, 0)),
        ],
        out_specs=pl.BlockSpec((B, w), lambda i: (i, 0)),
        out_shape=jax.ShapeDtypeStruct((e, w), jnp.float32),
    )(xj, xi, attrow, S, ST)


def _tc_transform2(raw, biasrow, ST, Wl, Wr):
    n, w = raw.shape
    hh, f = ST.shape
    fo = Wl.shape[1]
    B = 5000

    def body(r_ref, b_ref, st_ref, wl_ref, wr_ref, ol_ref, or_ref):
        r = r_ref[...]
        num = r[:, :f]
        den = r[:, f:f + hh]
        denb = jnp.dot(den, st_ref[...], preferred_element_type=jnp.float32, precision=jax.lax.Precision.HIGHEST)
        hv = jnp.where(denb > 0, num / denb, 0.0) + b_ref[...]
        hv = jnp.maximum(hv, 0.0)
        ol_ref[...] = jnp.dot(hv, wl_ref[...], preferred_element_type=jnp.float32, precision=jax.lax.Precision.HIGHEST)
        or_ref[...] = jnp.dot(hv, wr_ref[...], preferred_element_type=jnp.float32, precision=jax.lax.Precision.HIGHEST)

    return pl.pallas_call(
        body,
        grid=(n // B,),
        in_specs=[
            pl.BlockSpec((B, w), lambda i: (i, 0)),
            pl.BlockSpec((1, f), lambda i: (0, 0)),
            pl.BlockSpec((hh, f), lambda i: (0, 0)),
            pl.BlockSpec((f, fo), lambda i: (0, 0)),
            pl.BlockSpec((f, fo), lambda i: (0, 0)),
        ],
        out_specs=[pl.BlockSpec((B, fo), lambda i: (i, 0))] * 2,
        out_shape=[jax.ShapeDtypeStruct((n, fo), jnp.float32)] * 2,
    )(raw, biasrow, ST, Wl, Wr)


def _tc_final(raw, biasrow, ST):
    n, w = raw.shape
    hh, f = ST.shape
    B = 5000

    def body(r_ref, b_ref, st_ref, o_ref):
        r = r_ref[...]
        num = r[:, :f]
        den = r[:, f:f + hh]
        denb = jnp.dot(den, st_ref[...], preferred_element_type=jnp.float32, precision=jax.lax.Precision.HIGHEST)
        o_ref[...] = jnp.where(denb > 0, num / denb, 0.0) + b_ref[...]

    return pl.pallas_call(
        body,
        grid=(n // B,),
        in_specs=[
            pl.BlockSpec((B, w), lambda i: (i, 0)),
            pl.BlockSpec((1, f), lambda i: (0, 0)),
            pl.BlockSpec((hh, f), lambda i: (0, 0)),
        ],
        out_specs=pl.BlockSpec((B, f), lambda i: (i, 0)),
        out_shape=jax.ShapeDtypeStruct((n, f), jnp.float32),
    )(raw, biasrow, ST)


def _sc_gather(tableA, tableB, srcI, dstI):
    n, f = tableA.shape
    e = srcI.shape[0] * IPC
    nch = e // CH
    nw = NC * NS
    nloops = (nch + nw - 1) // nw
    mesh = plsc.VectorSubcoreMesh(core_axis_name="c", subcore_axis_name="s")

    @functools.partial(
        pl.kernel,
        mesh=mesh,
        compiler_params=pltpu.CompilerParams(use_tc_tiling_on_sc=False),
        out_type=(
            jax.ShapeDtypeStruct((e, f), jnp.float32),
            jax.ShapeDtypeStruct((e, f), jnp.float32),
        ),
        scratch_types=[
            pltpu.VMEM((K, IPC), jnp.int32),
            pltpu.VMEM((K, IPC), jnp.int32),
            pltpu.VMEM((CH, f), jnp.float32),
            pltpu.SemaphoreType.DMA,
        ],
    )
    def k(tA, tB, sI, dI, oA, oB, sidx, didx, rows, sem):
        c = lax.axis_index("c")
        s = lax.axis_index("s")
        wid = s * NC + c

        def body(i, carry):
            g = i * nw + wid

            @pl.when(g < nch)
            def _():
                base = pl.multiple_of(g * K, 8)
                pltpu.sync_copy(sI.at[pl.ds(base, K)], sidx)
                pltpu.sync_copy(dI.at[pl.ds(base, K)], didx)
                cps = [
                    pltpu.async_copy(
                        tA.at[sidx.at[j]], rows.at[pl.ds(j * IPC, IPC)], sem
                    )
                    for j in range(K)
                ]
                for cp in cps:
                    cp.wait()
                pltpu.sync_copy(rows, oA.at[pl.ds(g * CH, CH)])
                cps = [
                    pltpu.async_copy(
                        tB.at[didx.at[j]], rows.at[pl.ds(j * IPC, IPC)], sem
                    )
                    for j in range(K)
                ]
                for cp in cps:
                    cp.wait()
                pltpu.sync_copy(rows, oB.at[pl.ds(g * CH, CH)])

            return carry

        lax.fori_loop(0, nloops, body, 0)

    return k(tableA, tableB, srcI, dstI)


def _sc_scatter(msgex, dstI, zrows, n_nodes, out_rows, splits=1):
    e, w = msgex.shape
    nown = NC * splits
    nq = (n_nodes + nown - 1) // nown
    nq = (nq + 7) // 8 * 8
    sizes = [min(nq, n_nodes - o * nq) for o in range(nown)]
    acc_rows = ((nq + 8) + IPC - 1) // IPC * IPC
    nzero = acc_rows // IPC
    nch = e // IPC
    OUTC = 8
    mesh = plsc.VectorSubcoreMesh(core_axis_name="c", subcore_axis_name="s")

    @functools.partial(
        pl.kernel,
        mesh=mesh,
        compiler_params=pltpu.CompilerParams(use_tc_tiling_on_sc=False),
        out_type=jax.ShapeDtypeStruct((out_rows, w), jnp.float32),
        scratch_types=[
            pltpu.VMEM((1, IPC), jnp.int32),
            pltpu.VMEM((1, IPC), jnp.int32),
            pltpu.VMEM((IPC, w), jnp.float32),
            pltpu.VMEM_SHARED((acc_rows, w), jnp.float32),
            pltpu.SemaphoreType.DMA,
        ],
    )
    def k(mx, dI, zr, out, didx, lidx, rows, acc, sem):
        c = lax.axis_index("c")
        s = lax.axis_index("s")

        for p in range(splits):
            oid = c * splits + p
            node_base = oid * nq

            pltpu.sync_copy(zr, rows)

            def zbody(kk, carry):
                j = kk * NS + s

                @pl.when(j < nzero)
                def _():
                    pltpu.sync_copy(rows, acc.at[pl.ds(j * IPC, IPC)])

                return carry

            lax.fori_loop(0, (nzero + NS - 1) // NS, zbody, 0)
            plsc.subcore_barrier()

            def body(kk, carry):
                g = kk * NS + s

                @pl.when(g < nch)
                def _():
                    pltpu.sync_copy(dI.at[pl.ds(g, 1)], didx)
                    pltpu.sync_copy(mx.at[pl.ds(g * IPC, IPC)], rows)
                    for i in range(IPC // 16):
                        sl = pl.ds(i * 16, 16)
                        v = didx[0, sl]
                        lo = v - node_base
                        ok = (lo >= 0) & (lo < nq)
                        lidx[0, sl] = jnp.where(ok, lo, nq)
                    pltpu.sync_copy(rows, acc.at[lidx.at[0]], add=True)

                return carry

            lax.fori_loop(0, (nch + NS - 1) // NS, body, 0)
            plsc.subcore_barrier()

            for cc in range(NC):
                oid_c = cc * splits + p
                nout = sizes[oid_c] // OUTC

                @pl.when(c == cc)
                def _():
                    def obody(kk, carry):
                        j = kk * NS + s

                        @pl.when(j < nout)
                        def _():
                            pltpu.sync_copy(
                                acc.at[pl.ds(j * OUTC, OUTC)],
                                out.at[pl.ds(oid_c * nq + j * OUTC, OUTC)],
                            )

                        return carry

                    lax.fori_loop(0, (nout + NS - 1) // NS, obody, 0)

            plsc.subcore_barrier()

    return k(msgex, dstI, zrows)


def kernel(x, edge_index, Wl1, Wr1, att1, bias1, Wl2, Wr2, att2, bias2):
    n = x.shape[0]
    e = edge_index.shape[1]
    ep = (e // 4096 + 2) * 4096
    src_p = jnp.concatenate([edge_index[0], jnp.zeros((ep - e,), jnp.int32)])
    dst_p = jnp.concatenate([edge_index[1], jnp.full((ep - e,), n, jnp.int32)])
    src2d = src_p.reshape(ep // IPC, IPC)
    dst2d = dst_p.reshape(ep // IPC, IPC)

    h1, c1 = att1.shape
    f1 = h1 * c1
    S1 = jnp.repeat(jnp.eye(h1, dtype=jnp.float32), c1, axis=0)
    ST1 = S1.T
    h2, c2 = att2.shape
    f2 = h2 * c2
    S2 = jnp.repeat(jnp.eye(h2, dtype=jnp.float32), c2, axis=0)
    ST2 = S2.T

    w1 = f1 + h1
    w2 = 64
    zeros1 = jnp.zeros((IPC, w1), jnp.float32)
    zeros2 = jnp.zeros((IPC, w2), jnp.float32)

    npad = (n // 5000 + 1) * 5000
    x_p = jnp.concatenate([x, jnp.zeros((npad - n, x.shape[1]), jnp.float32)])

    xl1, xr1 = _tc_transform1(x_p, Wl1, Wr1)
    xj1, xi1 = _sc_gather(xl1, xr1, src2d, dst2d)
    msgex1 = _tc_edgemath(xj1, xi1, att1.reshape(1, f1), S1, ST1, w1)
    raw1 = _sc_scatter(msgex1, dst2d, zeros1, n, npad)
    hl, hr = _tc_transform2(raw1, bias1.reshape(1, f1), ST1, Wl2, Wr2)
    xj2, xi2 = _sc_gather(hl, hr, src2d, dst2d)
    msgex2 = _tc_edgemath(xj2, xi2, att2.reshape(1, f2), S2, ST2, w2)
    raw2 = _sc_scatter(msgex2, dst2d, zeros2, n, npad)
    return _tc_final(raw2, bias2.reshape(1, f2), ST2)[:n]

# --- scband reference (transcript-rebuilt; emitter-appended) ---
"""Pipeline reference for scband-gcn-30296699306159 (READ-ONLY COPY).

The authoritative reference and input builder live on the scoring server;
editing this copy changes nothing except your own understanding.
"""

import jax, jax.numpy as jnp
import numpy as np

N = 50000
E = 800000
IN_DIM = 8
HID = 8
HEADS = 8
OUT_DIM = 32


def gatv2(x, Wl, Wr, att, bias, src, dst, H, C, n):
    # GATv2Conv (PyG semantics, eval mode -> no dropout)
    xl = (x @ Wl).reshape(-1, H, C)   # source transform
    xr = (x @ Wr).reshape(-1, H, C)   # target transform
    xj = xl[src]                       # [E, H, C] gather source
    xi = xr[dst]                       # [E, H, C] gather target
    e = jax.nn.leaky_relu(xi + xj, negative_slope=0.2)
    score = jnp.sum(e * att[None, :, :], axis=-1)   # [E, H]
    smax = jax.ops.segment_max(score, dst, num_segments=n)
    smax = jnp.where(jnp.isfinite(smax), smax, 0.0)
    ex = jnp.exp(score - smax[dst])
    denom = jax.ops.segment_sum(ex, dst, num_segments=n)
    alpha = ex / (denom[dst] + 1e-16)               # softmax over incoming edges
    msg = xj * alpha[:, :, None]                    # [E, H, C]
    out = jax.ops.segment_sum(msg, dst, num_segments=n)  # scatter-add to dst
    return out.reshape(n, H * C) + bias


def setup_inputs(seed: int = 0) -> dict:
    key = jax.random.key(seed)
    ks = jax.random.split(key, 12)
    x = jax.random.normal(ks[0], (N, IN_DIM), dtype=jnp.float32)
    edge_index = jax.random.randint(ks[1], (2, E), 0, N, dtype=jnp.int32)
    s = 0.1
    Wl1 = jax.random.normal(ks[2], (IN_DIM, HEADS * HID), dtype=jnp.float32) * s
    Wr1 = jax.random.normal(ks[3], (IN_DIM, HEADS * HID), dtype=jnp.float32) * s
    att1 = jax.random.normal(ks[4], (HEADS, HID), dtype=jnp.float32) * s
    bias1 = jnp.zeros((HEADS * HID,), dtype=jnp.float32)
    Wl2 = jax.random.normal(ks[5], (HEADS * HID, OUT_DIM), dtype=jnp.float32) * s
    Wr2 = jax.random.normal(ks[6], (HEADS * HID, OUT_DIM), dtype=jnp.float32) * s
    att2 = jax.random.normal(ks[7], (1, OUT_DIM), dtype=jnp.float32) * s
    bias2 = jnp.zeros((OUT_DIM,), dtype=jnp.float32)
    return {"x": x, "edge_index": edge_index, "Wl1": Wl1, "Wr1": Wr1, "att1": att1, "bias1": bias1, "Wl2": Wl2, "Wr2": Wr2, "att2": att2, "bias2": bias2}


def reference(x, edge_index, Wl1, Wr1, att1, bias1, Wl2, Wr2, att2, bias2):
    src, dst = edge_index[0], edge_index[1]
    n = x.shape[0]
    h = gatv2(x, Wl1, Wr1, att1, bias1, src, dst, HEADS, HID, n)
    h = jax.nn.relu(h)
    out = gatv2(h, Wl2, Wr2, att2, bias2, src, dst, 1, OUT_DIM, n)
    return out

if __name__ == "__main__":
    import jax
    _d = setup_inputs()
    print(jax.jit(kernel)(*tuple(_d.values())))

</pallas_src>

<mosaic_0001>
#map = affine_map<(d0, d1) -> (0, 0)>
module attributes {stable_mosaic.version = 14 : i64} {
  func.func @k(%arg0: i32, %arg1: i32, %arg2: memref<55000x64xf32, #tpu.memory_space<hbm>>, %arg3: memref<55000x64xf32, #tpu.memory_space<hbm>>, %arg4: memref<6304x128xi32, #tpu.memory_space<hbm>>, %arg5: memref<6304x128xi32, #tpu.memory_space<hbm>>, %arg6: memref<806912x64xf32, #tpu.memory_space<hbm>>, %arg7: memref<806912x64xf32, #tpu.memory_space<hbm>>, %arg8: memref<8x128xi32, #tpu.memory_space<vmem>>, %arg9: memref<8x128xi32, #tpu.memory_space<vmem>>, %arg10: memref<1024x64xf32, #tpu.memory_space<vmem>>, %arg11: memref<!tpu.dma_semaphore, #tpu.memory_space<semaphore_mem>>) attributes {dimension_semantics = [#tpu.dimension_semantics<core_parallel>, #tpu.dimension_semantics<subcore_parallel>], iteration_bounds = array<i64: 2, 16>, scalar_prefetch = 0 : i64, scratch_operands = 4 : i64, tpu.core_type = #tpu.core_type<sc_vector_subcore>, window_params = [{transform_indices = #map}, {transform_indices = #map}, {transform_indices = #map}, {transform_indices = #map}, {transform_indices = #map}, {transform_indices = #map}]} {
    %mul3A = arith.constant 2 : i32
    %mul3A_0 = arith.muli %arg1, %mul3A : i32
    %add3A = arith.addi %mul3A_0, %arg0 : i32
    %scan3A = arith.constant 0 : i32
    %scan3A_1 = arith.constant 0 : i32
    %scan3A_2 = arith.constant 25 : i32
    %scan3A_3 = arith.addi %scan3A_1, %scan3A_2 : i32
    %scan3A_4 = arith.constant 1 : i32
    scf.for %scan3A_6 = %scan3A_1 to %scan3A_3 step %scan3A_4  : i32 {
      %mul3A_7 = arith.constant 32 : i32
      %mul3A_8 = arith.muli %scan3A_6, %mul3A_7 : i32
      %add3A_9 = arith.addi %mul3A_8, %add3A : i32
      %lt3A = arith.constant 788 : i32
      %lt3A_10 = arith.cmpi slt, %add3A_9, %lt3A : i32
      %convert_element_type3A = arith.extui %lt3A_10 : i1 to i32
      %cond3A = arith.constant 0 : i32
      %cond3A_11 = arith.cmpi ne, %convert_element_type3A, %cond3A : i32
      scf.if %cond3A_11 {
        %mul3A_12 = arith.constant 8 : i32
        %mul3A_13 = arith.muli %add3A_9, %mul3A_12 : i32
        %multiple_of3A = tpu.assume_multiple %mul3A_13, 8 : i32
        "tpu.region"() ({
          %run_scoped3A = tpu.sem_alloc : memref<!tpu.dma_semaphore, #tpu.memory_space<semaphore_mem>>
          %dma_start3A_336 = arith.constant 0 : i32
          %dma_start3A_337 = tpu.memref_slice %arg4[%multiple_of3A, %dma_start3A_336] : memref<6304x128xi32, #tpu.memory_space<hbm>> -> memref<8x128xi32, #tpu.memory_space<hbm>>
          %dma_start3A_338 = arith.constant 0 : i32
          %dma_start3A_339 = tpu.memref_slice %arg4[%multiple_of3A, %dma_start3A_338] : memref<6304x128xi32, #tpu.memory_space<hbm>> -> memref<8x128xi32, #tpu.memory_space<hbm>>
          tpu.enqueue_dma source(%dma_start3A_339 : memref<8x128xi32, #tpu.memory_space<hbm>>) target(%arg8 : memref<8x128xi32, #tpu.memory_space<vmem>>) target_semaphore(%run_scoped3A : memref<!tpu.dma_semaphore, #tpu.memory_space<semaphore_mem>>)
          %dma_wait3A_340 = arith.constant 0 : i32
          %dma_wait3A_341 = tpu.memref_slice %arg4[%multiple_of3A, %dma_wait3A_340] : memref<6304x128xi32, #tpu.memory_space<hbm>> -> memref<8x128xi32, #tpu.memory_space<hbm>>
          %dma_wait3A_342 = arith.constant 0 : i32
          %dma_wait3A_343 = tpu.memref_slice %arg4[%multiple_of3A, %dma_wait3A_342] : memref<6304x128xi32, #tpu.memory_space<hbm>> -> memref<8x128xi32, #tpu.memory_space<hbm>>
          tpu.wait_dma2 semaphore(%run_scoped3A : memref<!tpu.dma_semaphore, #tpu.memory_space<semaphore_mem>>) src(%dma_wait3A_343 : memref<8x128xi32, #tpu.memory_space<hbm>>) dst(%arg8 : memref<8x128xi32, #tpu.memory_space<vmem>>)
          tpu.yield
        }) : () -> ()
        "tpu.region"() ({
          %run_scoped3A = tpu.sem_alloc : memref<!tpu.dma_semaphore, #tpu.memory_space<semaphore_mem>>
          %dma_start3A_336 = arith.constant 0 : i32
          %dma_start3A_337 = tpu.memref_slice %arg5[%multiple_of3A, %dma_start3A_336] : memref<6304x128xi32, #tpu.memory_space<hbm>> -> memref<8x128xi32, #tpu.memory_space<hbm>>
          %dma_start3A_338 = arith.constant 0 : i32
          %dma_start3A_339 = tpu.memref_slice %arg5[%multiple_of3A, %dma_start3A_338] : memref<6304x128xi32, #tpu.memory_space<hbm>> -> memref<8x128xi32, #tpu.memory_space<hbm>>
          tpu.enqueue_dma source(%dma_start3A_339 : memref<8x128xi32, #tpu.memory_space<hbm>>) target(%arg9 : memref<8x128xi32, #tpu.memory_space<vmem>>) target_semaphore(%run_scoped3A : memref<!tpu.dma_semaphore, #tpu.memory_space<semaphore_mem>>)
          %dma_wait3A_340 = arith.constant 0 : i32
          %dma_wait3A_341 = tpu.memref_slice %arg5[%multiple_of3A, %dma_wait3A_340] : memref<6304x128xi32, #tpu.memory_space<hbm>> -> memref<8x128xi32, #tpu.memory_space<hbm>>
          %dma_wait3A_342 = arith.constant 0 : i32
          %dma_wait3A_343 = tpu.memref_slice %arg5[%multiple_of3A, %dma_wait3A_342] : memref<6304x128xi32, #tpu.memory_space<hbm>> -> memref<8x128xi32, #tpu.memory_space<hbm>>
          tpu.wait_dma2 semaphore(%run_scoped3A : memref<!tpu.dma_semaphore, #tpu.memory_space<semaphore_mem>>) src(%dma_wait3A_343 : memref<8x128xi32, #tpu.memory_space<hbm>>) dst(%arg9 : memref<8x128xi32, #tpu.memory_space<vmem>>)
          tpu.yield
        }) : () -> ()
        %dma_start3A = arith.constant 0 : i32
        %dma_start3A_14 = arith.constant 0 : i32
        %dma_start3A_15 = arith.constant 0 : i32
        %dma_start3A_16 = tpu.memref_slice %arg10[%dma_start3A_14, %dma_start3A_15] : memref<1024x64xf32, #tpu.memory_space<vmem>> -> memref<128x64xf32, #tpu.memory_space<vmem>>
        %dma_start3A_17 = arith.constant 0 : i32
        %dma_start3A_18 = tpu.memref_slice %arg8[%dma_start3A, %dma_start3A_17] : memref<8x128xi32, #tpu.memory_space<vmem>> -> memref<1x128xi32, #tpu.memory_space<vmem>>
        %dma_start3A_19 = tpu.memref_squeeze %dma_start3A_18 : memref<1x128xi32, #tpu.memory_space<vmem>> -> memref<128xi32, #tpu.memory_space<vmem>>
        %dma_start3A_20 = arith.constant 0 : i32
        %dma_start3A_21 = arith.constant 0 : i32
        %dma_start3A_22 = tpu.memref_slice %arg2[%dma_start3A_20, %dma_start3A_21] : memref<55000x64xf32, #tpu.memory_space<hbm>> -> memref<55000x64xf32, #tpu.memory_space<hbm>>
        tpu.enqueue_indirect_dma source(%dma_start3A_22 : memref<55000x64xf32, #tpu.memory_space<hbm>>) target(%dma_start3A_16 : memref<128x64xf32, #tpu.memory_space<vmem>>) offsets(%dma_start3A_19 : memref<128xi32, #tpu.memory_space<vmem>>) semaphore(%arg11 : memref<!tpu.dma_semaphore, #tpu.memory_space<semaphore_mem>>)
        %dma_start3A_23 = arith.constant 1 : i32
        %dma_start3A_24 = arith.constant 128 : i32
        %dma_start3A_25 = arith.constant 0 : i32
        %dma_start3A_26 = tpu.memref_slice %arg10[%dma_start3A_24, %dma_start3A_25] : memref<1024x64xf32, #tpu.memory_space<vmem>> -> memref<128x64xf32, #tpu.memory_space<vmem>>
        %dma_start3A_27 = arith.constant 0 : i32
        %dma_start3A_28 = tpu.memref_slice %arg8[%dma_start3A_23, %dma_start3A_27] : memref<8x128xi32, #tpu.memory_space<vmem>> -> memref<1x128xi32, #tpu.memory_space<vmem>>
        %dma_start3A_29 = tpu.memref_squeeze %dma_start3A_28 : memref<1x128xi32, #tpu.memory_space<vmem>> -> memref<128xi32, #tpu.memory_space<vmem>>
        %dma_start3A_30 = arith.constant 0 : i32
        %dma_start3A_31 = arith.constant 0 : i32
        %dma_start3A_32 = tpu.memref_slice %arg2[%dma_start3A_30, %dma_start3A_31] : memref<55000x64xf32, #tpu.memory_space<hbm>> -> memref<55000x64xf32, #tpu.memory_space<hbm>>
        tpu.enqueue_indirect_dma source(%dma_start3A_32 : memref<55000x64xf32, #tpu.memory_space<hbm>>) target(%dma_start3A_26 : memref<128x64xf32, #tpu.memory_space<vmem>>) offsets(%dma_start3A_29 : memref<128xi32, #tpu.memory_space<vmem>>) semaphore(%arg11 : memref<!tpu.dma_semaphore, #tpu.memory_space<semaphore_mem>>)
        %dma_start3A_33 = arith.constant 2 : i32
        %dma_start3A_34 = arith.constant 256 : i32
        %dma_start3A_35 = arith.constant 0 : i32
        %dma_start3A_36 = tpu.memref_slice %arg10[%dma_start3A_34, %dma_start3A_35] : memref<1024x64xf32, #tpu.memory_space<vmem>> -> memref<128x64xf32, #tpu.memory_space<vmem>>
        %dma_start3A_37 = arith.constant 0 : i32
        %dma_start3A_38 = tpu.memref_slice %arg8[%dma_start3A_33, %dma_start3A_37] : memref<8x128xi32, #tpu.memory_space<vmem>> -> memref<1x128xi32, #tpu.memory_space<vmem>>
        %dma_start3A_39 = tpu.memref_squeeze %dma_start3A_38 : memref<1x128xi32, #tpu.memory_space<vmem>> -> memref<128xi32, #tpu.memory_space<vmem>>
        %dma_start3A_40 = arith.constant 0 : i32
        %dma_start3A_41 = arith.constant 0 : i32
        %dma_start3A_42 = tpu.memref_slice %arg2[%dma_start3A_40, %dma_start3A_41] : memref<55000x64xf32, #tpu.memory_space<hbm>> -> memref<55000x64xf32, #tpu.memory_space<hbm>>
        tpu.enqueue_indirect_dma source(%dma_start3A_42 : memref<55000x64xf32, #tpu.memory_space<hbm>>) target(%dma_start3A_36 : memref<128x64xf32, #tpu.memory_space<vmem>>) offsets(%dma_start3A_39 : memref<128xi32, #tpu.memory_space<vmem>>) semaphore(%arg11 : memref<!tpu.dma_semaphore, #tpu.memory_space<semaphore_mem>>)
        %dma_start3A_43 = arith.constant 3 : i32
        %dma_start3A_44 = arith.constant 384 : i32
        %dma_start3A_45 = arith.constant 0 : i32
        %dma_start3A_46 = tpu.memref_slice %arg10[%dma_start3A_44, %dma_start3A_45] : memref<1024x64xf32, #tpu.memory_space<vmem>> -> memref<128x64xf32, #tpu.memory_space<vmem>>
        %dma_start3A_47 = arith.constant 0 : i32
        %dma_start3A_48 = tpu.memref_slice %arg8[%dma_start3A_43, %dma_start3A_47] : memref<8x128xi32, #tpu.memory_space<vmem>> -> memref<1x128xi32, #tpu.memory_space<vmem>>
        %dma_start3A_49 = tpu.memref_squeeze %dma_start3A_48 : memref<1x128xi32, #tpu.memory_space<vmem>> -> memref<128xi32, #tpu.memory_space<vmem>>
        %dma_start3A_50 = arith.constant 0 : i32
        %dma_start3A_51 = arith.constant 0 : i32
        %dma_start3A_52 = tpu.memref_slice %arg2[%dma_start3A_50, %dma_start3A_51] : memref<55000x64xf32, #tpu.memory_space<hbm>> -> memref<55000x64xf32, #tpu.memory_space<hbm>>
        tpu.enqueue_indirect_dma source(%dma_start3A_52 : memref<55000x64xf32, #tpu.memory_space<hbm>>) target(%dma_start3A_46 : memref<128x64xf32, #tpu.memory_space<vmem>>) offsets(%dma_start3A_49 : memref<128xi32, #tpu.memory_space<vmem>>) semaphore(%arg11 : memref<!tpu.dma_semaphore, #tpu.memory_space<semaphore_mem>>)
        %dma_start3A_53 = arith.constant 4 : i32
        %dma_start3A_54 = arith.constant 512 : i32
        %dma_start3A_55 = arith.constant 0 : i32
        %dma_start3A_56 = tpu.memref_slice %arg10[%dma_start3A_54, %dma_start3A_55] : memref<1024x64xf32, #tpu.memory_space<vmem>> -> memref<128x64xf32, #tpu.memory_space<vmem>>
        %dma_start3A_57 = arith.constant 0 : i32
        %dma_start3A_58 = tpu.memref_slice %arg8[%dma_start3A_53, %dma_start3A_57] : memref<8x128xi32, #tpu.memory_space<vmem>> -> memref<1x128xi32, #tpu.memory_space<vmem>>
        %dma_start3A_59 = tpu.memref_squeeze %dma_start3A_58 : memref<1x128xi32, #tpu.memory_space<vmem>> -> memref<128xi32, #tpu.memory_space<vmem>>
        %dma_start3A_60 = arith.constant 0 : i32
        %dma_start3A_61 = arith.constant 0 : i32
        %dma_start3A_62 = tpu.memref_slice %arg2[%dma_start3A_60, %dma_start3A_61] : memref<55000x64xf32, #tpu.memory_space<hbm>> -> memref<55000x64xf32, #tpu.memory_space<hbm>>
        tpu.enqueue_indirect_dma source(%dma_start3A_62 : memref<55000x64xf32, #tpu.memory_space<hbm>>) target(%dma_start3A_56 : memref<128x64xf32, #tpu.memory_space<vmem>>) offsets(%dma_start3A_59 : memref<128xi32, #tpu.memory_space<vmem>>) semaphore(%arg11 : memref<!tpu.dma_semaphore, #tpu.memory_space<semaphore_mem>>)
        %dma_start3A_63 = arith.constant 5 : i32
        %dma_start3A_64 = arith.constant 640 : i32
        %dma_start3A_65 = arith.constant 0 : i32
        %dma_start3A_66 = tpu.memref_slice %arg10[%dma_start3A_64, %dma_start3A_65] : memref<1024x64xf32, #tpu.memory_space<vmem>> -> memref<128x64xf32, #tpu.memory_space<vmem>>
        %dma_start3A_67 = arith.constant 0 : i32
        %dma_start3A_68 = tpu.memref_slice %arg8[%dma_start3A_63, %dma_start3A_67] : memref<8x128xi32, #tpu.memory_space<vmem>> -> memref<1x128xi32, #tpu.memory_space<vmem>>
        %dma_start3A_69 = tpu.memref_squeeze %dma_start3A_68 : memref<1x128xi32, #tpu.memory_space<vmem>> -> memref<128xi32, #tpu.memory_space<vmem>>
        %dma_start3A_70 = arith.constant 0 : i32
        %dma_start3A_71 = arith.constant 0 : i32
        %dma_start3A_72 = tpu.memref_slice %arg2[%dma_start3A_70, %dma_start3A_71] : memref<55000x64xf32, #tpu.memory_space<hbm>> -> memref<55000x64xf32, #tpu.memory_space<hbm>>
        tpu.enqueue_indirect_dma source(%dma_start3A_72 : memref<55000x64xf32, #tpu.memory_space<hbm>>) target(%dma_start3A_66 : memref<128x64xf32, #tpu.memory_space<vmem>>) offsets(%dma_start3A_69 : memref<128xi32, #tpu.memory_space<vmem>>) semaphore(%arg11 : memref<!tpu.dma_semaphore, #tpu.memory_space<semaphore_mem>>)
        %dma_start3A_73 = arith.constant 6 : i32
        %dma_start3A_74 = arith.constant 768 : i32
        %dma_start3A_75 = arith.constant 0 : i32
        %dma_start3A_76 = tpu.memref_slice %arg10[%dma_start3A_74, %dma_start3A_75] : memref<1024x64xf32, #tpu.memory_space<vmem>> -> memref<128x64xf32, #tpu.memory_space<vmem>>
        %dma_start3A_77 = arith.constant 0 : i32
        %dma_start3A_78 = tpu.memref_slice %arg8[%dma_start3A_73, %dma_start3A_77] : memref<8x128xi32, #tpu.memory_space<vmem>> -> memref<1x128xi32, #tpu.memory_space<vmem>>
        %dma_start3A_79 = tpu.memref_squeeze %dma_start3A_78 : memref<1x128xi32, #tpu.memory_space<vmem>> -> memref<128xi32, #tpu.memory_space<vmem>>
        %dma_start3A_80 = arith.constant 0 : i32
        %dma_start3A_81 = arith.constant 0 : i32
        %dma_start3A_82 = tpu.memref_slice %arg2[%dma_start3A_80, %dma_start3A_81] : memref<55000x64xf32, #tpu.memory_space<hbm>> -> memref<55000x64xf32, #tpu.memory_space<hbm>>
        tpu.enqueue_indirect_dma source(%dma_start3A_82 : memref<55000x64xf32, #tpu.memory_space<hbm>>) target(%dma_start3A_76 : memref<128x64xf32, #tpu.memory_space<vmem>>) offsets(%dma_start3A_79 : memref<128xi32, #tpu.memory_space<vmem>>) semaphore(%arg11 : memref<!tpu.dma_semaphore, #tpu.memory_space<semaphore_mem>>)
        %dma_start3A_83 = arith.constant 7 : i32
        %dma_start3A_84 = arith.constant 896 : i32
        %dma_start3A_85 = arith.constant 0 : i32
        %dma_start3A_86 = tpu.memref_slice %arg10[%dma_start3A_84, %dma_start3A_85] : memref<1024x64xf32, #tpu.memory_space<vmem>> -> memref<128x64xf32, #tpu.memory_space<vmem>>
        %dma_start3A_87 = arith.constant 0 : i32
        %dma_start3A_88 = tpu.memref_slice %arg8[%dma_start3A_83, %dma_start3A_87] : memref<8x128xi32, #tpu.memory_space<vmem>> -> memref<1x128xi32, #tpu.memory_space<vmem>>
        %dma_start3A_89 = tpu.memref_squeeze %dma_start3A_88 : memref<1x128xi32, #tpu.memory_space<vmem>> -> memref<128xi32, #tpu.memory_space<vmem>>
        %dma_start3A_90 = arith.constant 0 : i32
        %dma_start3A_91 = arith.constant 0 : i32
        %dma_start3A_92 = tpu.memref_slice %arg2[%dma_start3A_90, %dma_start3A_91] : memref<55000x64xf32, #tpu.memory_space<hbm>> -> memref<55000x64xf32, #tpu.memory_space<hbm>>
        tpu.enqueue_indirect_dma source(%dma_start3A_92 : memref<55000x64xf32, #tpu.memory_space<hbm>>) target(%dma_start3A_86 : memref<128x64xf32, #tpu.memory_space<vmem>>) offsets(%dma_start3A_89 : memref<128xi32, #tpu.memory_space<vmem>>) semaphore(%arg11 : memref<!tpu.dma_semaphore, #tpu.memory_space<semaphore_mem>>)
        %dma_wait3A = arith.constant 0 : i32
        %dma_wait3A_93 = arith.constant 0 : i32
        %dma_wait3A_94 = arith.constant 0 : i32
        %dma_wait3A_95 = tpu.memref_slice %arg10[%dma_wait3A_93, %dma_wait3A_94] : memref<1024x64xf32, #tpu.memory_space<vmem>> -> memref<128x64xf32, #tpu.memory_space<vmem>>
        %dma_wait3A_96 = arith.constant 0 : i32
        %dma_wait3A_97 = tpu.memref_slice %arg8[%dma_wait3A, %dma_wait3A_96] : memref<8x128xi32, #tpu.memory_space<vmem>> -> memref<1x128xi32, #tpu.memory_space<vmem>>
        %dma_wait3A_98 = tpu.memref_squeeze %dma_wait3A_97 : memref<1x128xi32, #tpu.memory_space<vmem>> -> memref<128xi32, #tpu.memory_space<vmem>>
        %dma_wait3A_99 = arith.constant 0 : i32
        %dma_wait3A_100 = arith.constant 0 : i32
        %dma_wait3A_101 = tpu.memref_slice %arg2[%dma_wait3A_99, %dma_wait3A_100] : memref<55000x64xf32, #tpu.memory_space<hbm>> -> memref<55000x64xf32, #tpu.memory_space<hbm>>
        tpu.wait_indirect_dma semaphore(%arg11 : memref<!tpu.dma_semaphore, #tpu.memory_space<semaphore_mem>>) src(%dma_wait3A_101 : memref<55000x64xf32, #tpu.memory_space<hbm>>) dst(%dma_wait3A_95 : memref<128x64xf32, #tpu.memory_space<vmem>>)
        %dma_wait3A_102 = arith.constant 1 : i32
        %dma_wait3A_103 = arith.constant 128 : i32
        %dma_wait3A_104 = arith.constant 0 : i32
        %dma_wait3A_105 = tpu.memref_slice %arg10[%dma_wait3A_103, %dma_wait3A_104] : memref<1024x64xf32, #tpu.memory_space<vmem>> -> memref<128x64xf32, #tpu.memory_space<vmem>>
        %dma_wait3A_106 = arith.constant 0 : i32
        %dma_wait3A_107 = tpu.memref_slice %arg8[%dma_wait3A_102, %dma_wait3A_106] : memref<8x128xi32, #tpu.memory_space<vmem>> -> memref<1x128xi32, #tpu.memory_space<vmem>>
        %dma_wait3A_108 = tpu.memref_squeeze %dma_wait3A_107 : memref<1x128xi32, #tpu.memory_space<vmem>> -> memref<128xi32, #tpu.memory_space<vmem>>
        %dma_wait3A_109 = arith.constant 0 : i32
        %dma_wait3A_110 = arith.constant 0 : i32
        %dma_wait3A_111 = tpu.memref_slice %arg2[%dma_wait3A_109, %dma_wait3A_110] : memref<55000x64xf32, #tpu.memory_space<hbm>> -> memref<55000x64xf32, #tpu.memory_space<hbm>>
        tpu.wait_indirect_dma semaphore(%arg11 : memref<!tpu.dma_semaphore, #tpu.memory_space<semaphore_mem>>) src(%dma_wait3A_111 : memref<55000x64xf32, #tpu.memory_space<hbm>>) dst(%dma_wait3A_105 : memref<128x64xf32, #tpu.memory_space<vmem>>)
        %dma_wait3A_112 = arith.constant 2 : i32
        %dma_wait3A_113 = arith.constant 256 : i32
        %dma_wait3A_114 = arith.constant 0 : i32
        %dma_wait3A_115 = tpu.memref_slice %arg10[%dma_wait3A_113, %dma_wait3A_114] : memref<1024x64xf32, #tpu.memory_space<vmem>> -> memref<128x64xf32, #tpu.memory_space<vmem>>
        %dma_wait3A_116 = arith.constant 0 : i32
        %dma_wait3A_117 = tpu.memref_slice %arg8[%dma_wait3A_112, %dma_wait3A_116] : memref<8x128xi32, #tpu.memory_space<vmem>> -> memref<1x128xi32, #tpu.memory_space<vmem>>
        %dma_wait3A_118 = tpu.memref_squeeze %dma_wait3A_117 : memref<1x128xi32, #tpu.memory_space<vmem>> -> memref<128xi32, #tpu.memory_space<vmem>>
        %dma_wait3A_119 = arith.constant 0 : i32
        %dma_wait3A_120 = arith.constant 0 : i32
        %dma_wait3A_121 = tpu.memref_slice %arg2[%dma_wait3A_119, %dma_wait3A_120] : memref<55000x64xf32, #tpu.memory_space<hbm>> -> memref<55000x64xf32, #tpu.memory_space<hbm>>
        tpu.wait_indirect_dma semaphore(%arg11 : memref<!tpu.dma_semaphore, #tpu.memory_space<semaphore_mem>>) src(%dma_wait3A_121 : memref<55000x64xf32, #tpu.memory_space<hbm>>) dst(%dma_wait3A_115 : memref<128x64xf32, #tpu.memory_space<vmem>>)
        %dma_wait3A_122 = arith.constant 3 : i32
        %dma_wait3A_123 = arith.constant 384 : i32
        %dma_wait3A_124 = arith.constant 0 : i32
        %dma_wait3A_125 = tpu.memref_slice %arg10[%dma_wait3A_123, %dma_wait3A_124] : memref<1024x64xf32, #tpu.memory_space<vmem>> -> memref<128x64xf32, #tpu.memory_space<vmem>>
        %dma_wait3A_126 = arith.constant 0 : i32
        %dma_wait3A_127 = tpu.memref_slice %arg8[%dma_wait3A_122, %dma_wait3A_126] : memref<8x128xi32, #tpu.memory_space<vmem>> -> memref<1x128xi32, #tpu.memory_space<vmem>>
        %dma_wait3A_128 = tpu.memref_squeeze %dma_wait3A_127 : memref<1x128xi32, #tpu.memory_space<vmem>> -> memref<128xi32, #tpu.memory_space<vmem>>
        %dma_wait3A_129 = arith.constant 0 : i32
        %dma_wait3A_130 = arith.constant 0 : i32
        %dma_wait3A_131 = tpu.memref_slice %arg2[%dma_wait3A_129, %dma_wait3A_130] : memref<55000x64xf32, #tpu.memory_space<hbm>> -> memref<55000x64xf32, #tpu.memory_space<hbm>>
        tpu.wait_indirect_dma semaphore(%arg11 : memref<!tpu.dma_semaphore, #tpu.memory_space<semaphore_mem>>) src(%dma_wait3A_131 : memref<55000x64xf32, #tpu.memory_space<hbm>>) dst(%dma_wait3A_125 : memref<128x64xf32, #tpu.memory_space<vmem>>)
        %dma_wait3A_132 = arith.constant 4 : i32
        %dma_wait3A_133 = arith.constant 512 : i32
        %dma_wait3A_134 = arith.constant 0 : i32
        %dma_wait3A_135 = tpu.memref_slice %arg10[%dma_wait3A_133, %dma_wait3A_134] : memref<1024x64xf32, #tpu.memory_space<vmem>> -> memref<128x64xf32, #tpu.memory_space<vmem>>
        %dma_wait3A_136 = arith.constant 0 : i32
        %dma_wait3A_137 = tpu.memref_slice %arg8[%dma_wait3A_132, %dma_wait3A_136] : memref<8x128xi32, #tpu.memory_space<vmem>> -> memref<1x128xi32, #tpu.memory_space<vmem>>
        %dma_wait3A_138 = tpu.memref_squeeze %dma_wait3A_137 : memref<1x128xi32, #tpu.memory_space<vmem>> -> memref<128xi32, #tpu.memory_space<vmem>>
        %dma_wait3A_139 = arith.constant 0 : i32
        %dma_wait3A_140 = arith.constant 0 : i32
        %dma_wait3A_141 = tpu.memref_slice %arg2[%dma_wait3A_139, %dma_wait3A_140] : memref<55000x64xf32, #tpu.memory_space<hbm>> -> memref<55000x64xf32, #tpu.memory_space<hbm>>
        tpu.wait_indirect_dma semaphore(%arg11 : memref<!tpu.dma_semaphore, #tpu.memory_space<semaphore_mem>>) src(%dma_wait3A_141 : memref<55000x64xf32, #tpu.memory_space<hbm>>) dst(%dma_wait3A_135 : memref<128x64xf32, #tpu.memory_space<vmem>>)
        %dma_wait3A_142 = arith.constant 5 : i32
        %dma_wait3A_143 = arith.constant 640 : i32
        %dma_wait3A_144 = arith.constant 0 : i32
        %dma_wait3A_145 = tpu.memref_slice %arg10[%dma_wait3A_143, %dma_wait3A_144] : memref<1024x64xf32, #tpu.memory_space<vmem>> -> memref<128x64xf32, #tpu.memory_space<vmem>>
        %dma_wait3A_146 = arith.constant 0 : i32
        %dma_wait3A_147 = tpu.memref_slice %arg8[%dma_wait3A_142, %dma_wait3A_146] : memref<8x128xi32, #tpu.memory_space<vmem>> -> memref<1x128xi32, #tpu.memory_space<vmem>>
        %dma_wait3A_148 = tpu.memref_squeeze %dma_wait3A_147 : memref<1x128xi32, #tpu.memory_space<vmem>> -> memref<128xi32, #tpu.memory_space<vmem>>
        %dma_wait3A_149 = arith.constant 0 : i32
        %dma_wait3A_150 = arith.constant 0 : i32
        %dma_wait3A_151 = tpu.memref_slice %arg2[%dma_wait3A_149, %dma_wait3A_150] : memref<55000x64xf32, #tpu.memory_space<hbm>> -> memref<55000x64xf32, #tpu.memory_space<hbm>>
        tpu.wait_indirect_dma semaphore(%arg11 : memref<!tpu.dma_semaphore, #tpu.memory_space<semaphore_mem>>) src(%dma_wait3A_151 : memref<55000x64xf32, #tpu.memory_space<hbm>>) dst(%dma_wait3A_145 : memref<128x64xf32, #tpu.memory_space<vmem>>)
        %dma_wait3A_152 = arith.constant 6 : i32
        %dma_wait3A_153 = arith.constant 768 : i32
        %dma_wait3A_154 = arith.constant 0 : i32
        %dma_wait3A_155 = tpu.memref_slice %arg10[%dma_wait3A_153, %dma_wait3A_154] : memref<1024x64xf32, #tpu.memory_space<vmem>> -> memref<128x64xf32, #tpu.memory_space<vmem>>
        %dma_wait3A_156 = arith.constant 0 : i32
        %dma_wait3A_157 = tpu.memref_slice %arg8[%dma_wait3A_152, %dma_wait3A_156] : memref<8x128xi32, #tpu.memory_space<vmem>> -> memref<1x128xi32, #tpu.memory_space<vmem>>
        %dma_wait3A_158 = tpu.memref_squeeze %dma_wait3A_157 : memref<1x128xi32, #tpu.memory_space<vmem>> -> memref<128xi32, #tpu.memory_space<vmem>>
        %dma_wait3A_159 = arith.constant 0 : i32
        %dma_wait3A_160 = arith.constant 0 : i32
        %dma_wait3A_161 = tpu.memref_slice %arg2[%dma_wait3A_159, %dma_wait3A_160] : memref<55000x64xf32, #tpu.memory_space<hbm>> -> memref<55000x64xf32, #tpu.memory_space<hbm>>
        tpu.wait_indirect_dma semaphore(%arg11 : memref<!tpu.dma_semaphore, #tpu.memory_space<semaphore_mem>>) src(%dma_wait3A_161 : memref<55000x64xf32, #tpu.memory_space<hbm>>) dst(%dma_wait3A_155 : memref<128x64xf32, #tpu.memory_space<vmem>>)
        %dma_wait3A_162 = arith.constant 7 : i32
        %dma_wait3A_163 = arith.constant 896 : i32
        %dma_wait3A_164 = arith.constant 0 : i32
        %dma_wait3A_165 = tpu.memref_slice %arg10[%dma_wait3A_163, %dma_wait3A_164] : memref<1024x64xf32, #tpu.memory_space<vmem>> -> memref<128x64xf32, #tpu.memory_space<vmem>>
        %dma_wait3A_166 = arith.constant 0 : i32
        %dma_wait3A_167 = tpu.memref_slice %arg8[%dma_wait3A_162, %dma_wait3A_166] : memref<8x128xi32, #tpu.memory_space<vmem>> -> memref<1x128xi32, #tpu.memory_space<vmem>>
        %dma_wait3A_168 = tpu.memref_squeeze %dma_wait3A_167 : memref<1x128xi32, #tpu.memory_space<vmem>> -> memref<128xi32, #tpu.memory_space<vmem>>
        %dma_wait3A_169 = arith.constant 0 : i32
        %dma_wait3A_170 = arith.constant 0 : i32
        %dma_wait3A_171 = tpu.memref_slice %arg2[%dma_wait3A_169, %dma_wait3A_170] : memref<55000x64xf32, #tpu.memory_space<hbm>> -> memref<55000x64xf32, #tpu.memory_space<hbm>>
        tpu.wait_indirect_dma semaphore(%arg11 : memref<!tpu.dma_semaphore, #tpu.memory_space<semaphore_mem>>) src(%dma_wait3A_171 : memref<55000x64xf32, #tpu.memory_space<hbm>>) dst(%dma_wait3A_165 : memref<128x64xf32, #tpu.memory_space<vmem>>)
        %mul3A_172 = arith.constant 1024 : i32
        %mul3A_173 = arith.muli %add3A_9, %mul3A_172 : i32
        "tpu.region"() ({
          %run_scoped3A = tpu.sem_alloc : memref<!tpu.dma_semaphore, #tpu.memory_space<semaphore_mem>>
          %dma_start3A_336 = arith.constant 0 : i32
          %dma_start3A_337 = tpu.memref_slice %arg6[%mul3A_173, %dma_start3A_336] : memref<806912x64xf32, #tpu.memory_space<hbm>> -> memref<1024x64xf32, #tpu.memory_space<hbm>>
          %dma_start3A_338 = arith.constant 0 : i32
          %dma_start3A_339 = tpu.memref_slice %arg6[%mul3A_173, %dma_start3A_338] : memref<806912x64xf32, #tpu.memory_space<hbm>> -> memref<1024x64xf32, #tpu.memory_space<hbm>>
          tpu.enqueue_dma source(%arg10 : memref<1024x64xf32, #tpu.memory_space<vmem>>) target(%dma_start3A_339 : memref<1024x64xf32, #tpu.memory_space<hbm>>) target_semaphore(%run_scoped3A : memref<!tpu.dma_semaphore, #tpu.memory_space<semaphore_mem>>)
          %dma_wait3A_340 = arith.constant 0 : i32
          %dma_wait3A_341 = tpu.memref_slice %arg6[%mul3A_173, %dma_wait3A_340] : memref<806912x64xf32, #tpu.memory_space<hbm>> -> memref<1024x64xf32, #tpu.memory_space<hbm>>
          %dma_wait3A_342 = arith.constant 0 : i32
          %dma_wait3A_343 = tpu.memref_slice %arg6[%mul3A_173, %dma_wait3A_342] : memref<806912x64xf32, #tpu.memory_space<hbm>> -> memref<1024x64xf32, #tpu.memory_space<hbm>>
          tpu.wait_dma2 semaphore(%run_scoped3A : memref<!tpu.dma_semaphore, #tpu.memory_space<semaphore_mem>>) src(%arg10 : memref<1024x64xf32, #tpu.memory_space<vmem>>) dst(%dma_wait3A_343 : memref<1024x64xf32, #tpu.memory_space<hbm>>)
          tpu.yield
        }) : () -> ()
        %dma_start3A_174 = arith.constant 0 : i32
        %dma_start3A_175 = arith.constant 0 : i32
        %dma_start3A_176 = arith.constant 0 : i32
        %dma_start3A_177 = tpu.memref_slice %arg10[%dma_start3A_175, %dma_start3A_176] : memref<1024x64xf32, #tpu.memory_space<vmem>> -> memref<128x64xf32, #tpu.memory_space<vmem>>
        %dma_start3A_178 = arith.constant 0 : i32
        %dma_start3A_179 = tpu.memref_slice %arg9[%dma_start3A_174, %dma_start3A_178] : memref<8x128xi32, #tpu.memory_space<vmem>> -> memref<1x128xi32, #tpu.memory_space<vmem>>
        %dma_start3A_180 = tpu.memref_squeeze %dma_start3A_179 : memref<1x128xi32, #tpu.memory_space<vmem>> -> memref<128xi32, #tpu.memory_space<vmem>>
        %dma_start3A_181 = arith.constant 0 : i32
        %dma_start3A_182 = arith.constant 0 : i32
        %dma_start3A_183 = tpu.memref_slice %arg3[%dma_start3A_181, %dma_start3A_182] : memref<55000x64xf32, #tpu.memory_space<hbm>> -> memref<55000x64xf32, #tpu.memory_space<hbm>>
        tpu.enqueue_indirect_dma source(%dma_start3A_183 : memref<55000x64xf32, #tpu.memory_space<hbm>>) target(%dma_start3A_177 : memref<128x64xf32, #tpu.memory_space<vmem>>) offsets(%dma_start3A_180 : memref<128xi32, #tpu.memory_space<vmem>>) semaphore(%arg11 : memref<!tpu.dma_semaphore, #tpu.memory_space<semaphore_mem>>)
        %dma_start3A_184 = arith.constant 1 : i32
        %dma_start3A_185 = arith.constant 128 : i32
        %dma_start3A_186 = arith.constant 0 : i32
        %dma_start3A_187 = tpu.memref_slice %arg10[%dma_start3A_185, %dma_start3A_186] : memref<1024x64xf32, #tpu.memory_space<vmem>> -> memref<128x64xf32, #tpu.memory_space<vmem>>
        %dma_start3A_188 = arith.constant 0 : i32
        %dma_start3A_189 = tpu.memref_slice %arg9[%dma_start3A_184, %dma_start3A_188] : memref<8x128xi32, #tpu.memory_space<vmem>> -> memref<1x128xi32, #tpu.memory_space<vmem>>
        %dma_start3A_190 = tpu.memref_squeeze %dma_start3A_189 : memref<1x128xi32, #tpu.memory_space<vmem>> -> memref<128xi32, #tpu.memory_space<vmem>>
        %dma_start3A_191 = arith.constant 0 : i32
        %dma_start3A_192 = arith.constant 0 : i32
        %dma_start3A_193 = tpu.memref_slice %arg3[%dma_start3A_191, %dma_start3A_192] : memref<55000x64xf32, #tpu.memory_space<hbm>> -> memref<55000x64xf32, #tpu.memory_space<hbm>>
        tpu.enqueue_indirect_dma source(%dma_start3A_193 : memref<55000x64xf32, #tpu.memory_space<hbm>>) target(%dma_start3A_187 : memref<128x64xf32, #tpu.memory_space<vmem>>) offsets(%dma_start3A_190 : memref<128xi32, #tpu.memory_space<vmem>>) semaphore(%arg11 : memref<!tpu.dma_semaphore, #tpu.memory_space<semaphore_mem>>)
        %dma_start3A_194 = arith.constant 2 : i32
        %dma_start3A_195 = arith.constant 256 : i32
        %dma_start3A_196 = arith.constant 0 : i32
        %dma_start3A_197 = tpu.memref_slice %arg10[%dma_start3A_195, %dma_start3A_196] : memref<1024x64xf32, #tpu.memory_space<vmem>> -> memref<128x64xf32, #tpu.memory_space<vmem>>
        %dma_start3A_198 = arith.constant 0 : i32
        %dma_start3A_199 = tpu.memref_slice %arg9[%dma_start3A_194, %dma_start3A_198] : memref<8x128xi32, #tpu.memory_space<vmem>> -> memref<1x128xi32, #tpu.memory_space<vmem>>
        %dma_start3A_200 = tpu.memref_squeeze %dma_start3A_199 : memref<1x128xi32, #tpu.memory_space<vmem>> -> memref<128xi32, #tpu.memory_space<vmem>>
        %dma_start3A_201 = arith.constant 0 : i32
        %dma_start3A_202 = arith.constant 0 : i32
        %dma_start3A_203 = tpu.memref_slice %arg3[%dma_start3A_201, %dma_start3A_202] : memref<55000x64xf32, #tpu.memory_space<hbm>> -> memref<55000x64xf32, #tpu.memory_space<hbm>>
        tpu.enqueue_indirect_dma source(%dma_start3A_203 : memref<55000x64xf32, #tpu.memory_space<hbm>>) target(%dma_start3A_197 : memref<128x64xf32, #tpu.memory_space<vmem>>) offsets(%dma_start3A_200 : memref<128xi32, #tpu.memory_space<vmem>>) semaphore(%arg11 : memref<!tpu.dma_semaphore, #tpu.memory_space<semaphore_mem>>)
        %dma_start3A_204 = arith.constant 3 : i32
        %dma_start3A_205 = arith.constant 384 : i32
        %dma_start3A_206 = arith.constant 0 : i32
        %dma_start3A_207 = tpu.memref_slice %arg10[%dma_start3A_205, %dma_start3A_206] : memref<1024x64xf32, #tpu.memory_space<vmem>> -> memref<128x64xf32, #tpu.memory_space<vmem>>
        %dma_start3A_208 = arith.constant 0 : i32
        %dma_start3A_209 = tpu.memref_slice %arg9[%dma_start3A_204, %dma_start3A_208] : memref<8x128xi32, #tpu.memory_space<vmem>> -> memref<1x128xi32, #tpu.memory_space<vmem>>
        %dma_start3A_210 = tpu.memref_squeeze %dma_start3A_209 : memref<1x128xi32, #tpu.memory_space<vmem>> -> memref<128xi32, #tpu.memory_space<vmem>>
        %dma_start3A_211 = arith.constant 0 : i32
        %dma_start3A_212 = arith.constant 0 : i32
        %dma_start3A_213 = tpu.memref_slice %arg3[%dma_start3A_211, %dma_start3A_212] : memref<55000x64xf32, #tpu.memory_space<hbm>> -> memref<55000x64xf32, #tpu.memory_space<hbm>>
        tpu.enqueue_indirect_dma source(%dma_start3A_213 : memref<55000x64xf32, #tpu.memory_space<hbm>>) target(%dma_start3A_207 : memref<128x64xf32, #tpu.memory_space<vmem>>) offsets(%dma_start3A_210 : memref<128xi32, #tpu.memory_space<vmem>>) semaphore(%arg11 : memref<!tpu.dma_semaphore, #tpu.memory_space<semaphore_mem>>)
        %dma_start3A_214 = arith.constant 4 : i32
        %dma_start3A_215 = arith.constant 512 : i32
        %dma_start3A_216 = arith.constant 0 : i32
        %dma_start3A_217 = tpu.memref_slice %arg10[%dma_start3A_215, %dma_start3A_216] : memref<1024x64xf32, #tpu.memory_space<vmem>> -> memref<128x64xf32, #tpu.memory_space<vmem>>
        %dma_start3A_218 = arith.constant 0 : i32
        %dma_start3A_219 = tpu.memref_slice %arg9[%dma_start3A_214, %dma_start3A_218] : memref<8x128xi32, #tpu.memory_space<vmem>> -> memref<1x128xi32, #tpu.memory_space<vmem>>
        %dma_start3A_220 = tpu.memref_squeeze %dma_start3A_219 : memref<1x128xi32, #tpu.memory_space<vmem>> -> memref<128xi32, #tpu.memory_space<vmem>>
        %dma_start3A_221 = arith.constant 0 : i32
        %dma_start3A_222 = arith.constant 0 : i32
        %dma_start3A_223 = tpu.memref_slice %arg3[%dma_start3A_221, %dma_start3A_222] : memref<55000x64xf32, #tpu.memory_space<hbm>> -> memref<55000x64xf32, #tpu.memory_space<hbm>>
        tpu.enqueue_indirect_dma source(%dma_start3A_223 : memref<55000x64xf32, #tpu.memory_space<hbm>>) target(%dma_start3A_217 : memref<128x64xf32, #tpu.memory_space<vmem>>) offsets(%dma_start3A_220 : memref<128xi32, #tpu.memory_space<vmem>>) semaphore(%arg11 : memref<!tpu.dma_semaphore, #tpu.memory_space<semaphore_mem>>)
        %dma_start3A_224 = arith.constant 5 : i32
        %dma_start3A_225 = arith.constant 640 : i32
        %dma_start3A_226 = arith.constant 0 : i32
        %dma_start3A_227 = tpu.memref_slice %arg10[%dma_start3A_225, %dma_start3A_226] : memref<1024x64xf32, #tpu.memory_space<vmem>> -> memref<128x64xf32, #tpu.memory_space<vmem>>
        %dma_start3A_228 = arith.constant 0 : i32
        %dma_start3A_229 = tpu.memref_slice %arg9[%dma_start3A_224, %dma_start3A_228] : memref<8x128xi32, #tpu.memory_space<vmem>> -> memref<1x128xi32, #tpu.memory_space<vmem>>
        %dma_start3A_230 = tpu.memref_squeeze %dma_start3A_229 : memref<1x128xi32, #tpu.memory_space<vmem>> -> memref<128xi32, #tpu.memory_space<vmem>>
        %dma_start3A_231 = arith.constant 0 : i32
        %dma_start3A_232 = arith.constant 0 : i32
        %dma_start3A_233 = tpu.memref_slice %arg3[%dma_start3A_231, %dma_start3A_232] : memref<55000x64xf32, #tpu.memory_space<hbm>> -> memref<55000x64xf32, #tpu.memory_space<hbm>>
        tpu.enqueue_indirect_dma source(%dma_start3A_233 : memref<55000x64xf32, #tpu.memory_space<hbm>>) target(%dma_start3A_227 : memref<128x64xf32, #tpu.memory_space<vmem>>) offsets(%dma_start3A_230 : memref<128xi32, #tpu.memory_space<vmem>>) semaphore(%arg11 : memref<!tpu.dma_semaphore, #tpu.memory_space<semaphore_mem>>)
        %dma_start3A_234 = arith.constant 6 : i32
        %dma_start3A_235 = arith.constant 768 : i32
        %dma_start3A_236 = arith.constant 0 : i32
        %dma_start3A_237 = tpu.memref_slice %arg10[%dma_start3A_235, %dma_start3A_236] : memref<1024x64xf32, #tpu.memory_space<vmem>> -> memref<128x64xf32, #tpu.memory_space<vmem>>
        %dma_start3A_238 = arith.constant 0 : i32
        %dma_start3A_239 = tpu.memref_slice %arg9[%dma_start3A_234, %dma_start3A_238] : memref<8x128xi32, #tpu.memory_space<vmem>> -> memref<1x128xi32, #tpu.memory_space<vmem>>
        %dma_start3A_240 = tpu.memref_squeeze %dma_start3A_239 : memref<1x128xi32, #tpu.memory_space<vmem>> -> memref<128xi32, #tpu.memory_space<vmem>>
        %dma_start3A_241 = arith.constant 0 : i32
        %dma_start3A_242 = arith.constant 0 : i32
        %dma_start3A_243 = tpu.memref_slice %arg3[%dma_start3A_241, %dma_start3A_242] : memref<55000x64xf32, #tpu.memory_space<hbm>> -> memref<55000x64xf32, #tpu.memory_space<hbm>>
        tpu.enqueue_indirect_dma source(%dma_start3A_243 : memref<55000x64xf32, #tpu.memory_space<hbm>>) target(%dma_start3A_237 : memref<128x64xf32, #tpu.memory_space<vmem>>) offsets(%dma_start3A_240 : memref<128xi32, #tpu.memory_space<vmem>>) semaphore(%arg11 : memref<!tpu.dma_semaphore, #tpu.memory_space<semaphore_mem>>)
        %dma_start3A_244 = arith.constant 7 : i32
        %dma_start3A_245 = arith.constant 896 : i32
        %dma_start3A_246 = arith.constant 0 : i32
        %dma_start3A_247 = tpu.memref_slice %arg10[%dma_start3A_245, %dma_start3A_246] : memref<1024x64xf32, #tpu.memory_space<vmem>> -> memref<128x64xf32, #tpu.memory_space<vmem>>
        %dma_start3A_248 = arith.constant 0 : i32
        %dma_start3A_249 = tpu.memref_slice %arg9[%dma_start3A_244, %dma_start3A_248] : memref<8x128xi32, #tpu.memory_space<vmem>> -> memref<1x128xi32, #tpu.memory_space<vmem>>
        %dma_start3A_250 = tpu.memref_squeeze %dma_start3A_249 : memref<1x128xi32, #tpu.memory_space<vmem>> -> memref<128xi32, #tpu.memory_space<vmem>>
        %dma_start3A_251 = arith.constant 0 : i32
        %dma_start3A_252 = arith.constant 0 : i32
        %dma_start3A_253 = tpu.memref_slice %arg3[%dma_start3A_251, %dma_start3A_252] : memref<55000x64xf32, #tpu.memory_space<hbm>> -> memref<55000x64xf32, #tpu.memory_space<hbm>>
        tpu.enqueue_indirect_dma source(%dma_start3A_253 : memref<55000x64xf32, #tpu.memory_space<hbm>>) target(%dma_start3A_247 : memref<128x64xf32, #tpu.memory_space<vmem>>) offsets(%dma_start3A_250 : memref<128xi32, #tpu.memory_space<vmem>>) semaphore(%arg11 : memref<!tpu.dma_semaphore, #tpu.memory_space<semaphore_mem>>)
        %dma_wait3A_254 = arith.constant 0 : i32
        %dma_wait3A_255 = arith.constant 0 : i32
        %dma_wait3A_256 = arith.constant 0 : i32
        %dma_wait3A_257 = tpu.memref_slice %arg10[%dma_wait3A_255, %dma_wait3A_256] : memref<1024x64xf32, #tpu.memory_space<vmem>> -> memref<128x64xf32, #tpu.memory_space<vmem>>
        %dma_wait3A_258 = arith.constant 0 : i32
        %dma_wait3A_259 = tpu.memref_slice %arg9[%dma_wait3A_254, %dma_wait3A_258] : memref<8x128xi32, #tpu.memory_space<vmem>> -> memref<1x128xi32, #tpu.memory_space<vmem>>
        %dma_wait3A_260 = tpu.memref_squeeze %dma_wait3A_259 : memref<1x128xi32, #tpu.memory_space<vmem>> -> memref<128xi32, #tpu.memory_space<vmem>>
        %dma_wait3A_261 = arith.constant 0 : i32
        %dma_wait3A_262 = arith.constant 0 : i32
        %dma_wait3A_263 = tpu.memref_slice %arg3[%dma_wait3A_261, %dma_wait3A_262] : memref<55000x64xf32, #tpu.memory_space<hbm>> -> memref<55000x64xf32, #tpu.memory_space<hbm>>
        tpu.wait_indirect_dma semaphore(%arg11 : memref<!tpu.dma_semaphore, #tpu.memory_space<semaphore_mem>>) src(%dma_wait3A_263 : memref<55000x64xf32, #tpu.memory_space<hbm>>) dst(%dma_wait3A_257 : memref<128x64xf32, #tpu.memory_space<vmem>>)
        %dma_wait3A_264 = arith.constant 1 : i32
        %dma_wait3A_265 = arith.constant 128 : i32
        %dma_wait3A_266 = arith.constant 0 : i32
        %dma_wait3A_267 = tpu.memref_slice %arg10[%dma_wait3A_265, %dma_wait3A_266] : memref<1024x64xf32, #tpu.memory_space<vmem>> -> memref<128x64xf32, #tpu.memory_space<vmem>>
        %dma_wait3A_268 = arith.constant 0 : i32
        %dma_wait3A_269 = tpu.memref_slice %arg9[%dma_wait3A_264, %dma_wait3A_268] : memref<8x128xi32, #tpu.memory_space<vmem>> -> memref<1x128xi32, #tpu.memory_space<vmem>>
        %dma_wait3A_270 = tpu.memref_squeeze %dma_wait3A_269 : memref<1x128xi32, #tpu.memory_space<vmem>> -> memref<128xi32, #tpu.memory_space<vmem>>
        %dma_wait3A_271 = arith.constant 0 : i32
        %dma_wait3A_272 = arith.constant 0 : i32
        %dma_wait3A_273 = tpu.memref_slice %arg3[%dma_wait3A_271, %dma_wait3A_272] : memref<55000x64xf32, #tpu.memory_space<hbm>> -> memref<55000x64xf32, #tpu.memory_space<hbm>>
        tpu.wait_indirect_dma semaphore(%arg11 : memref<!tpu.dma_semaphore, #tpu.memory_space<semaphore_mem>>) src(%dma_wait3A_273 : memref<55000x64xf32, #tpu.memory_space<hbm>>) dst(%dma_wait3A_267 : memref<128x64xf32, #tpu.memory_space<vmem>>)
        %dma_wait3A_274 = arith.constant 2 : i32
        %dma_wait3A_275 = arith.constant 256 : i32
        %dma_wait3A_276 = arith.constant 0 : i32
        %dma_wait3A_277 = tpu.memref_slice %arg10[%dma_wait3A_275, %dma_wait3A_276] : memref<1024x64xf32, #tpu.memory_space<vmem>> -> memref<128x64xf32, #tpu.memory_space<vmem>>
        %dma_wait3A_278 = arith.constant 0 : i32
        %dma_wait3A_279 = tpu.memref_slice %arg9[%dma_wait3A_274, %dma_wait3A_278] : memref<8x128xi32, #tpu.memory_space<vmem>> -> memref<1x128xi32, #tpu.memory_space<vmem>>
        %dma_wait3A_280 = tpu.memref_squeeze %dma_wait3A_279 : memref<1x128xi32, #tpu.memory_space<vmem>> -> memref<128xi32, #tpu.memory_space<vmem>>
        %dma_wait3A_281 = arith.constant 0 : i32
        %dma_wait3A_282 = arith.constant 0 : i32
        %dma_wait3A_283 = tpu.memref_slice %arg3[%dma_wait3A_281, %dma_wait3A_282] : memref<55000x64xf32, #tpu.memory_space<hbm>> -> memref<55000x64xf32, #tpu.memory_space<hbm>>
        tpu.wait_indirect_dma semaphore(%arg11 : memref<!tpu.dma_semaphore, #tpu.memory_space<semaphore_mem>>) src(%dma_wait3A_283 : memref<55000x64xf32, #tpu.memory_space<hbm>>) dst(%dma_wait3A_277 : memref<128x64xf32, #tpu.memory_space<vmem>>)
        %dma_wait3A_284 = arith.constant 3 : i32
        %dma_wait3A_285 = arith.constant 384 : i32
        %dma_wait3A_286 = arith.constant 0 : i32
        %dma_wait3A_287 = tpu.memref_slice %arg10[%dma_wait3A_285, %dma_wait3A_286] : memref<1024x64xf32, #tpu.memory_space<vmem>> -> memref<128x64xf32, #tpu.memory_space<vmem>>
        %dma_wait3A_288 = arith.constant 0 : i32
        %dma_wait3A_289 = tpu.memref_slice %arg9[%dma_wait3A_284, %dma_wait3A_288] : memref<8x128xi32, #tpu.memory_space<vmem>> -> memref<1x128xi32, #tpu.memory_space<vmem>>
        %dma_wait3A_290 = tpu.memref_squeeze %dma_wait3A_289 : memref<1x128xi32, #tpu.memory_space<vmem>> -> memref<128xi32, #tpu.memory_space<vmem>>
        %dma_wait3A_291 = arith.constant 0 : i32
        %dma_wait3A_292 = arith.constant 0 : i32
        %dma_wait3A_293 = tpu.memref_slice %arg3[%dma_wait3A_291, %dma_wait3A_292] : memref<55000x64xf32, #tpu.memory_space<hbm>> -> memref<55000x64xf32, #tpu.memory_space<hbm>>
        tpu.wait_indirect_dma semaphore(%arg11 : memref<!tpu.dma_semaphore, #tpu.memory_space<semaphore_mem>>) src(%dma_wait3A_293 : memref<55000x64xf32, #tpu.memory_space<hbm>>) dst(%dma_wait3A_287 : memref<128x64xf32, #tpu.memory_space<vmem>>)
        %dma_wait3A_294 = arith.constant 4 : i32
        %dma_wait3A_295 = arith.constant 512 : i32
        %dma_wait3A_296 = arith.constant 0 : i32
        %dma_wait3A_297 = tpu.memref_slice %arg10[%dma_wait3A_295, %dma_wait3A_296] : memref<1024x64xf32, #tpu.memory_space<vmem>> -> memref<128x64xf32, #tpu.memory_space<vmem>>
        %dma_wait3A_298 = arith.constant 0 : i32
        %dma_wait3A_299 = tpu.memref_slice %arg9[%dma_wait3A_294, %dma_wait3A_298] : memref<8x128xi32, #tpu.memory_space<vmem>> -> memref<1x128xi32, #tpu.memory_space<vmem>>
        %dma_wait3A_300 = tpu.memref_squeeze %dma_wait3A_299 : memref<1x128xi32, #tpu.memory_space<vmem>> -> memref<128xi32, #tpu.memory_space<vmem>>
        %dma_wait3A_301 = arith.constant 0 : i32
        %dma_wait3A_302 = arith.constant 0 : i32
        %dma_wait3A_303 = tpu.memref_slice %arg3[%dma_wait3A_301, %dma_wait3A_302] : memref<55000x64xf32, #tpu.memory_space<hbm>> -> memref<55000x64xf32, #tpu.memory_space<hbm>>
        tpu.wait_indirect_dma semaphore(%arg11 : memref<!tpu.dma_semaphore, #tpu.memory_space<semaphore_mem>>) src(%dma_wait3A_303 : memref<55000x64xf32, #tpu.memory_space<hbm>>) dst(%dma_wait3A_297 : memref<128x64xf32, #tpu.memory_space<vmem>>)
        %dma_wait3A_304 = arith.constant 5 : i32
        %dma_wait3A_305 = arith.constant 640 : i32
        %dma_wait3A_306 = arith.constant 0 : i32
        %dma_wait3A_307 = tpu.memref_slice %arg10[%dma_wait3A_305, %dma_wait3A_306] : memref<1024x64xf32, #tpu.memory_space<vmem>> -> memref<128x64xf32, #tpu.memory_space<vmem>>
        %dma_wait3A_308 = arith.constant 0 : i32
        %dma_wait3A_309 = tpu.memref_slice %arg9[%dma_wait3A_304, %dma_wait3A_308] : memref<8x128xi32, #tpu.memory_space<vmem>> -> memref<1x128xi32, #tpu.memory_space<vmem>>
        %dma_wait3A_310 = tpu.memref_squeeze %dma_wait3A_309 : memref<1x128xi32, #tpu.memory_space<vmem>> -> memref<128xi32, #tpu.memory_space<vmem>>
        %dma_wait3A_311 = arith.constant 0 : i32
        %dma_wait3A_312 = arith.constant 0 : i32
        %dma_wait3A_313 = tpu.memref_slice %arg3[%dma_wait3A_311, %dma_wait3A_312] : memref<55000x64xf32, #tpu.memory_space<hbm>> -> memref<55000x64xf32, #tpu.memory_space<hbm>>
        tpu.wait_indirect_dma semaphore(%arg11 : memref<!tpu.dma_semaphore, #tpu.memory_space<semaphore_mem>>) src(%dma_wait3A_313 : memref<55000x64xf32, #tpu.memory_space<hbm>>) dst(%dma_wait3A_307 : memref<128x64xf32, #tpu.memory_space<vmem>>)
        %dma_wait3A_314 = arith.constant 6 : i32
        %dma_wait3A_315 = arith.constant 768 : i32
        %dma_wait3A_316 = arith.constant 0 : i32
        %dma_wait3A_317 = tpu.memref_slice %arg10[%dma_wait3A_315, %dma_wait3A_316] : memref<1024x64xf32, #tpu.memory_space<vmem>> -> memref<128x64xf32, #tpu.memory_space<vmem>>
        %dma_wait3A_318 = arith.constant 0 : i32
        %dma_wait3A_319 = tpu.memref_slice %arg9[%dma_wait3A_314, %dma_wait3A_318] : memref<8x128xi32, #tpu.memory_space<vmem>> -> memref<1x128xi32, #tpu.memory_space<vmem>>
        %dma_wait3A_320 = tpu.memref_squeeze %dma_wait3A_319 : memref<1x128xi32, #tpu.memory_space<vmem>> -> memref<128xi32, #tpu.memory_space<vmem>>
        %dma_wait3A_321 = arith.constant 0 : i32
        %dma_wait3A_322 = arith.constant 0 : i32
        %dma_wait3A_323 = tpu.memref_slice %arg3[%dma_wait3A_321, %dma_wait3A_322] : memref<55000x64xf32, #tpu.memory_space<hbm>> -> memref<55000x64xf32, #tpu.memory_space<hbm>>
        tpu.wait_indirect_dma semaphore(%arg11 : memref<!tpu.dma_semaphore, #tpu.memory_space<semaphore_mem>>) src(%dma_wait3A_323 : memref<55000x64xf32, #tpu.memory_space<hbm>>) dst(%dma_wait3A_317 : memref<128x64xf32, #tpu.memory_space<vmem>>)
        %dma_wait3A_324 = arith.constant 7 : i32
        %dma_wait3A_325 = arith.constant 896 : i32
        %dma_wait3A_326 = arith.constant 0 : i32
        %dma_wait3A_327 = tpu.memref_slice %arg10[%dma_wait3A_325, %dma_wait3A_326] : memref<1024x64xf32, #tpu.memory_space<vmem>> -> memref<128x64xf32, #tpu.memory_space<vmem>>
        %dma_wait3A_328 = arith.constant 0 : i32
        %dma_wait3A_329 = tpu.memref_slice %arg9[%dma_wait3A_324, %dma_wait3A_328] : memref<8x128xi32, #tpu.memory_space<vmem>> -> memref<1x128xi32, #tpu.memory_space<vmem>>
        %dma_wait3A_330 = tpu.memref_squeeze %dma_wait3A_329 : memref<1x128xi32, #tpu.memory_space<vmem>> -> memref<128xi32, #tpu.memory_space<vmem>>
        %dma_wait3A_331 = arith.constant 0 : i32
        %dma_wait3A_332 = arith.constant 0 : i32
        %dma_wait3A_333 = tpu.memref_slice %arg3[%dma_wait3A_331, %dma_wait3A_332] : memref<55000x64xf32, #tpu.memory_space<hbm>> -> memref<55000x64xf32, #tpu.memory_space<hbm>>
        tpu.wait_indirect_dma semaphore(%arg11 : memref<!tpu.dma_semaphore, #tpu.memory_space<semaphore_mem>>) src(%dma_wait3A_333 : memref<55000x64xf32, #tpu.memory_space<hbm>>) dst(%dma_wait3A_327 : memref<128x64xf32, #tpu.memory_space<vmem>>)
        %mul3A_334 = arith.constant 1024 : i32
        %mul3A_335 = arith.muli %add3A_9, %mul3A_334 : i32
        "tpu.region"() ({
          %run_scoped3A = tpu.sem_alloc : memref<!tpu.dma_semaphore, #tpu.memory_space<semaphore_mem>>
          %dma_start3A_336 = arith.constant 0 : i32
          %dma_start3A_337 = tpu.memref_slice %arg7[%mul3A_335, %dma_start3A_336] : memref<806912x64xf32, #tpu.memory_space<hbm>> -> memref<1024x64xf32, #tpu.memory_space<hbm>>
          %dma_start3A_338 = arith.constant 0 : i32
          %dma_start3A_339 = tpu.memref_slice %arg7[%mul3A_335, %dma_start3A_338] : memref<806912x64xf32, #tpu.memory_space<hbm>> -> memref<1024x64xf32, #tpu.memory_space<hbm>>
          tpu.enqueue_dma source(%arg10 : memref<1024x64xf32, #tpu.memory_space<vmem>>) target(%dma_start3A_339 : memref<1024x64xf32, #tpu.memory_space<hbm>>) target_semaphore(%run_scoped3A : memref<!tpu.dma_semaphore, #tpu.memory_space<semaphore_mem>>)
          %dma_wait3A_340 = arith.constant 0 : i32
          %dma_wait3A_341 = tpu.memref_slice %arg7[%mul3A_335, %dma_wait3A_340] : memref<806912x64xf32, #tpu.memory_space<hbm>> -> memref<1024x64xf32, #tpu.memory_space<hbm>>
          %dma_wait3A_342 = arith.constant 0 : i32
          %dma_wait3A_343 = tpu.memref_slice %arg7[%mul3A_335, %dma_wait3A_342] : memref<806912x64xf32, #tpu.memory_space<hbm>> -> memref<1024x64xf32, #tpu.memory_space<hbm>>
          tpu.wait_dma2 semaphore(%run_scoped3A : memref<!tpu.dma_semaphore, #tpu.memory_space<semaphore_mem>>) src(%arg10 : memref<1024x64xf32, #tpu.memory_space<vmem>>) dst(%dma_wait3A_343 : memref<1024x64xf32, #tpu.memory_space<hbm>>)
          tpu.yield
        }) : () -> ()
      } else {
      }
    }
    %scan3A_5 = arith.constant 25 : i32
    return
  }
}

#map = affine_map<(d0, d1) -> (0, 0)>
module attributes {stable_mosaic.version = 14 : i64} {
  func.func @k(%arg0: i32, %arg1: i32, %arg2: memref<806912x72xf32, #tpu.memory_space<hbm>>, %arg3: memref<6304x128xi32, #tpu.memory_space<hbm>>, %arg4: memref<128x72xf32, #tpu.memory_space<hbm>>, %arg5: memref<55000x72xf32, #tpu.memory_space<hbm>>, %arg6: memref<1x128xi32, #tpu.memory_space<vmem>>, %arg7: memref<1x128xi32, #tpu.memory_space<vmem>>, %arg8: memref<128x72xf32, #tpu.memory_space<vmem>>, %arg9: memref<25088x72xf32, #tpu.memory_space<vmem_shared>>, %arg10: memref<!tpu.dma_semaphore, #tpu.memory_space<semaphore_mem>>) attributes {dimension_semantics = [#tpu.dimension_semantics<core_parallel>, #tpu.dimension_semantics<subcore_parallel>], iteration_bounds = array<i64: 2, 16>, scalar_prefetch = 0 : i64, scratch_operands = 5 : i64, tpu.core_type = #tpu.core_type<sc_vector_subcore>, window_params = [{transform_indices = #map}, {transform_indices = #map}, {transform_indices = #map}, {transform_indices = #map}]} {
    %mul3A = arith.constant 1 : i32
    %mul3A_0 = arith.muli %arg0, %mul3A : i32
    %add3A = arith.constant 0 : i32
    %add3A_1 = arith.addi %mul3A_0, %add3A : i32
    %mul3A_2 = arith.constant 25000 : i32
    %mul3A_3 = arith.muli %add3A_1, %mul3A_2 : i32
    "tpu.region"() ({
      %run_scoped3A = tpu.sem_alloc : memref<!tpu.dma_semaphore, #tpu.memory_space<semaphore_mem>>
      tpu.enqueue_dma source(%arg4 : memref<128x72xf32, #tpu.memory_space<hbm>>) target(%arg8 : memref<128x72xf32, #tpu.memory_space<vmem>>) target_semaphore(%run_scoped3A : memref<!tpu.dma_semaphore, #tpu.memory_space<semaphore_mem>>)
      tpu.wait_dma2 semaphore(%run_scoped3A : memref<!tpu.dma_semaphore, #tpu.memory_space<semaphore_mem>>) src(%arg4 : memref<128x72xf32, #tpu.memory_space<hbm>>) dst(%arg8 : memref<128x72xf32, #tpu.memory_space<vmem>>)
      tpu.yield
    }) : () -> ()
    %scan3A = arith.constant 0 : i32
    %scan3A_4 = arith.constant 0 : i32
    %scan3A_5 = arith.constant 13 : i32
    %scan3A_6 = arith.addi %scan3A_4, %scan3A_5 : i32
    %scan3A_7 = arith.constant 1 : i32
    scf.for %scan3A_24 = %scan3A_4 to %scan3A_6 step %scan3A_7  : i32 {
      %mul3A_25 = arith.constant 16 : i32
      %mul3A_26 = arith.muli %scan3A_24, %mul3A_25 : i32
      %add3A_27 = arith.addi %mul3A_26, %arg1 : i32
      %lt3A = arith.constant 196 : i32
      %lt3A_28 = arith.cmpi slt, %add3A_27, %lt3A : i32
      %convert_element_type3A_29 = arith.extui %lt3A_28 : i1 to i32
      %cond3A_30 = arith.constant 0 : i32
      %cond3A_31 = arith.cmpi ne, %convert_element_type3A_29, %cond3A_30 : i32
      scf.if %cond3A_31 {
        %mul3A_32 = arith.constant 128 : i32
        %mul3A_33 = arith.muli %add3A_27, %mul3A_32 : i32
        "tpu.region"() ({
          %run_scoped3A = tpu.sem_alloc : memref<!tpu.dma_semaphore, #tpu.memory_space<semaphore_mem>>
          %dma_start3A = arith.constant 0 : i32
          %dma_start3A_34 = tpu.memref_slice %arg9[%mul3A_33, %dma_start3A] : memref<25088x72xf32, #tpu.memory_space<vmem_shared>> -> memref<128x72xf32, #tpu.memory_space<vmem_shared>>
          %dma_start3A_35 = arith.constant 0 : i32
          %dma_start3A_36 = tpu.memref_slice %arg9[%mul3A_33, %dma_start3A_35] : memref<25088x72xf32, #tpu.memory_space<vmem_shared>> -> memref<128x72xf32, #tpu.memory_space<vmem_shared>>
          tpu.enqueue_dma source(%arg8 : memref<128x72xf32, #tpu.memory_space<vmem>>) target(%dma_start3A_36 : memref<128x72xf32, #tpu.memory_space<vmem_shared>>) target_semaphore(%run_scoped3A : memref<!tpu.dma_semaphore, #tpu.memory_space<semaphore_mem>>)
          %dma_wait3A = arith.constant 0 : i32
          %dma_wait3A_37 = tpu.memref_slice %arg9[%mul3A_33, %dma_wait3A] : memref<25088x72xf32, #tpu.memory_space<vmem_shared>> -> memref<128x72xf32, #tpu.memory_space<vmem_shared>>
          %dma_wait3A_38 = arith.constant 0 : i32
          %dma_wait3A_39 = tpu.memref_slice %arg9[%mul3A_33, %dma_wait3A_38] : memref<25088x72xf32, #tpu.memory_space<vmem_shared>> -> memref<128x72xf32, #tpu.memory_space<vmem_shared>>
          tpu.wait_dma2 semaphore(%run_scoped3A : memref<!tpu.dma_semaphore, #tpu.memory_space<semaphore_mem>>) src(%arg8 : memref<128x72xf32, #tpu.memory_space<vmem>>) dst(%dma_wait3A_39 : memref<128x72xf32, #tpu.memory_space<vmem_shared>>)
          tpu.yield
        }) : () -> ()
      } else {
      }
    }
    %scan3A_8 = arith.constant 13 : i32
    %barrier3A = arith.constant 0 : index
    tpu.barrier barrier_id(%barrier3A)
    %scan3A_9 = arith.constant 0 : i32
    %scan3A_10 = arith.constant 0 : i32
    %scan3A_11 = arith.constant 394 : i32
    %scan3A_12 = arith.addi %scan3A_10, %scan3A_11 : i32
    %scan3A_13 = arith.constant 1 : i32
    scf.for %scan3A_24 = %scan3A_10 to %scan3A_12 step %scan3A_13  : i32 {
      %mul3A_25 = arith.constant 16 : i32
      %mul3A_26 = arith.muli %scan3A_24, %mul3A_25 : i32
      %add3A_27 = arith.addi %mul3A_26, %arg1 : i32
      %lt3A = arith.constant 6304 : i32
      %lt3A_28 = arith.cmpi slt, %add3A_27, %lt3A : i32
      %convert_element_type3A_29 = arith.extui %lt3A_28 : i1 to i32
      %cond3A_30 = arith.constant 0 : i32
      %cond3A_31 = arith.cmpi ne, %convert_element_type3A_29, %cond3A_30 : i32
      scf.if %cond3A_31 {
        "tpu.region"() ({
          %run_scoped3A_210 = tpu.sem_alloc : memref<!tpu.dma_semaphore, #tpu.memory_space<semaphore_mem>>
          %dma_start3A = arith.constant 0 : i32
          %dma_start3A_211 = tpu.memref_slice %arg3[%add3A_27, %dma_start3A] : memref<6304x128xi32, #tpu.memory_space<hbm>> -> memref<1x128xi32, #tpu.memory_space<hbm>>
          %dma_start3A_212 = arith.constant 0 : i32
          %dma_start3A_213 = tpu.memref_slice %arg3[%add3A_27, %dma_start3A_212] : memref<6304x128xi32, #tpu.memory_space<hbm>> -> memref<1x128xi32, #tpu.memory_space<hbm>>
          tpu.enqueue_dma source(%dma_start3A_213 : memref<1x128xi32, #tpu.memory_space<hbm>>) target(%arg6 : memref<1x128xi32, #tpu.memory_space<vmem>>) target_semaphore(%run_scoped3A_210 : memref<!tpu.dma_semaphore, #tpu.memory_space<semaphore_mem>>)
          %dma_wait3A = arith.constant 0 : i32
          %dma_wait3A_214 = tpu.memref_slice %arg3[%add3A_27, %dma_wait3A] : memref<6304x128xi32, #tpu.memory_space<hbm>> -> memref<1x128xi32, #tpu.memory_space<hbm>>
          %dma_wait3A_215 = arith.constant 0 : i32
          %dma_wait3A_216 = tpu.memref_slice %arg3[%add3A_27, %dma_wait3A_215] : memref<6304x128xi32, #tpu.memory_space<hbm>> -> memref<1x128xi32, #tpu.memory_space<hbm>>
          tpu.wait_dma2 semaphore(%run_scoped3A_210 : memref<!tpu.dma_semaphore, #tpu.memory_space<semaphore_mem>>) src(%dma_wait3A_216 : memref<1x128xi32, #tpu.memory_space<hbm>>) dst(%arg6 : memref<1x128xi32, #tpu.memory_space<vmem>>)
          tpu.yield
        }) : () -> ()
        %mul3A_32 = arith.constant 128 : i32
        %mul3A_33 = arith.muli %add3A_27, %mul3A_32 : i32
        "tpu.region"() ({
          %run_scoped3A_210 = tpu.sem_alloc : memref<!tpu.dma_semaphore, #tpu.memory_space<semaphore_mem>>
          %dma_start3A = arith.constant 0 : i32
          %dma_start3A_211 = tpu.memref_slice %arg2[%mul3A_33, %dma_start3A] : memref<806912x72xf32, #tpu.memory_space<hbm>> -> memref<128x72xf32, #tpu.memory_space<hbm>>
          %dma_start3A_212 = arith.constant 0 : i32
          %dma_start3A_213 = tpu.memref_slice %arg2[%mul3A_33, %dma_start3A_212] : memref<806912x72xf32, #tpu.memory_space<hbm>> -> memref<128x72xf32, #tpu.memory_space<hbm>>
          tpu.enqueue_dma source(%dma_start3A_213 : memref<128x72xf32, #tpu.memory_space<hbm>>) target(%arg8 : memref<128x72xf32, #tpu.memory_space<vmem>>) target_semaphore(%run_scoped3A_210 : memref<!tpu.dma_semaphore, #tpu.memory_space<semaphore_mem>>)
          %dma_wait3A = arith.constant 0 : i32
          %dma_wait3A_214 = tpu.memref_slice %arg2[%mul3A_33, %dma_wait3A] : memref<806912x72xf32, #tpu.memory_space<hbm>> -> memref<128x72xf32, #tpu.memory_space<hbm>>
          %dma_wait3A_215 = arith.constant 0 : i32
          %dma_wait3A_216 = tpu.memref_slice %arg2[%mul3A_33, %dma_wait3A_215] : memref<806912x72xf32, #tpu.memory_space<hbm>> -> memref<128x72xf32, #tpu.memory_space<hbm>>
          tpu.wait_dma2 semaphore(%run_scoped3A_210 : memref<!tpu.dma_semaphore, #tpu.memory_space<semaphore_mem>>) src(%dma_wait3A_216 : memref<128x72xf32, #tpu.memory_space<hbm>>) dst(%arg8 : memref<128x72xf32, #tpu.memory_space<vmem>>)
          tpu.yield
        }) : () -> ()
        %get3A = arith.constant 0 : i32
        %get3A_34 = arith.index_cast %get3A : i32 to index
        %get3A_35 = arith.constant 0 : index
        %get3A_36 = tpu.vector_load %arg6[%get3A_34, %get3A_35] {strides = array<i32>} : memref<1x128xi32, #tpu.memory_space<vmem>>, vector<1x16xi32>,
        %get3A_37 = vector.shape_cast %get3A_36 : vector<1x16xi32> to vector<16xi32>
        %sub3A = vector.broadcast %mul3A_3 : i32 to vector<16xi32>
        %sub3A_38 = arith.subi %get3A_37, %sub3A : vector<16xi32>
        %ge3A = arith.constant 0 : i32
        %ge3A_39 = vector.broadcast %ge3A : i32 to vector<16xi32>
        %ge3A_40 = arith.cmpi sge, %sub3A_38, %ge3A_39 : vector<16xi32>
        %lt3A_41 = arith.constant 25000 : i32
        %lt3A_42 = vector.broadcast %lt3A_41 : i32 to vector<16xi32>
        %lt3A_43 = arith.cmpi slt, %sub3A_38, %lt3A_42 : vector<16xi32>
        %and3A = arith.andi %ge3A_40, %lt3A_43 : vector<16xi1>
        %jit3A = arith.constant 25000 : i32
        %broadcast_in_dim3A = vector.broadcast %jit3A : i32 to vector<16xi32>
        %select_n3A = arith.select %and3A, %sub3A_38, %broadcast_in_dim3A : vector<16xi1>, vector<16xi32>
        %swap3A = arith.constant 0 : i32
        %swap3A_44 = arith.index_cast %swap3A : i32 to index
        %swap3A_45 = arith.constant 0 : index
        %swap3A_46 = tpu.vector_load %arg7[%swap3A_44, %swap3A_45] {strides = array<i32>} : memref<1x128xi32, #tpu.memory_space<vmem>>, vector<1x16xi32>,
        %swap3A_47 = vector.shape_cast %swap3A_46 : vector<1x16xi32> to vector<16xi32>
        %swap3A_48 = vector.shape_cast %select_n3A : vector<16xi32> to vector<1x16xi32>
        tpu.vector_store %arg7[%swap3A_44, %swap3A_45], %swap3A_48 {strides = array<i32>} : memref<1x128xi32, #tpu.memory_space<vmem>>, vector<1x16xi32>,
        %get3A_49 = arith.constant 0 : i32
        %get3A_50 = arith.index_cast %get3A_49 : i32 to index
        %get3A_51 = arith.constant 16 : index
        %get3A_52 = tpu.vector_load %arg6[%get3A_50, %get3A_51] {strides = array<i32>} : memref<1x128xi32, #tpu.memory_space<vmem>>, vector<1x16xi32>,
        %get3A_53 = vector.shape_cast %get3A_52 : vector<1x16xi32> to vector<16xi32>
        %sub3A_54 = vector.broadcast %mul3A_3 : i32 to vector<16xi32>
        %sub3A_55 = arith.subi %get3A_53, %sub3A_54 : vector<16xi32>
        %ge3A_56 = arith.constant 0 : i32
        %ge3A_57 = vector.broadcast %ge3A_56 : i32 to vector<16xi32>
        %ge3A_58 = arith.cmpi sge, %sub3A_55, %ge3A_57 : vector<16xi32>
        %lt3A_59 = arith.constant 25000 : i32
        %lt3A_60 = vector.broadcast %lt3A_59 : i32 to vector<16xi32>
        %lt3A_61 = arith.cmpi slt, %sub3A_55, %lt3A_60 : vector<16xi32>
        %and3A_62 = arith.andi %ge3A_58, %lt3A_61 : vector<16xi1>
        %jit3A_63 = arith.constant 25000 : i32
        %broadcast_in_dim3A_64 = vector.broadcast %jit3A_63 : i32 to vector<16xi32>
        %select_n3A_65 = arith.select %and3A_62, %sub3A_55, %broadcast_in_dim3A_64 : vector<16xi1>, vector<16xi32>
        %swap3A_66 = arith.constant 0 : i32
        %swap3A_67 = arith.index_cast %swap3A_66 : i32 to index
        %swap3A_68 = arith.constant 16 : index
        %swap3A_69 = tpu.vector_load %arg7[%swap3A_67, %swap3A_68] {strides = array<i32>} : memref<1x128xi32, #tpu.memory_space<vmem>>, vector<1x16xi32>,
        %swap3A_70 = vector.shape_cast %swap3A_69 : vector<1x16xi32> to vector<16xi32>
        %swap3A_71 = vector.shape_cast %select_n3A_65 : vector<16xi32> to vector<1x16xi32>
        tpu.vector_store %arg7[%swap3A_67, %swap3A_68], %swap3A_71 {strides = array<i32>} : memref<1x128xi32, #tpu.memory_space<vmem>>, vector<1x16xi32>,
        %get3A_72 = arith.constant 0 : i32
        %get3A_73 = arith.index_cast %get3A_72 : i32 to index
        %get3A_74 = arith.constant 32 : index
        %get3A_75 = tpu.vector_load %arg6[%get3A_73, %get3A_74] {strides = array<i32>} : memref<1x128xi32, #tpu.memory_space<vmem>>, vector<1x16xi32>,
        %get3A_76 = vector.shape_cast %get3A_75 : vector<1x16xi32> to vector<16xi32>
        %sub3A_77 = vector.broadcast %mul3A_3 : i32 to vector<16xi32>
        %sub3A_78 = arith.subi %get3A_76, %sub3A_77 : vector<16xi32>
        %ge3A_79 = arith.constant 0 : i32
        %ge3A_80 = vector.broadcast %ge3A_79 : i32 to vector<16xi32>
        %ge3A_81 = arith.cmpi sge, %sub3A_78, %ge3A_80 : vector<16xi32>
        %lt3A_82 = arith.constant 25000 : i32
        %lt3A_83 = vector.broadcast %lt3A_82 : i32 to vector<16xi32>
        %lt3A_84 = arith.cmpi slt, %sub3A_78, %lt3A_83 : vector<16xi32>
        %and3A_85 = arith.andi %ge3A_81, %lt3A_84 : vector<16xi1>
        %jit3A_86 = arith.constant 25000 : i32
        %broadcast_in_dim3A_87 = vector.broadcast %jit3A_86 : i32 to vector<16xi32>
        %select_n3A_88 = arith.select %and3A_85, %sub3A_78, %broadcast_in_dim3A_87 : vector<16xi1>, vector<16xi32>
        %swap3A_89 = arith.constant 0 : i32
        %swap3A_90 = arith.index_cast %swap3A_89 : i32 to index
        %swap3A_91 = arith.constant 32 : index
        %swap3A_92 = tpu.vector_load %arg7[%swap3A_90, %swap3A_91] {strides = array<i32>} : memref<1x128xi32, #tpu.memory_space<vmem>>, vector<1x16xi32>,
        %swap3A_93 = vector.shape_cast %swap3A_92 : vector<1x16xi32> to vector<16xi32>
        %swap3A_94 = vector.shape_cast %select_n3A_88 : vector<16xi32> to vector<1x16xi32>
        tpu.vector_store %arg7[%swap3A_90, %swap3A_91], %swap3A_94 {strides = array<i32>} : memref<1x128xi32, #tpu.memory_space<vmem>>, vector<1x16xi32>,
        %get3A_95 = arith.constant 0 : i32
        %get3A_96 = arith.index_cast %get3A_95 : i32 to index
        %get3A_97 = arith.constant 48 : index
        %get3A_98 = tpu.vector_load %arg6[%get3A_96, %get3A_97] {strides = array<i32>} : memref<1x128xi32, #tpu.memory_space<vmem>>, vector<1x16xi32>,
        %get3A_99 = vector.shape_cast %get3A_98 : vector<1x16xi32> to vector<16xi32>
        %sub3A_100 = vector.broadcast %mul3A_3 : i32 to vector<16xi32>
        %sub3A_101 = arith.subi %get3A_99, %sub3A_100 : vector<16xi32>
        %ge3A_102 = arith.constant 0 : i32
        %ge3A_103 = vector.broadcast %ge3A_102 : i32 to vector<16xi32>
        %ge3A_104 = arith.cmpi sge, %sub3A_101, %ge3A_103 : vector<16xi32>
        %lt3A_105 = arith.constant 25000 : i32
        %lt3A_106 = vector.broadcast %lt3A_105 : i32 to vector<16xi32>
        %lt3A_107 = arith.cmpi slt, %sub3A_101, %lt3A_106 : vector<16xi32>
        %and3A_108 = arith.andi %ge3A_104, %lt3A_107 : vector<16xi1>
        %jit3A_109 = arith.constant 25000 : i32
        %broadcast_in_dim3A_110 = vector.broadcast %jit3A_109 : i32 to vector<16xi32>
        %select_n3A_111 = arith.select %and3A_108, %sub3A_101, %broadcast_in_dim3A_110 : vector<16xi1>, vector<16xi32>
        %swap3A_112 = arith.constant 0 : i32
        %swap3A_113 = arith.index_cast %swap3A_112 : i32 to index
        %swap3A_114 = arith.constant 48 : index
        %swap3A_115 = tpu.vector_load %arg7[%swap3A_113, %swap3A_114] {strides = array<i32>} : memref<1x128xi32, #tpu.memory_space<vmem>>, vector<1x16xi32>,
        %swap3A_116 = vector.shape_cast %swap3A_115 : vector<1x16xi32> to vector<16xi32>
        %swap3A_117 = vector.shape_cast %select_n3A_111 : vector<16xi32> to vector<1x16xi32>
        tpu.vector_store %arg7[%swap3A_113, %swap3A_114], %swap3A_117 {strides = array<i32>} : memref<1x128xi32, #tpu.memory_space<vmem>>, vector<1x16xi32>,
        %get3A_118 = arith.constant 0 : i32
        %get3A_119 = arith.index_cast %get3A_118 : i32 to index
        %get3A_120 = arith.constant 64 : index
        %get3A_121 = tpu.vector_load %arg6[%get3A_119, %get3A_120] {strides = array<i32>} : memref<1x128xi32, #tpu.memory_space<vmem>>, vector<1x16xi32>,
        %get3A_122 = vector.shape_cast %get3A_121 : vector<1x16xi32> to vector<16xi32>
        %sub3A_123 = vector.broadcast %mul3A_3 : i32 to vector<16xi32>
        %sub3A_124 = arith.subi %get3A_122, %sub3A_123 : vector<16xi32>
        %ge3A_125 = arith.constant 0 : i32
        %ge3A_126 = vector.broadcast %ge3A_125 : i32 to vector<16xi32>
        %ge3A_127 = arith.cmpi sge, %sub3A_124, %ge3A_126 : vector<16xi32>
        %lt3A_128 = arith.constant 25000 : i32
        %lt3A_129 = vector.broadcast %lt3A_128 : i32 to vector<16xi32>
        %lt3A_130 = arith.cmpi slt, %sub3A_124, %lt3A_129 : vector<16xi32>
        %and3A_131 = arith.andi %ge3A_127, %lt3A_130 : vector<16xi1>
        %jit3A_132 = arith.constant 25000 : i32
        %broadcast_in_dim3A_133 = vector.broadcast %jit3A_132 : i32 to vector<16xi32>
        %select_n3A_134 = arith.select %and3A_131, %sub3A_124, %broadcast_in_dim3A_133 : vector<16xi1>, vector<16xi32>
        %swap3A_135 = arith.constant 0 : i32
        %swap3A_136 = arith.index_cast %swap3A_135 : i32 to index
        %swap3A_137 = arith.constant 64 : index
        %swap3A_138 = tpu.vector_load %arg7[%swap3A_136, %swap3A_137] {strides = array<i32>} : memref<1x128xi32, #tpu.memory_space<vmem>>, vector<1x16xi32>,
        %swap3A_139 = vector.shape_cast %swap3A_138 : vector<1x16xi32> to vector<16xi32>
        %swap3A_140 = vector.shape_cast %select_n3A_134 : vector<16xi32> to vector<1x16xi32>
        tpu.vector_store %arg7[%swap3A_136, %swap3A_137], %swap3A_140 {strides = array<i32>} : memref<1x128xi32, #tpu.memory_space<vmem>>, vector<1x16xi32>,
        %get3A_141 = arith.constant 0 : i32
        %get3A_142 = arith.index_cast %get3A_141 : i32 to index
        %get3A_143 = arith.constant 80 : index
        %get3A_144 = tpu.vector_load %arg6[%get3A_142, %get3A_143] {strides = array<i32>} : memref<1x128xi32, #tpu.memory_space<vmem>>, vector<1x16xi32>,
        %get3A_145 = vector.shape_cast %get3A_144 : vector<1x16xi32> to vector<16xi32>
        %sub3A_146 = vector.broadcast %mul3A_3 : i32 to vector<16xi32>
        %sub3A_147 = arith.subi %get3A_145, %sub3A_146 : vector<16xi32>
        %ge3A_148 = arith.constant 0 : i32
        %ge3A_149 = vector.broadcast %ge3A_148 : i32 to vector<16xi32>
        %ge3A_150 = arith.cmpi sge, %sub3A_147, %ge3A_149 : vector<16xi32>
        %lt3A_151 = arith.constant 25000 : i32
        %lt3A_152 = vector.broadcast %lt3A_151 : i32 to vector<16xi32>
        %lt3A_153 = arith.cmpi slt, %sub3A_147, %lt3A_152 : vector<16xi32>
        %and3A_154 = arith.andi %ge3A_150, %lt3A_153 : vector<16xi1>
        %jit3A_155 = arith.constant 25000 : i32
        %broadcast_in_dim3A_156 = vector.broadcast %jit3A_155 : i32 to vector<16xi32>
        %select_n3A_157 = arith.select %and3A_154, %sub3A_147, %broadcast_in_dim3A_156 : vector<16xi1>, vector<16xi32>
        %swap3A_158 = arith.constant 0 : i32
        %swap3A_159 = arith.index_cast %swap3A_158 : i32 to index
        %swap3A_160 = arith.constant 80 : index
        %swap3A_161 = tpu.vector_load %arg7[%swap3A_159, %swap3A_160] {strides = array<i32>} : memref<1x128xi32, #tpu.memory_space<vmem>>, vector<1x16xi32>,
        %swap3A_162 = vector.shape_cast %swap3A_161 : vector<1x16xi32> to vector<16xi32>
        %swap3A_163 = vector.shape_cast %select_n3A_157 : vector<16xi32> to vector<1x16xi32>
        tpu.vector_store %arg7[%swap3A_159, %swap3A_160], %swap3A_163 {strides = array<i32>} : memref<1x128xi32, #tpu.memory_space<vmem>>, vector<1x16xi32>,
        %get3A_164 = arith.constant 0 : i32
        %get3A_165 = arith.index_cast %get3A_164 : i32 to index
        %get3A_166 = arith.constant 96 : index
        %get3A_167 = tpu.vector_load %arg6[%get3A_165, %get3A_166] {strides = array<i32>} : memref<1x128xi32, #tpu.memory_space<vmem>>, vector<1x16xi32>,
        %get3A_168 = vector.shape_cast %get3A_167 : vector<1x16xi32> to vector<16xi32>
        %sub3A_169 = vector.broadcast %mul3A_3 : i32 to vector<16xi32>
        %sub3A_170 = arith.subi %get3A_168, %sub3A_169 : vector<16xi32>
        %ge3A_171 = arith.constant 0 : i32
        %ge3A_172 = vector.broadcast %ge3A_171 : i32 to vector<16xi32>
        %ge3A_173 = arith.cmpi sge, %sub3A_170, %ge3A_172 : vector<16xi32>
        %lt3A_174 = arith.constant 25000 : i32
        %lt3A_175 = vector.broadcast %lt3A_174 : i32 to vector<16xi32>
        %lt3A_176 = arith.cmpi slt, %sub3A_170, %lt3A_175 : vector<16xi32>
        %and3A_177 = arith.andi %ge3A_173, %lt3A_176 : vector<16xi1>
        %jit3A_178 = arith.constant 25000 : i32
        %broadcast_in_dim3A_179 = vector.broadcast %jit3A_178 : i32 to vector<16xi32>
        %select_n3A_180 = arith.select %and3A_177, %sub3A_170, %broadcast_in_dim3A_179 : vector<16xi1>, vector<16xi32>
        %swap3A_181 = arith.constant 0 : i32
        %swap3A_182 = arith.index_cast %swap3A_181 : i32 to index
        %swap3A_183 = arith.constant 96 : index
        %swap3A_184 = tpu.vector_load %arg7[%swap3A_182, %swap3A_183] {strides = array<i32>} : memref<1x128xi32, #tpu.memory_space<vmem>>, vector<1x16xi32>,
        %swap3A_185 = vector.shape_cast %swap3A_184 : vector<1x16xi32> to vector<16xi32>
        %swap3A_186 = vector.shape_cast %select_n3A_180 : vector<16xi32> to vector<1x16xi32>
        tpu.vector_store %arg7[%swap3A_182, %swap3A_183], %swap3A_186 {strides = array<i32>} : memref<1x128xi32, #tpu.memory_space<vmem>>, vector<1x16xi32>,
        %get3A_187 = arith.constant 0 : i32
        %get3A_188 = arith.index_cast %get3A_187 : i32 to index
        %get3A_189 = arith.constant 112 : index
        %get3A_190 = tpu.vector_load %arg6[%get3A_188, %get3A_189] {strides = array<i32>} : memref<1x128xi32, #tpu.memory_space<vmem>>, vector<1x16xi32>,
        %get3A_191 = vector.shape_cast %get3A_190 : vector<1x16xi32> to vector<16xi32>
        %sub3A_192 = vector.broadcast %mul3A_3 : i32 to vector<16xi32>
        %sub3A_193 = arith.subi %get3A_191, %sub3A_192 : vector<16xi32>
        %ge3A_194 = arith.constant 0 : i32
        %ge3A_195 = vector.broadcast %ge3A_194 : i32 to vector<16xi32>
        %ge3A_196 = arith.cmpi sge, %sub3A_193, %ge3A_195 : vector<16xi32>
        %lt3A_197 = arith.constant 25000 : i32
        %lt3A_198 = vector.broadcast %lt3A_197 : i32 to vector<16xi32>
        %lt3A_199 = arith.cmpi slt, %sub3A_193, %lt3A_198 : vector<16xi32>
        %and3A_200 = arith.andi %ge3A_196, %lt3A_199 : vector<16xi1>
        %jit3A_201 = arith.constant 25000 : i32
        %broadcast_in_dim3A_202 = vector.broadcast %jit3A_201 : i32 to vector<16xi32>
        %select_n3A_203 = arith.select %and3A_200, %sub3A_193, %broadcast_in_dim3A_202 : vector<16xi1>, vector<16xi32>
        %swap3A_204 = arith.constant 0 : i32
        %swap3A_205 = arith.index_cast %swap3A_204 : i32 to index
        %swap3A_206 = arith.constant 112 : index
        %swap3A_207 = tpu.vector_load %arg7[%swap3A_205, %swap3A_206] {strides = array<i32>} : memref<1x128xi32, #tpu.memory_space<vmem>>, vector<1x16xi32>,
        %swap3A_208 = vector.shape_cast %swap3A_207 : vector<1x16xi32> to vector<16xi32>
        %swap3A_209 = vector.shape_cast %select_n3A_203 : vector<16xi32> to vector<1x16xi32>
        tpu.vector_store %arg7[%swap3A_205, %swap3A_206], %swap3A_209 {strides = array<i32>} : memref<1x128xi32, #tpu.memory_space<vmem>>, vector<1x16xi32>,
        %run_scoped3A = arith.constant 0 : i32
        "tpu.region"() ({
          %run_scoped3A_210 = tpu.sem_alloc : memref<!tpu.dma_semaphore, #tpu.memory_space<semaphore_mem>>
          %dma_start3A = arith.constant 0 : i32
          %dma_start3A_211 = tpu.memref_slice %arg7[%run_scoped3A, %dma_start3A] : memref<1x128xi32, #tpu.memory_space<vmem>> -> memref<1x128xi32, #tpu.memory_space<vmem>>
          %dma_start3A_212 = tpu.memref_squeeze %dma_start3A_211 : memref<1x128xi32, #tpu.memory_space<vmem>> -> memref<128xi32, #tpu.memory_space<vmem>>
          %dma_start3A_213 = arith.constant 0 : i32
          %dma_start3A_214 = arith.constant 0 : i32
          %dma_start3A_215 = tpu.memref_slice %arg9[%dma_start3A_213, %dma_start3A_214] : memref<25088x72xf32, #tpu.memory_space<vmem_shared>> -> memref<25088x72xf32, #tpu.memory_space<vmem_shared>>
          tpu.enqueue_indirect_dma source(%arg8 : memref<128x72xf32, #tpu.memory_space<vmem>>) target(%dma_start3A_215 : memref<25088x72xf32, #tpu.memory_space<vmem_shared>>) offsets(%dma_start3A_212 : memref<128xi32, #tpu.memory_space<vmem>>) semaphore(%run_scoped3A_210 : memref<!tpu.dma_semaphore, #tpu.memory_space<semaphore_mem>>) {add = true}
          %dma_wait3A = arith.constant 0 : i32
          %dma_wait3A_216 = tpu.memref_slice %arg7[%run_scoped3A, %dma_wait3A] : memref<1x128xi32, #tpu.memory_space<vmem>> -> memref<1x128xi32, #tpu.memory_space<vmem>>
          %dma_wait3A_217 = tpu.memref_squeeze %dma_wait3A_216 : memref<1x128xi32, #tpu.memory_space<vmem>> -> memref<128xi32, #tpu.memory_space<vmem>>
          %dma_wait3A_218 = arith.constant 0 : i32
          %dma_wait3A_219 = arith.constant 0 : i32
          %dma_wait3A_220 = tpu.memref_slice %arg9[%dma_wait3A_218, %dma_wait3A_219] : memref<25088x72xf32, #tpu.memory_space<vmem_shared>> -> memref<25088x72xf32, #tpu.memory_space<vmem_shared>>
          tpu.wait_indirect_dma semaphore(%run_scoped3A_210 : memref<!tpu.dma_semaphore, #tpu.memory_space<semaphore_mem>>) src(%arg8 : memref<128x72xf32, #tpu.memory_space<vmem>>) dst(%dma_wait3A_220 : memref<25088x72xf32, #tpu.memory_space<vmem_shared>>)
          tpu.yield
        }) : () -> ()
      } else {
      }
    }
    %scan3A_14 = arith.constant 394 : i32
    %barrier3A_15 = arith.constant 0 : index
    tpu.barrier barrier_id(%barrier3A_15)
    %eq3A = arith.constant 0 : i32
    %eq3A_16 = arith.cmpi eq, %arg0, %eq3A : i32
    %convert_element_type3A = arith.extui %eq3A_16 : i1 to i32
    %cond3A = arith.constant 0 : i32
    %cond3A_17 = arith.cmpi ne, %convert_element_type3A, %cond3A : i32
    scf.if %cond3A_17 {
      %scan3A_24 = arith.constant 0 : i32
      %scan3A_25 = arith.constant 0 : i32
      %scan3A_26 = arith.constant 196 : i32
      %scan3A_27 = arith.addi %scan3A_25, %scan3A_26 : i32
      %scan3A_28 = arith.constant 1 : i32
      scf.for %scan3A_30 = %scan3A_25 to %scan3A_27 step %scan3A_28  : i32 {
        %mul3A_31 = arith.constant 16 : i32
        %mul3A_32 = arith.muli %scan3A_30, %mul3A_31 : i32
        %add3A_33 = arith.addi %mul3A_32, %arg1 : i32
        %lt3A = arith.constant 3125 : i32
        %lt3A_34 = arith.cmpi slt, %add3A_33, %lt3A : i32
        %convert_element_type3A_35 = arith.extui %lt3A_34 : i1 to i32
        %cond3A_36 = arith.constant 0 : i32
        %cond3A_37 = arith.cmpi ne, %convert_element_type3A_35, %cond3A_36 : i32
        scf.if %cond3A_37 {
          %mul3A_38 = arith.constant 8 : i32
          %mul3A_39 = arith.muli %add3A_33, %mul3A_38 : i32
          %mul3A_40 = arith.constant 8 : i32
          %mul3A_41 = arith.muli %add3A_33, %mul3A_40 : i32
          %add3A_42 = arith.constant 0 : i32
          %add3A_43 = arith.addi %add3A_42, %mul3A_41 : i32
          "tpu.region"() ({
            %run_scoped3A = tpu.sem_alloc : memref<!tpu.dma_semaphore, #tpu.memory_space<semaphore_mem>>
            %dma_start3A = arith.constant 0 : i32
            %dma_start3A_44 = tpu.memref_slice %arg5[%add3A_43, %dma_start3A] : memref<55000x72xf32, #tpu.memory_space<hbm>> -> memref<8x72xf32, #tpu.memory_space<hbm>>
            %dma_start3A_45 = arith.constant 0 : i32
            %dma_start3A_46 = tpu.memref_slice %arg9[%mul3A_39, %dma_start3A_45] : memref<25088x72xf32, #tpu.memory_space<vmem_shared>> -> memref<8x72xf32, #tpu.memory_space<vmem_shared>>
            tpu.enqueue_dma source(%dma_start3A_46 : memref<8x72xf32, #tpu.memory_space<vmem_shared>>) target(%dma_start3A_44 : memref<8x72xf32, #tpu.memory_space<hbm>>) target_semaphore(%run_scoped3A : memref<!tpu.dma_semaphore, #tpu.memory_space<semaphore_mem>>)
            %dma_wait3A = arith.constant 0 : i32
            %dma_wait3A_47 = tpu.memref_slice %arg5[%add3A_43, %dma_wait3A] : memref<55000x72xf32, #tpu.memory_space<hbm>> -> memref<8x72xf32, #tpu.memory_space<hbm>>
            %dma_wait3A_48 = arith.constant 0 : i32
            %dma_wait3A_49 = tpu.memref_slice %arg9[%mul3A_39, %dma_wait3A_48] : memref<25088x72xf32, #tpu.memory_space<vmem_shared>> -> memref<8x72xf32, #tpu.memory_space<vmem_shared>>
            tpu.wait_dma2 semaphore(%run_scoped3A : memref<!tpu.dma_semaphore, #tpu.memory_space<semaphore_mem>>) src(%dma_wait3A_49 : memref<8x72xf32, #tpu.memory_space<vmem_shared>>) dst(%dma_wait3A_47 : memref<8x72xf32, #tpu.memory_space<hbm>>)
            tpu.yield
          }) : () -> ()
        } else {
        }
      }
      %scan3A_29 = arith.constant 196 : i32
    } else {
    }
    %eq3A_18 = arith.constant 1 : i32
    %eq3A_19 = arith.cmpi eq, %arg0, %eq3A_18 : i32
    %convert_element_type3A_20 = arith.extui %eq3A_19 : i1 to i32
    %cond3A_21 = arith.constant 0 : i32
    %cond3A_22 = arith.cmpi ne, %convert_element_type3A_20, %cond3A_21 : i32
    scf.if %cond3A_22 {
      %scan3A_24 = arith.constant 0 : i32
      %scan3A_25 = arith.constant 0 : i32
      %scan3A_26 = arith.constant 196 : i32
      %scan3A_27 = arith.addi %scan3A_25, %scan3A_26 : i32
      %scan3A_28 = arith.constant 1 : i32
      scf.for %scan3A_30 = %scan3A_25 to %scan3A_27 step %scan3A_28  : i32 {
        %mul3A_31 = arith.constant 16 : i32
        %mul3A_32 = arith.muli %scan3A_30, %mul3A_31 : i32
        %add3A_33 = arith.addi %mul3A_32, %arg1 : i32
        %lt3A = arith.constant 3125 : i32
        %lt3A_34 = arith.cmpi slt, %add3A_33, %lt3A : i32
        %convert_element_type3A_35 = arith.extui %lt3A_34 : i1 to i32
        %cond3A_36 = arith.constant 0 : i32
        %cond3A_37 = arith.cmpi ne, %convert_element_type3A_35, %cond3A_36 : i32
        scf.if %cond3A_37 {
          %mul3A_38 = arith.constant 8 : i32
          %mul3A_39 = arith.muli %add3A_33, %mul3A_38 : i32
          %mul3A_40 = arith.constant 8 : i32
          %mul3A_41 = arith.muli %add3A_33, %mul3A_40 : i32
          %add3A_42 = arith.constant 25000 : i32
          %add3A_43 = arith.addi %add3A_42, %mul3A_41 : i32
          "tpu.region"() ({
            %run_scoped3A = tpu.sem_alloc : memref<!tpu.dma_semaphore, #tpu.memory_space<semaphore_mem>>
            %dma_start3A = arith.constant 0 : i32
            %dma_start3A_44 = tpu.memref_slice %arg5[%add3A_43, %dma_start3A] : memref<55000x72xf32, #tpu.memory_space<hbm>> -> memref<8x72xf32, #tpu.memory_space<hbm>>
            %dma_start3A_45 = arith.constant 0 : i32
            %dma_start3A_46 = tpu.memref_slice %arg9[%mul3A_39, %dma_start3A_45] : memref<25088x72xf32, #tpu.memory_space<vmem_shared>> -> memref<8x72xf32, #tpu.memory_space<vmem_shared>>
            tpu.enqueue_dma source(%dma_start3A_46 : memref<8x72xf32, #tpu.memory_space<vmem_shared>>) target(%dma_start3A_44 : memref<8x72xf32, #tpu.memory_space<hbm>>) target_semaphore(%run_scoped3A : memref<!tpu.dma_semaphore, #tpu.memory_space<semaphore_mem>>)
            %dma_wait3A = arith.constant 0 : i32
            %dma_wait3A_47 = tpu.memref_slice %arg5[%add3A_43, %dma_wait3A] : memref<55000x72xf32, #tpu.memory_space<hbm>> -> memref<8x72xf32, #tpu.memory_space<hbm>>
            %dma_wait3A_48 = arith.constant 0 : i32
            %dma_wait3A_49 = tpu.memref_slice %arg9[%mul3A_39, %dma_wait3A_48] : memref<25088x72xf32, #tpu.memory_space<vmem_shared>> -> memref<8x72xf32, #tpu.memory_space<vmem_shared>>
            tpu.wait_dma2 semaphore(%run_scoped3A : memref<!tpu.dma_semaphore, #tpu.memory_space<semaphore_mem>>) src(%dma_wait3A_49 : memref<8x72xf32, #tpu.memory_space<vmem_shared>>) dst(%dma_wait3A_47 : memref<8x72xf32, #tpu.memory_space<hbm>>)
            tpu.yield
          }) : () -> ()
        } else {
        }
      }
      %scan3A_29 = arith.constant 196 : i32
    } else {
    }
    %barrier3A_23 = arith.constant 0 : index
    tpu.barrier barrier_id(%barrier3A_23)
    return
  }
}

#map = affine_map<(d0, d1) -> (0, 0)>
module attributes {stable_mosaic.version = 14 : i64} {
  func.func @k(%arg0: i32, %arg1: i32, %arg2: memref<55000x32xf32, #tpu.memory_space<hbm>>, %arg3: memref<55000x32xf32, #tpu.memory_space<hbm>>, %arg4: memref<6304x128xi32, #tpu.memory_space<hbm>>, %arg5: memref<6304x128xi32, #tpu.memory_space<hbm>>, %arg6: memref<806912x32xf32, #tpu.memory_space<hbm>>, %arg7: memref<806912x32xf32, #tpu.memory_space<hbm>>, %arg8: memref<8x128xi32, #tpu.memory_space<vmem>>, %arg9: memref<8x128xi32, #tpu.memory_space<vmem>>, %arg10: memref<1024x32xf32, #tpu.memory_space<vmem>>, %arg11: memref<!tpu.dma_semaphore, #tpu.memory_space<semaphore_mem>>) attributes {dimension_semantics = [#tpu.dimension_semantics<core_parallel>, #tpu.dimension_semantics<subcore_parallel>], iteration_bounds = array<i64: 2, 16>, scalar_prefetch = 0 : i64, scratch_operands = 4 : i64, tpu.core_type = #tpu.core_type<sc_vector_subcore>, window_params = [{transform_indices = #map}, {transform_indices = #map}, {transform_indices = #map}, {transform_indices = #map}, {transform_indices = #map}, {transform_indices = #map}]} {
    %mul3A = arith.constant 2 : i32
    %mul3A_0 = arith.muli %arg1, %mul3A : i32
    %add3A = arith.addi %mul3A_0, %arg0 : i32
    %scan3A = arith.constant 0 : i32
    %scan3A_1 = arith.constant 0 : i32
    %scan3A_2 = arith.constant 25 : i32
    %scan3A_3 = arith.addi %scan3A_1, %scan3A_2 : i32
    %scan3A_4 = arith.constant 1 : i32
    scf.for %scan3A_6 = %scan3A_1 to %scan3A_3 step %scan3A_4  : i32 {
      %mul3A_7 = arith.constant 32 : i32
      %mul3A_8 = arith.muli %scan3A_6, %mul3A_7 : i32
      %add3A_9 = arith.addi %mul3A_8, %add3A : i32
      %lt3A = arith.constant 788 : i32
      %lt3A_10 = arith.cmpi slt, %add3A_9, %lt3A : i32
      %convert_element_type3A = arith.extui %lt3A_10 : i1 to i32
      %cond3A = arith.constant 0 : i32
      %cond3A_11 = arith.cmpi ne, %convert_element_type3A, %cond3A : i32
      scf.if %cond3A_11 {
        %mul3A_12 = arith.constant 8 : i32
        %mul3A_13 = arith.muli %add3A_9, %mul3A_12 : i32
        %multiple_of3A = tpu.assume_multiple %mul3A_13, 8 : i32
        "tpu.region"() ({
          %run_scoped3A = tpu.sem_alloc : memref<!tpu.dma_semaphore, #tpu.memory_space<semaphore_mem>>
          %dma_start3A_336 = arith.constant 0 : i32
          %dma_start3A_337 = tpu.memref_slice %arg4[%multiple_of3A, %dma_start3A_336] : memref<6304x128xi32, #tpu.memory_space<hbm>> -> memref<8x128xi32, #tpu.memory_space<hbm>>
          %dma_start3A_338 = arith.constant 0 : i32
          %dma_start3A_339 = tpu.memref_slice %arg4[%multiple_of3A, %dma_start3A_338] : memref<6304x128xi32, #tpu.memory_space<hbm>> -> memref<8x128xi32, #tpu.memory_space<hbm>>
          tpu.enqueue_dma source(%dma_start3A_339 : memref<8x128xi32, #tpu.memory_space<hbm>>) target(%arg8 : memref<8x128xi32, #tpu.memory_space<vmem>>) target_semaphore(%run_scoped3A : memref<!tpu.dma_semaphore, #tpu.memory_space<semaphore_mem>>)
          %dma_wait3A_340 = arith.constant 0 : i32
          %dma_wait3A_341 = tpu.memref_slice %arg4[%multiple_of3A, %dma_wait3A_340] : memref<6304x128xi32, #tpu.memory_space<hbm>> -> memref<8x128xi32, #tpu.memory_space<hbm>>
          %dma_wait3A_342 = arith.constant 0 : i32
          %dma_wait3A_343 = tpu.memref_slice %arg4[%multiple_of3A, %dma_wait3A_342] : memref<6304x128xi32, #tpu.memory_space<hbm>> -> memref<8x128xi32, #tpu.memory_space<hbm>>
          tpu.wait_dma2 semaphore(%run_scoped3A : memref<!tpu.dma_semaphore, #tpu.memory_space<semaphore_mem>>) src(%dma_wait3A_343 : memref<8x128xi32, #tpu.memory_space<hbm>>) dst(%arg8 : memref<8x128xi32, #tpu.memory_space<vmem>>)
          tpu.yield
        }) : () -> ()
        "tpu.region"() ({
          %run_scoped3A = tpu.sem_alloc : memref<!tpu.dma_semaphore, #tpu.memory_space<semaphore_mem>>
          %dma_start3A_336 = arith.constant 0 : i32
          %dma_start3A_337 = tpu.memref_slice %arg5[%multiple_of3A, %dma_start3A_336] : memref<6304x128xi32, #tpu.memory_space<hbm>> -> memref<8x128xi32, #tpu.memory_space<hbm>>
          %dma_start3A_338 = arith.constant 0 : i32
          %dma_start3A_339 = tpu.memref_slice %arg5[%multiple_of3A, %dma_start3A_338] : memref<6304x128xi32, #tpu.memory_space<hbm>> -> memref<8x128xi32, #tpu.memory_space<hbm>>
          tpu.enqueue_dma source(%dma_start3A_339 : memref<8x128xi32, #tpu.memory_space<hbm>>) target(%arg9 : memref<8x128xi32, #tpu.memory_space<vmem>>) target_semaphore(%run_scoped3A : memref<!tpu.dma_semaphore, #tpu.memory_space<semaphore_mem>>)
          %dma_wait3A_340 = arith.constant 0 : i32
          %dma_wait3A_341 = tpu.memref_slice %arg5[%multiple_of3A, %dma_wait3A_340] : memref<6304x128xi32, #tpu.memory_space<hbm>> -> memref<8x128xi32, #tpu.memory_space<hbm>>
          %dma_wait3A_342 = arith.constant 0 : i32
          %dma_wait3A_343 = tpu.memref_slice %arg5[%multiple_of3A, %dma_wait3A_342] : memref<6304x128xi32, #tpu.memory_space<hbm>> -> memref<8x128xi32, #tpu.memory_space<hbm>>
          tpu.wait_dma2 semaphore(%run_scoped3A : memref<!tpu.dma_semaphore, #tpu.memory_space<semaphore_mem>>) src(%dma_wait3A_343 : memref<8x128xi32, #tpu.memory_space<hbm>>) dst(%arg9 : memref<8x128xi32, #tpu.memory_space<vmem>>)
          tpu.yield
        }) : () -> ()
        %dma_start3A = arith.constant 0 : i32
        %dma_start3A_14 = arith.constant 0 : i32
        %dma_start3A_15 = arith.constant 0 : i32
        %dma_start3A_16 = tpu.memref_slice %arg10[%dma_start3A_14, %dma_start3A_15] : memref<1024x32xf32, #tpu.memory_space<vmem>> -> memref<128x32xf32, #tpu.memory_space<vmem>>
        %dma_start3A_17 = arith.constant 0 : i32
        %dma_start3A_18 = tpu.memref_slice %arg8[%dma_start3A, %dma_start3A_17] : memref<8x128xi32, #tpu.memory_space<vmem>> -> memref<1x128xi32, #tpu.memory_space<vmem>>
        %dma_start3A_19 = tpu.memref_squeeze %dma_start3A_18 : memref<1x128xi32, #tpu.memory_space<vmem>> -> memref<128xi32, #tpu.memory_space<vmem>>
        %dma_start3A_20 = arith.constant 0 : i32
        %dma_start3A_21 = arith.constant 0 : i32
        %dma_start3A_22 = tpu.memref_slice %arg2[%dma_start3A_20, %dma_start3A_21] : memref<55000x32xf32, #tpu.memory_space<hbm>> -> memref<55000x32xf32, #tpu.memory_space<hbm>>
        tpu.enqueue_indirect_dma source(%dma_start3A_22 : memref<55000x32xf32, #tpu.memory_space<hbm>>) target(%dma_start3A_16 : memref<128x32xf32, #tpu.memory_space<vmem>>) offsets(%dma_start3A_19 : memref<128xi32, #tpu.memory_space<vmem>>) semaphore(%arg11 : memref<!tpu.dma_semaphore, #tpu.memory_space<semaphore_mem>>)
        %dma_start3A_23 = arith.constant 1 : i32
        %dma_start3A_24 = arith.constant 128 : i32
        %dma_start3A_25 = arith.constant 0 : i32
        %dma_start3A_26 = tpu.memref_slice %arg10[%dma_start3A_24, %dma_start3A_25] : memref<1024x32xf32, #tpu.memory_space<vmem>> -> memref<128x32xf32, #tpu.memory_space<vmem>>
        %dma_start3A_27 = arith.constant 0 : i32
        %dma_start3A_28 = tpu.memref_slice %arg8[%dma_start3A_23, %dma_start3A_27] : memref<8x128xi32, #tpu.memory_space<vmem>> -> memref<1x128xi32, #tpu.memory_space<vmem>>
        %dma_start3A_29 = tpu.memref_squeeze %dma_start3A_28 : memref<1x128xi32, #tpu.memory_space<vmem>> -> memref<128xi32, #tpu.memory_space<vmem>>
        %dma_start3A_30 = arith.constant 0 : i32
        %dma_start3A_31 = arith.constant 0 : i32
        %dma_start3A_32 = tpu.memref_slice %arg2[%dma_start3A_30, %dma_start3A_31] : memref<55000x32xf32, #tpu.memory_space<hbm>> -> memref<55000x32xf32, #tpu.memory_space<hbm>>
        tpu.enqueue_indirect_dma source(%dma_start3A_32 : memref<55000x32xf32, #tpu.memory_space<hbm>>) target(%dma_start3A_26 : memref<128x32xf32, #tpu.memory_space<vmem>>) offsets(%dma_start3A_29 : memref<128xi32, #tpu.memory_space<vmem>>) semaphore(%arg11 : memref<!tpu.dma_semaphore, #tpu.memory_space<semaphore_mem>>)
        %dma_start3A_33 = arith.constant 2 : i32
        %dma_start3A_34 = arith.constant 256 : i32
        %dma_start3A_35 = arith.constant 0 : i32
        %dma_start3A_36 = tpu.memref_slice %arg10[%dma_start3A_34, %dma_start3A_35] : memref<1024x32xf32, #tpu.memory_space<vmem>> -> memref<128x32xf32, #tpu.memory_space<vmem>>
        %dma_start3A_37 = arith.constant 0 : i32
        %dma_start3A_38 = tpu.memref_slice %arg8[%dma_start3A_33, %dma_start3A_37] : memref<8x128xi32, #tpu.memory_space<vmem>> -> memref<1x128xi32, #tpu.memory_space<vmem>>
        %dma_start3A_39 = tpu.memref_squeeze %dma_start3A_38 : memref<1x128xi32, #tpu.memory_space<vmem>> -> memref<128xi32, #tpu.memory_space<vmem>>
        %dma_start3A_40 = arith.constant 0 : i32
        %dma_start3A_41 = arith.constant 0 : i32
        %dma_start3A_42 = tpu.memref_slice %arg2[%dma_start3A_40, %dma_start3A_41] : memref<55000x32xf32, #tpu.memory_space<hbm>> -> memref<55000x32xf32, #tpu.memory_space<hbm>>
        tpu.enqueue_indirect_dma source(%dma_start3A_42 : memref<55000x32xf32, #tpu.memory_space<hbm>>) target(%dma_start3A_36 : memref<128x32xf32, #tpu.memory_space<vmem>>) offsets(%dma_start3A_39 : memref<128xi32, #tpu.memory_space<vmem>>) semaphore(%arg11 : memref<!tpu.dma_semaphore, #tpu.memory_space<semaphore_mem>>)
        %dma_start3A_43 = arith.constant 3 : i32
        %dma_start3A_44 = arith.constant 384 : i32
        %dma_start3A_45 = arith.constant 0 : i32
        %dma_start3A_46 = tpu.memref_slice %arg10[%dma_start3A_44, %dma_start3A_45] : memref<1024x32xf32, #tpu.memory_space<vmem>> -> memref<128x32xf32, #tpu.memory_space<vmem>>
        %dma_start3A_47 = arith.constant 0 : i32
        %dma_start3A_48 = tpu.memref_slice %arg8[%dma_start3A_43, %dma_start3A_47] : memref<8x128xi32, #tpu.memory_space<vmem>> -> memref<1x128xi32, #tpu.memory_space<vmem>>
        %dma_start3A_49 = tpu.memref_squeeze %dma_start3A_48 : memref<1x128xi32, #tpu.memory_space<vmem>> -> memref<128xi32, #tpu.memory_space<vmem>>
        %dma_start3A_50 = arith.constant 0 : i32
        %dma_start3A_51 = arith.constant 0 : i32
        %dma_start3A_52 = tpu.memref_slice %arg2[%dma_start3A_50, %dma_start3A_51] : memref<55000x32xf32, #tpu.memory_space<hbm>> -> memref<55000x32xf32, #tpu.memory_space<hbm>>
        tpu.enqueue_indirect_dma source(%dma_start3A_52 : memref<55000x32xf32, #tpu.memory_space<hbm>>) target(%dma_start3A_46 : memref<128x32xf32, #tpu.memory_space<vmem>>) offsets(%dma_start3A_49 : memref<128xi32, #tpu.memory_space<vmem>>) semaphore(%arg11 : memref<!tpu.dma_semaphore, #tpu.memory_space<semaphore_mem>>)
        %dma_start3A_53 = arith.constant 4 : i32
        %dma_start3A_54 = arith.constant 512 : i32
        %dma_start3A_55 = arith.constant 0 : i32
        %dma_start3A_56 = tpu.memref_slice %arg10[%dma_start3A_54, %dma_start3A_55] : memref<1024x32xf32, #tpu.memory_space<vmem>> -> memref<128x32xf32, #tpu.memory_space<vmem>>
        %dma_start3A_57 = arith.constant 0 : i32
        %dma_start3A_58 = tpu.memref_slice %arg8[%dma_start3A_53, %dma_start3A_57] : memref<8x128xi32, #tpu.memory_space<vmem>> -> memref<1x128xi32, #tpu.memory_space<vmem>>
        %dma_start3A_59 = tpu.memref_squeeze %dma_start3A_58 : memref<1x128xi32, #tpu.memory_space<vmem>> -> memref<128xi32, #tpu.memory_space<vmem>>
        %dma_start3A_60 = arith.constant 0 : i32
        %dma_start3A_61 = arith.constant 0 : i32
        %dma_start3A_62 = tpu.memref_slice %arg2[%dma_start3A_60, %dma_start3A_61] : memref<55000x32xf32, #tpu.memory_space<hbm>> -> memref<55000x32xf32, #tpu.memory_space<hbm>>
        tpu.enqueue_indirect_dma source(%dma_start3A_62 : memref<55000x32xf32, #tpu.memory_space<hbm>>) target(%dma_start3A_56 : memref<128x32xf32, #tpu.memory_space<vmem>>) offsets(%dma_start3A_59 : memref<128xi32, #tpu.memory_space<vmem>>) semaphore(%arg11 : memref<!tpu.dma_semaphore, #tpu.memory_space<semaphore_mem>>)
        %dma_start3A_63 = arith.constant 5 : i32
        %dma_start3A_64 = arith.constant 640 : i32
        %dma_start3A_65 = arith.constant 0 : i32
        %dma_start3A_66 = tpu.memref_slice %arg10[%dma_start3A_64, %dma_start3A_65] : memref<1024x32xf32, #tpu.memory_space<vmem>> -> memref<128x32xf32, #tpu.memory_space<vmem>>
        %dma_start3A_67 = arith.constant 0 : i32
        %dma_start3A_68 = tpu.memref_slice %arg8[%dma_start3A_63, %dma_start3A_67] : memref<8x128xi32, #tpu.memory_space<vmem>> -> memref<1x128xi32, #tpu.memory_space<vmem>>
        %dma_start3A_69 = tpu.memref_squeeze %dma_start3A_68 : memref<1x128xi32, #tpu.memory_space<vmem>> -> memref<128xi32, #tpu.memory_space<vmem>>
        %dma_start3A_70 = arith.constant 0 : i32
        %dma_start3A_71 = arith.constant 0 : i32
        %dma_start3A_72 = tpu.memref_slice %arg2[%dma_start3A_70, %dma_start3A_71] : memref<55000x32xf32, #tpu.memory_space<hbm>> -> memref<55000x32xf32, #tpu.memory_space<hbm>>
        tpu.enqueue_indirect_dma source(%dma_start3A_72 : memref<55000x32xf32, #tpu.memory_space<hbm>>) target(%dma_start3A_66 : memref<128x32xf32, #tpu.memory_space<vmem>>) offsets(%dma_start3A_69 : memref<128xi32, #tpu.memory_space<vmem>>) semaphore(%arg11 : memref<!tpu.dma_semaphore, #tpu.memory_space<semaphore_mem>>)
        %dma_start3A_73 = arith.constant 6 : i32
        %dma_start3A_74 = arith.constant 768 : i32
        %dma_start3A_75 = arith.constant 0 : i32
        %dma_start3A_76 = tpu.memref_slice %arg10[%dma_start3A_74, %dma_start3A_75] : memref<1024x32xf32, #tpu.memory_space<vmem>> -> memref<128x32xf32, #tpu.memory_space<vmem>>
        %dma_start3A_77 = arith.constant 0 : i32
        %dma_start3A_78 = tpu.memref_slice %arg8[%dma_start3A_73, %dma_start3A_77] : memref<8x128xi32, #tpu.memory_space<vmem>> -> memref<1x128xi32, #tpu.memory_space<vmem>>
        %dma_start3A_79 = tpu.memref_squeeze %dma_start3A_78 : memref<1x128xi32, #tpu.memory_space<vmem>> -> memref<128xi32, #tpu.memory_space<vmem>>
        %dma_start3A_80 = arith.constant 0 : i32
        %dma_start3A_81 = arith.constant 0 : i32
        %dma_start3A_82 = tpu.memref_slice %arg2[%dma_start3A_80, %dma_start3A_81] : memref<55000x32xf32, #tpu.memory_space<hbm>> -> memref<55000x32xf32, #tpu.memory_space<hbm>>
        tpu.enqueue_indirect_dma source(%dma_start3A_82 : memref<55000x32xf32, #tpu.memory_space<hbm>>) target(%dma_start3A_76 : memref<128x32xf32, #tpu.memory_space<vmem>>) offsets(%dma_start3A_79 : memref<128xi32, #tpu.memory_space<vmem>>) semaphore(%arg11 : memref<!tpu.dma_semaphore, #tpu.memory_space<semaphore_mem>>)
        %dma_start3A_83 = arith.constant 7 : i32
        %dma_start3A_84 = arith.constant 896 : i32
        %dma_start3A_85 = arith.constant 0 : i32
        %dma_start3A_86 = tpu.memref_slice %arg10[%dma_start3A_84, %dma_start3A_85] : memref<1024x32xf32, #tpu.memory_space<vmem>> -> memref<128x32xf32, #tpu.memory_space<vmem>>
        %dma_start3A_87 = arith.constant 0 : i32
        %dma_start3A_88 = tpu.memref_slice %arg8[%dma_start3A_83, %dma_start3A_87] : memref<8x128xi32, #tpu.memory_space<vmem>> -> memref<1x128xi32, #tpu.memory_space<vmem>>
        %dma_start3A_89 = tpu.memref_squeeze %dma_start3A_88 : memref<1x128xi32, #tpu.memory_space<vmem>> -> memref<128xi32, #tpu.memory_space<vmem>>
        %dma_start3A_90 = arith.constant 0 : i32
        %dma_start3A_91 = arith.constant 0 : i32
        %dma_start3A_92 = tpu.memref_slice %arg2[%dma_start3A_90, %dma_start3A_91] : memref<55000x32xf32, #tpu.memory_space<hbm>> -> memref<55000x32xf32, #tpu.memory_space<hbm>>
        tpu.enqueue_indirect_dma source(%dma_start3A_92 : memref<55000x32xf32, #tpu.memory_space<hbm>>) target(%dma_start3A_86 : memref<128x32xf32, #tpu.memory_space<vmem>>) offsets(%dma_start3A_89 : memref<128xi32, #tpu.memory_space<vmem>>) semaphore(%arg11 : memref<!tpu.dma_semaphore, #tpu.memory_space<semaphore_mem>>)
        %dma_wait3A = arith.constant 0 : i32
        %dma_wait3A_93 = arith.constant 0 : i32
        %dma_wait3A_94 = arith.constant 0 : i32
        %dma_wait3A_95 = tpu.memref_slice %arg10[%dma_wait3A_93, %dma_wait3A_94] : memref<1024x32xf32, #tpu.memory_space<vmem>> -> memref<128x32xf32, #tpu.memory_space<vmem>>
        %dma_wait3A_96 = arith.constant 0 : i32
        %dma_wait3A_97 = tpu.memref_slice %arg8[%dma_wait3A, %dma_wait3A_96] : memref<8x128xi32, #tpu.memory_space<vmem>> -> memref<1x128xi32, #tpu.memory_space<vmem>>
        %dma_wait3A_98 = tpu.memref_squeeze %dma_wait3A_97 : memref<1x128xi32, #tpu.memory_space<vmem>> -> memref<128xi32, #tpu.memory_space<vmem>>
        %dma_wait3A_99 = arith.constant 0 : i32
        %dma_wait3A_100 = arith.constant 0 : i32
        %dma_wait3A_101 = tpu.memref_slice %arg2[%dma_wait3A_99, %dma_wait3A_100] : memref<55000x32xf32, #tpu.memory_space<hbm>> -> memref<55000x32xf32, #tpu.memory_space<hbm>>
        tpu.wait_indirect_dma semaphore(%arg11 : memref<!tpu.dma_semaphore, #tpu.memory_space<semaphore_mem>>) src(%dma_wait3A_101 : memref<55000x32xf32, #tpu.memory_space<hbm>>) dst(%dma_wait3A_95 : memref<128x32xf32, #tpu.memory_space<vmem>>)
        %dma_wait3A_102 = arith.constant 1 : i32
        %dma_wait3A_103 = arith.constant 128 : i32
        %dma_wait3A_104 = arith.constant 0 : i32
        %dma_wait3A_105 = tpu.memref_slice %arg10[%dma_wait3A_103, %dma_wait3A_104] : memref<1024x32xf32, #tpu.memory_space<vmem>> -> memref<128x32xf32, #tpu.memory_space<vmem>>
        %dma_wait3A_106 = arith.constant 0 : i32
        %dma_wait3A_107 = tpu.memref_slice %arg8[%dma_wait3A_102, %dma_wait3A_106] : memref<8x128xi32, #tpu.memory_space<vmem>> -> memref<1x128xi32, #tpu.memory_space<vmem>>
        %dma_wait3A_108 = tpu.memref_squeeze %dma_wait3A_107 : memref<1x128xi32, #tpu.memory_space<vmem>> -> memref<128xi32, #tpu.memory_space<vmem>>
        %dma_wait3A_109 = arith.constant 0 : i32
        %dma_wait3A_110 = arith.constant 0 : i32
        %dma_wait3A_111 = tpu.memref_slice %arg2[%dma_wait3A_109, %dma_wait3A_110] : memref<55000x32xf32, #tpu.memory_space<hbm>> -> memref<55000x32xf32, #tpu.memory_space<hbm>>
        tpu.wait_indirect_dma semaphore(%arg11 : memref<!tpu.dma_semaphore, #tpu.memory_space<semaphore_mem>>) src(%dma_wait3A_111 : memref<55000x32xf32, #tpu.memory_space<hbm>>) dst(%dma_wait3A_105 : memref<128x32xf32, #tpu.memory_space<vmem>>)
        %dma_wait3A_112 = arith.constant 2 : i32
        %dma_wait3A_113 = arith.constant 256 : i32
        %dma_wait3A_114 = arith.constant 0 : i32
        %dma_wait3A_115 = tpu.memref_slice %arg10[%dma_wait3A_113, %dma_wait3A_114] : memref<1024x32xf32, #tpu.memory_space<vmem>> -> memref<128x32xf32, #tpu.memory_space<vmem>>
        %dma_wait3A_116 = arith.constant 0 : i32
        %dma_wait3A_117 = tpu.memref_slice %arg8[%dma_wait3A_112, %dma_wait3A_116] : memref<8x128xi32, #tpu.memory_space<vmem>> -> memref<1x128xi32, #tpu.memory_space<vmem>>
        %dma_wait3A_118 = tpu.memref_squeeze %dma_wait3A_117 : memref<1x128xi32, #tpu.memory_space<vmem>> -> memref<128xi32, #tpu.memory_space<vmem>>
        %dma_wait3A_119 = arith.constant 0 : i32
        %dma_wait3A_120 = arith.constant 0 : i32
        %dma_wait3A_121 = tpu.memref_slice %arg2[%dma_wait3A_119, %dma_wait3A_120] : memref<55000x32xf32, #tpu.memory_space<hbm>> -> memref<55000x32xf32, #tpu.memory_space<hbm>>
        tpu.wait_indirect_dma semaphore(%arg11 : memref<!tpu.dma_semaphore, #tpu.memory_space<semaphore_mem>>) src(%dma_wait3A_121 : memref<55000x32xf32, #tpu.memory_space<hbm>>) dst(%dma_wait3A_115 : memref<128x32xf32, #tpu.memory_space<vmem>>)
        %dma_wait3A_122 = arith.constant 3 : i32
        %dma_wait3A_123 = arith.constant 384 : i32
        %dma_wait3A_124 = arith.constant 0 : i32
        %dma_wait3A_125 = tpu.memref_slice %arg10[%dma_wait3A_123, %dma_wait3A_124] : memref<1024x32xf32, #tpu.memory_space<vmem>> -> memref<128x32xf32, #tpu.memory_space<vmem>>
        %dma_wait3A_126 = arith.constant 0 : i32
        %dma_wait3A_127 = tpu.memref_slice %arg8[%dma_wait3A_122, %dma_wait3A_126] : memref<8x128xi32, #tpu.memory_space<vmem>> -> memref<1x128xi32, #tpu.memory_space<vmem>>
        %dma_wait3A_128 = tpu.memref_squeeze %dma_wait3A_127 : memref<1x128xi32, #tpu.memory_space<vmem>> -> memref<128xi32, #tpu.memory_space<vmem>>
        %dma_wait3A_129 = arith.constant 0 : i32
        %dma_wait3A_130 = arith.constant 0 : i32
        %dma_wait3A_131 = tpu.memref_slice %arg2[%dma_wait3A_129, %dma_wait3A_130] : memref<55000x32xf32, #tpu.memory_space<hbm>> -> memref<55000x32xf32, #tpu.memory_space<hbm>>
        tpu.wait_indirect_dma semaphore(%arg11 : memref<!tpu.dma_semaphore, #tpu.memory_space<semaphore_mem>>) src(%dma_wait3A_131 : memref<55000x32xf32, #tpu.memory_space<hbm>>) dst(%dma_wait3A_125 : memref<128x32xf32, #tpu.memory_space<vmem>>)
        %dma_wait3A_132 = arith.constant 4 : i32
        %dma_wait3A_133 = arith.constant 512 : i32
        %dma_wait3A_134 = arith.constant 0 : i32
        %dma_wait3A_135 = tpu.memref_slice %arg10[%dma_wait3A_133, %dma_wait3A_134] : memref<1024x32xf32, #tpu.memory_space<vmem>> -> memref<128x32xf32, #tpu.memory_space<vmem>>
        %dma_wait3A_136 = arith.constant 0 : i32
        %dma_wait3A_137 = tpu.memref_slice %arg8[%dma_wait3A_132, %dma_wait3A_136] : memref<8x128xi32, #tpu.memory_space<vmem>> -> memref<1x128xi32, #tpu.memory_space<vmem>>
        %dma_wait3A_138 = tpu.memref_squeeze %dma_wait3A_137 : memref<1x128xi32, #tpu.memory_space<vmem>> -> memref<128xi32, #tpu.memory_space<vmem>>
        %dma_wait3A_139 = arith.constant 0 : i32
        %dma_wait3A_140 = arith.constant 0 : i32
        %dma_wait3A_141 = tpu.memref_slice %arg2[%dma_wait3A_139, %dma_wait3A_140] : memref<55000x32xf32, #tpu.memory_space<hbm>> -> memref<55000x32xf32, #tpu.memory_space<hbm>>
        tpu.wait_indirect_dma semaphore(%arg11 : memref<!tpu.dma_semaphore, #tpu.memory_space<semaphore_mem>>) src(%dma_wait3A_141 : memref<55000x32xf32, #tpu.memory_space<hbm>>) dst(%dma_wait3A_135 : memref<128x32xf32, #tpu.memory_space<vmem>>)
        %dma_wait3A_142 = arith.constant 5 : i32
        %dma_wait3A_143 = arith.constant 640 : i32
        %dma_wait3A_144 = arith.constant 0 : i32
        %dma_wait3A_145 = tpu.memref_slice %arg10[%dma_wait3A_143, %dma_wait3A_144] : memref<1024x32xf32, #tpu.memory_space<vmem>> -> memref<128x32xf32, #tpu.memory_space<vmem>>
        %dma_wait3A_146 = arith.constant 0 : i32
        %dma_wait3A_147 = tpu.memref_slice %arg8[%dma_wait3A_142, %dma_wait3A_146] : memref<8x128xi32, #tpu.memory_space<vmem>> -> memref<1x128xi32, #tpu.memory_space<vmem>>
        %dma_wait3A_148 = tpu.memref_squeeze %dma_wait3A_147 : memref<1x128xi32, #tpu.memory_space<vmem>> -> memref<128xi32, #tpu.memory_space<vmem>>
        %dma_wait3A_149 = arith.constant 0 : i32
        %dma_wait3A_150 = arith.constant 0 : i32
        %dma_wait3A_151 = tpu.memref_slice %arg2[%dma_wait3A_149, %dma_wait3A_150] : memref<55000x32xf32, #tpu.memory_space<hbm>> -> memref<55000x32xf32, #tpu.memory_space<hbm>>
        tpu.wait_indirect_dma semaphore(%arg11 : memref<!tpu.dma_semaphore, #tpu.memory_space<semaphore_mem>>) src(%dma_wait3A_151 : memref<55000x32xf32, #tpu.memory_space<hbm>>) dst(%dma_wait3A_145 : memref<128x32xf32, #tpu.memory_space<vmem>>)
        %dma_wait3A_152 = arith.constant 6 : i32
        %dma_wait3A_153 = arith.constant 768 : i32
        %dma_wait3A_154 = arith.constant 0 : i32
        %dma_wait3A_155 = tpu.memref_slice %arg10[%dma_wait3A_153, %dma_wait3A_154] : memref<1024x32xf32, #tpu.memory_space<vmem>> -> memref<128x32xf32, #tpu.memory_space<vmem>>
        %dma_wait3A_156 = arith.constant 0 : i32
        %dma_wait3A_157 = tpu.memref_slice %arg8[%dma_wait3A_152, %dma_wait3A_156] : memref<8x128xi32, #tpu.memory_space<vmem>> -> memref<1x128xi32, #tpu.memory_space<vmem>>
        %dma_wait3A_158 = tpu.memref_squeeze %dma_wait3A_157 : memref<1x128xi32, #tpu.memory_space<vmem>> -> memref<128xi32, #tpu.memory_space<vmem>>
        %dma_wait3A_159 = arith.constant 0 : i32
        %dma_wait3A_160 = arith.constant 0 : i32
        %dma_wait3A_161 = tpu.memref_slice %arg2[%dma_wait3A_159, %dma_wait3A_160] : memref<55000x32xf32, #tpu.memory_space<hbm>> -> memref<55000x32xf32, #tpu.memory_space<hbm>>
        tpu.wait_indirect_dma semaphore(%arg11 : memref<!tpu.dma_semaphore, #tpu.memory_space<semaphore_mem>>) src(%dma_wait3A_161 : memref<55000x32xf32, #tpu.memory_space<hbm>>) dst(%dma_wait3A_155 : memref<128x32xf32, #tpu.memory_space<vmem>>)
        %dma_wait3A_162 = arith.constant 7 : i32
        %dma_wait3A_163 = arith.constant 896 : i32
        %dma_wait3A_164 = arith.constant 0 : i32
        %dma_wait3A_165 = tpu.memref_slice %arg10[%dma_wait3A_163, %dma_wait3A_164] : memref<1024x32xf32, #tpu.memory_space<vmem>> -> memref<128x32xf32, #tpu.memory_space<vmem>>
        %dma_wait3A_166 = arith.constant 0 : i32
        %dma_wait3A_167 = tpu.memref_slice %arg8[%dma_wait3A_162, %dma_wait3A_166] : memref<8x128xi32, #tpu.memory_space<vmem>> -> memref<1x128xi32, #tpu.memory_space<vmem>>
        %dma_wait3A_168 = tpu.memref_squeeze %dma_wait3A_167 : memref<1x128xi32, #tpu.memory_space<vmem>> -> memref<128xi32, #tpu.memory_space<vmem>>
        %dma_wait3A_169 = arith.constant 0 : i32
        %dma_wait3A_170 = arith.constant 0 : i32
        %dma_wait3A_171 = tpu.memref_slice %arg2[%dma_wait3A_169, %dma_wait3A_170] : memref<55000x32xf32, #tpu.memory_space<hbm>> -> memref<55000x32xf32, #tpu.memory_space<hbm>>
        tpu.wait_indirect_dma semaphore(%arg11 : memref<!tpu.dma_semaphore, #tpu.memory_space<semaphore_mem>>) src(%dma_wait3A_171 : memref<55000x32xf32, #tpu.memory_space<hbm>>) dst(%dma_wait3A_165 : memref<128x32xf32, #tpu.memory_space<vmem>>)
        %mul3A_172 = arith.constant 1024 : i32
        %mul3A_173 = arith.muli %add3A_9, %mul3A_172 : i32
        "tpu.region"() ({
          %run_scoped3A = tpu.sem_alloc : memref<!tpu.dma_semaphore, #tpu.memory_space<semaphore_mem>>
          %dma_start3A_336 = arith.constant 0 : i32
          %dma_start3A_337 = tpu.memref_slice %arg6[%mul3A_173, %dma_start3A_336] : memref<806912x32xf32, #tpu.memory_space<hbm>> -> memref<1024x32xf32, #tpu.memory_space<hbm>>
          %dma_start3A_338 = arith.constant 0 : i32
          %dma_start3A_339 = tpu.memref_slice %arg6[%mul3A_173, %dma_start3A_338] : memref<806912x32xf32, #tpu.memory_space<hbm>> -> memref<1024x32xf32, #tpu.memory_space<hbm>>
          tpu.enqueue_dma source(%arg10 : memref<1024x32xf32, #tpu.memory_space<vmem>>) target(%dma_start3A_339 : memref<1024x32xf32, #tpu.memory_space<hbm>>) target_semaphore(%run_scoped3A : memref<!tpu.dma_semaphore, #tpu.memory_space<semaphore_mem>>)
          %dma_wait3A_340 = arith.constant 0 : i32
          %dma_wait3A_341 = tpu.memref_slice %arg6[%mul3A_173, %dma_wait3A_340] : memref<806912x32xf32, #tpu.memory_space<hbm>> -> memref<1024x32xf32, #tpu.memory_space<hbm>>
          %dma_wait3A_342 = arith.constant 0 : i32
          %dma_wait3A_343 = tpu.memref_slice %arg6[%mul3A_173, %dma_wait3A_342] : memref<806912x32xf32, #tpu.memory_space<hbm>> -> memref<1024x32xf32, #tpu.memory_space<hbm>>
          tpu.wait_dma2 semaphore(%run_scoped3A : memref<!tpu.dma_semaphore, #tpu.memory_space<semaphore_mem>>) src(%arg10 : memref<1024x32xf32, #tpu.memory_space<vmem>>) dst(%dma_wait3A_343 : memref<1024x32xf32, #tpu.memory_space<hbm>>)
          tpu.yield
        }) : () -> ()
        %dma_start3A_174 = arith.constant 0 : i32
        %dma_start3A_175 = arith.constant 0 : i32
        %dma_start3A_176 = arith.constant 0 : i32
        %dma_start3A_177 = tpu.memref_slice %arg10[%dma_start3A_175, %dma_start3A_176] : memref<1024x32xf32, #tpu.memory_space<vmem>> -> memref<128x32xf32, #tpu.memory_space<vmem>>
        %dma_start3A_178 = arith.constant 0 : i32
        %dma_start3A_179 = tpu.memref_slice %arg9[%dma_start3A_174, %dma_start3A_178] : memref<8x128xi32, #tpu.memory_space<vmem>> -> memref<1x128xi32, #tpu.memory_space<vmem>>
        %dma_start3A_180 = tpu.memref_squeeze %dma_start3A_179 : memref<1x128xi32, #tpu.memory_space<vmem>> -> memref<128xi32, #tpu.memory_space<vmem>>
        %dma_start3A_181 = arith.constant 0 : i32
        %dma_start3A_182 = arith.constant 0 : i32
        %dma_start3A_183 = tpu.memref_slice %arg3[%dma_start3A_181, %dma_start3A_182] : memref<55000x32xf32, #tpu.memory_space<hbm>> -> memref<55000x32xf32, #tpu.memory_space<hbm>>
        tpu.enqueue_indirect_dma source(%dma_start3A_183 : memref<55000x32xf32, #tpu.memory_space<hbm>>) target(%dma_start3A_177 : memref<128x32xf32, #tpu.memory_space<vmem>>) offsets(%dma_start3A_180 : memref<128xi32, #tpu.memory_space<vmem>>) semaphore(%arg11 : memref<!tpu.dma_semaphore, #tpu.memory_space<semaphore_mem>>)
        %dma_start3A_184 = arith.constant 1 : i32
        %dma_start3A_185 = arith.constant 128 : i32
        %dma_start3A_186 = arith.constant 0 : i32
        %dma_start3A_187 = tpu.memref_slice %arg10[%dma_start3A_185, %dma_start3A_186] : memref<1024x32xf32, #tpu.memory_space<vmem>> -> memref<128x32xf32, #tpu.memory_space<vmem>>
        %dma_start3A_188 = arith.constant 0 : i32
        %dma_start3A_189 = tpu.memref_slice %arg9[%dma_start3A_184, %dma_start3A_188] : memref<8x128xi32, #tpu.memory_space<vmem>> -> memref<1x128xi32, #tpu.memory_space<vmem>>
        %dma_start3A_190 = tpu.memref_squeeze %dma_start3A_189 : memref<1x128xi32, #tpu.memory_space<vmem>> -> memref<128xi32, #tpu.memory_space<vmem>>
        %dma_start3A_191 = arith.constant 0 : i32
        %dma_start3A_192 = arith.constant 0 : i32
        %dma_start3A_193 = tpu.memref_slice %arg3[%dma_start3A_191, %dma_start3A_192] : memref<55000x32xf32, #tpu.memory_space<hbm>> -> memref<55000x32xf32, #tpu.memory_space<hbm>>
        tpu.enqueue_indirect_dma source(%dma_start3A_193 : memref<55000x32xf32, #tpu.memory_space<hbm>>) target(%dma_start3A_187 : memref<128x32xf32, #tpu.memory_space<vmem>>) offsets(%dma_start3A_190 : memref<128xi32, #tpu.memory_space<vmem>>) semaphore(%arg11 : memref<!tpu.dma_semaphore, #tpu.memory_space<semaphore_mem>>)
        %dma_start3A_194 = arith.constant 2 : i32
        %dma_start3A_195 = arith.constant 256 : i32
        %dma_start3A_196 = arith.constant 0 : i32
        %dma_start3A_197 = tpu.memref_slice %arg10[%dma_start3A_195, %dma_start3A_196] : memref<1024x32xf32, #tpu.memory_space<vmem>> -> memref<128x32xf32, #tpu.memory_space<vmem>>
        %dma_start3A_198 = arith.constant 0 : i32
        %dma_start3A_199 = tpu.memref_slice %arg9[%dma_start3A_194, %dma_start3A_198] : memref<8x128xi32, #tpu.memory_space<vmem>> -> memref<1x128xi32, #tpu.memory_space<vmem>>
        %dma_start3A_200 = tpu.memref_squeeze %dma_start3A_199 : memref<1x128xi32, #tpu.memory_space<vmem>> -> memref<128xi32, #tpu.memory_space<vmem>>
        %dma_start3A_201 = arith.constant 0 : i32
        %dma_start3A_202 = arith.constant 0 : i32
        %dma_start3A_203 = tpu.memref_slice %arg3[%dma_start3A_201, %dma_start3A_202] : memref<55000x32xf32, #tpu.memory_space<hbm>> -> memref<55000x32xf32, #tpu.memory_space<hbm>>
        tpu.enqueue_indirect_dma source(%dma_start3A_203 : memref<55000x32xf32, #tpu.memory_space<hbm>>) target(%dma_start3A_197 : memref<128x32xf32, #tpu.memory_space<vmem>>) offsets(%dma_start3A_200 : memref<128xi32, #tpu.memory_space<vmem>>) semaphore(%arg11 : memref<!tpu.dma_semaphore, #tpu.memory_space<semaphore_mem>>)
        %dma_start3A_204 = arith.constant 3 : i32
        %dma_start3A_205 = arith.constant 384 : i32
        %dma_start3A_206 = arith.constant 0 : i32
        %dma_start3A_207 = tpu.memref_slice %arg10[%dma_start3A_205, %dma_start3A_206] : memref<1024x32xf32, #tpu.memory_space<vmem>> -> memref<128x32xf32, #tpu.memory_space<vmem>>
        %dma_start3A_208 = arith.constant 0 : i32
        %dma_start3A_209 = tpu.memref_slice %arg9[%dma_start3A_204, %dma_start3A_208] : memref<8x128xi32, #tpu.memory_space<vmem>> -> memref<1x128xi32, #tpu.memory_space<vmem>>
        %dma_start3A_210 = tpu.memref_squeeze %dma_start3A_209 : memref<1x128xi32, #tpu.memory_space<vmem>> -> memref<128xi32, #tpu.memory_space<vmem>>
        %dma_start3A_211 = arith.constant 0 : i32
        %dma_start3A_212 = arith.constant 0 : i32
        %dma_start3A_213 = tpu.memref_slice %arg3[%dma_start3A_211, %dma_start3A_212] : memref<55000x32xf32, #tpu.memory_space<hbm>> -> memref<55000x32xf32, #tpu.memory_space<hbm>>
        tpu.enqueue_indirect_dma source(%dma_start3A_213 : memref<55000x32xf32, #tpu.memory_space<hbm>>) target(%dma_start3A_207 : memref<128x32xf32, #tpu.memory_space<vmem>>) offsets(%dma_start3A_210 : memref<128xi32, #tpu.memory_space<vmem>>) semaphore(%arg11 : memref<!tpu.dma_semaphore, #tpu.memory_space<semaphore_mem>>)
        %dma_start3A_214 = arith.constant 4 : i32
        %dma_start3A_215 = arith.constant 512 : i32
        %dma_start3A_216 = arith.constant 0 : i32
        %dma_start3A_217 = tpu.memref_slice %arg10[%dma_start3A_215, %dma_start3A_216] : memref<1024x32xf32, #tpu.memory_space<vmem>> -> memref<128x32xf32, #tpu.memory_space<vmem>>
        %dma_start3A_218 = arith.constant 0 : i32
        %dma_start3A_219 = tpu.memref_slice %arg9[%dma_start3A_214, %dma_start3A_218] : memref<8x128xi32, #tpu.memory_space<vmem>> -> memref<1x128xi32, #tpu.memory_space<vmem>>
        %dma_start3A_220 = tpu.memref_squeeze %dma_start3A_219 : memref<1x128xi32, #tpu.memory_space<vmem>> -> memref<128xi32, #tpu.memory_space<vmem>>
        %dma_start3A_221 = arith.constant 0 : i32
        %dma_start3A_222 = arith.constant 0 : i32
        %dma_start3A_223 = tpu.memref_slice %arg3[%dma_start3A_221, %dma_start3A_222] : memref<55000x32xf32, #tpu.memory_space<hbm>> -> memref<55000x32xf32, #tpu.memory_space<hbm>>
        tpu.enqueue_indirect_dma source(%dma_start3A_223 : memref<55000x32xf32, #tpu.memory_space<hbm>>) target(%dma_start3A_217 : memref<128x32xf32, #tpu.memory_space<vmem>>) offsets(%dma_start3A_220 : memref<128xi32, #tpu.memory_space<vmem>>) semaphore(%arg11 : memref<!tpu.dma_semaphore, #tpu.memory_space<semaphore_mem>>)
        %dma_start3A_224 = arith.constant 5 : i32
        %dma_start3A_225 = arith.constant 640 : i32
        %dma_start3A_226 = arith.constant 0 : i32
        %dma_start3A_227 = tpu.memref_slice %arg10[%dma_start3A_225, %dma_start3A_226] : memref<1024x32xf32, #tpu.memory_space<vmem>> -> memref<128x32xf32, #tpu.memory_space<vmem>>
        %dma_start3A_228 = arith.constant 0 : i32
        %dma_start3A_229 = tpu.memref_slice %arg9[%dma_start3A_224, %dma_start3A_228] : memref<8x128xi32, #tpu.memory_space<vmem>> -> memref<1x128xi32, #tpu.memory_space<vmem>>
        %dma_start3A_230 = tpu.memref_squeeze %dma_start3A_229 : memref<1x128xi32, #tpu.memory_space<vmem>> -> memref<128xi32, #tpu.memory_space<vmem>>
        %dma_start3A_231 = arith.constant 0 : i32
        %dma_start3A_232 = arith.constant 0 : i32
        %dma_start3A_233 = tpu.memref_slice %arg3[%dma_start3A_231, %dma_start3A_232] : memref<55000x32xf32, #tpu.memory_space<hbm>> -> memref<55000x32xf32, #tpu.memory_space<hbm>>
        tpu.enqueue_indirect_dma source(%dma_start3A_233 : memref<55000x32xf32, #tpu.memory_space<hbm>>) target(%dma_start3A_227 : memref<128x32xf32, #tpu.memory_space<vmem>>) offsets(%dma_start3A_230 : memref<128xi32, #tpu.memory_space<vmem>>) semaphore(%arg11 : memref<!tpu.dma_semaphore, #tpu.memory_space<semaphore_mem>>)
        %dma_start3A_234 = arith.constant 6 : i32
        %dma_start3A_235 = arith.constant 768 : i32
        %dma_start3A_236 = arith.constant 0 : i32
        %dma_start3A_237 = tpu.memref_slice %arg10[%dma_start3A_235, %dma_start3A_236] : memref<1024x32xf32, #tpu.memory_space<vmem>> -> memref<128x32xf32, #tpu.memory_space<vmem>>
        %dma_start3A_238 = arith.constant 0 : i32
        %dma_start3A_239 = tpu.memref_slice %arg9[%dma_start3A_234, %dma_start3A_238] : memref<8x128xi32, #tpu.memory_space<vmem>> -> memref<1x128xi32, #tpu.memory_space<vmem>>
        %dma_start3A_240 = tpu.memref_squeeze %dma_start3A_239 : memref<1x128xi32, #tpu.memory_space<vmem>> -> memref<128xi32, #tpu.memory_space<vmem>>
        %dma_start3A_241 = arith.constant 0 : i32
        %dma_start3A_242 = arith.constant 0 : i32
        %dma_start3A_243 = tpu.memref_slice %arg3[%dma_start3A_241, %dma_start3A_242] : memref<55000x32xf32, #tpu.memory_space<hbm>> -> memref<55000x32xf32, #tpu.memory_space<hbm>>
        tpu.enqueue_indirect_dma source(%dma_start3A_243 : memref<55000x32xf32, #tpu.memory_space<hbm>>) target(%dma_start3A_237 : memref<128x32xf32, #tpu.memory_space<vmem>>) offsets(%dma_start3A_240 : memref<128xi32, #tpu.memory_space<vmem>>) semaphore(%arg11 : memref<!tpu.dma_semaphore, #tpu.memory_space<semaphore_mem>>)
        %dma_start3A_244 = arith.constant 7 : i32
        %dma_start3A_245 = arith.constant 896 : i32
        %dma_start3A_246 = arith.constant 0 : i32
        %dma_start3A_247 = tpu.memref_slice %arg10[%dma_start3A_245, %dma_start3A_246] : memref<1024x32xf32, #tpu.memory_space<vmem>> -> memref<128x32xf32, #tpu.memory_space<vmem>>
        %dma_start3A_248 = arith.constant 0 : i32
        %dma_start3A_249 = tpu.memref_slice %arg9[%dma_start3A_244, %dma_start3A_248] : memref<8x128xi32, #tpu.memory_space<vmem>> -> memref<1x128xi32, #tpu.memory_space<vmem>>
        %dma_start3A_250 = tpu.memref_squeeze %dma_start3A_249 : memref<1x128xi32, #tpu.memory_space<vmem>> -> memref<128xi32, #tpu.memory_space<vmem>>
        %dma_start3A_251 = arith.constant 0 : i32
        %dma_start3A_252 = arith.constant 0 : i32
        %dma_start3A_253 = tpu.memref_slice %arg3[%dma_start3A_251, %dma_start3A_252] : memref<55000x32xf32, #tpu.memory_space<hbm>> -> memref<55000x32xf32, #tpu.memory_space<hbm>>
        tpu.enqueue_indirect_dma source(%dma_start3A_253 : memref<55000x32xf32, #tpu.memory_space<hbm>>) target(%dma_start3A_247 : memref<128x32xf32, #tpu.memory_space<vmem>>) offsets(%dma_start3A_250 : memref<128xi32, #tpu.memory_space<vmem>>) semaphore(%arg11 : memref<!tpu.dma_semaphore, #tpu.memory_space<semaphore_mem>>)
        %dma_wait3A_254 = arith.constant 0 : i32
        %dma_wait3A_255 = arith.constant 0 : i32
        %dma_wait3A_256 = arith.constant 0 : i32
        %dma_wait3A_257 = tpu.memref_slice %arg10[%dma_wait3A_255, %dma_wait3A_256] : memref<1024x32xf32, #tpu.memory_space<vmem>> -> memref<128x32xf32, #tpu.memory_space<vmem>>
        %dma_wait3A_258 = arith.constant 0 : i32
        %dma_wait3A_259 = tpu.memref_slice %arg9[%dma_wait3A_254, %dma_wait3A_258] : memref<8x128xi32, #tpu.memory_space<vmem>> -> memref<1x128xi32, #tpu.memory_space<vmem>>
        %dma_wait3A_260 = tpu.memref_squeeze %dma_wait3A_259 : memref<1x128xi32, #tpu.memory_space<vmem>> -> memref<128xi32, #tpu.memory_space<vmem>>
        %dma_wait3A_261 = arith.constant 0 : i32
        %dma_wait3A_262 = arith.constant 0 : i32
        %dma_wait3A_263 = tpu.memref_slice %arg3[%dma_wait3A_261, %dma_wait3A_262] : memref<55000x32xf32, #tpu.memory_space<hbm>> -> memref<55000x32xf32, #tpu.memory_space<hbm>>
        tpu.wait_indirect_dma semaphore(%arg11 : memref<!tpu.dma_semaphore, #tpu.memory_space<semaphore_mem>>) src(%dma_wait3A_263 : memref<55000x32xf32, #tpu.memory_space<hbm>>) dst(%dma_wait3A_257 : memref<128x32xf32, #tpu.memory_space<vmem>>)
        %dma_wait3A_264 = arith.constant 1 : i32
        %dma_wait3A_265 = arith.constant 128 : i32
        %dma_wait3A_266 = arith.constant 0 : i32
        %dma_wait3A_267 = tpu.memref_slice %arg10[%dma_wait3A_265, %dma_wait3A_266] : memref<1024x32xf32, #tpu.memory_space<vmem>> -> memref<128x32xf32, #tpu.memory_space<vmem>>
        %dma_wait3A_268 = arith.constant 0 : i32
        %dma_wait3A_269 = tpu.memref_slice %arg9[%dma_wait3A_264, %dma_wait3A_268] : memref<8x128xi32, #tpu.memory_space<vmem>> -> memref<1x128xi32, #tpu.memory_space<vmem>>
        %dma_wait3A_270 = tpu.memref_squeeze %dma_wait3A_269 : memref<1x128xi32, #tpu.memory_space<vmem>> -> memref<128xi32, #tpu.memory_space<vmem>>
        %dma_wait3A_271 = arith.constant 0 : i32
        %dma_wait3A_272 = arith.constant 0 : i32
        %dma_wait3A_273 = tpu.memref_slice %arg3[%dma_wait3A_271, %dma_wait3A_272] : memref<55000x32xf32, #tpu.memory_space<hbm>> -> memref<55000x32xf32, #tpu.memory_space<hbm>>
        tpu.wait_indirect_dma semaphore(%arg11 : memref<!tpu.dma_semaphore, #tpu.memory_space<semaphore_mem>>) src(%dma_wait3A_273 : memref<55000x32xf32, #tpu.memory_space<hbm>>) dst(%dma_wait3A_267 : memref<128x32xf32, #tpu.memory_space<vmem>>)
        %dma_wait3A_274 = arith.constant 2 : i32
        %dma_wait3A_275 = arith.constant 256 : i32
        %dma_wait3A_276 = arith.constant 0 : i32
        %dma_wait3A_277 = tpu.memref_slice %arg10[%dma_wait3A_275, %dma_wait3A_276] : memref<1024x32xf32, #tpu.memory_space<vmem>> -> memref<128x32xf32, #tpu.memory_space<vmem>>
        %dma_wait3A_278 = arith.constant 0 : i32
        %dma_wait3A_279 = tpu.memref_slice %arg9[%dma_wait3A_274, %dma_wait3A_278] : memref<8x128xi32, #tpu.memory_space<vmem>> -> memref<1x128xi32, #tpu.memory_space<vmem>>
        %dma_wait3A_280 = tpu.memref_squeeze %dma_wait3A_279 : memref<1x128xi32, #tpu.memory_space<vmem>> -> memref<128xi32, #tpu.memory_space<vmem>>
        %dma_wait3A_281 = arith.constant 0 : i32
        %dma_wait3A_282 = arith.constant 0 : i32
        %dma_wait3A_283 = tpu.memref_slice %arg3[%dma_wait3A_281, %dma_wait3A_282] : memref<55000x32xf32, #tpu.memory_space<hbm>> -> memref<55000x32xf32, #tpu.memory_space<hbm>>
        tpu.wait_indirect_dma semaphore(%arg11 : memref<!tpu.dma_semaphore, #tpu.memory_space<semaphore_mem>>) src(%dma_wait3A_283 : memref<55000x32xf32, #tpu.memory_space<hbm>>) dst(%dma_wait3A_277 : memref<128x32xf32, #tpu.memory_space<vmem>>)
        %dma_wait3A_284 = arith.constant 3 : i32
        %dma_wait3A_285 = arith.constant 384 : i32
        %dma_wait3A_286 = arith.constant 0 : i32
        %dma_wait3A_287 = tpu.memref_slice %arg10[%dma_wait3A_285, %dma_wait3A_286] : memref<1024x32xf32, #tpu.memory_space<vmem>> -> memref<128x32xf32, #tpu.memory_space<vmem>>
        %dma_wait3A_288 = arith.constant 0 : i32
        %dma_wait3A_289 = tpu.memref_slice %arg9[%dma_wait3A_284, %dma_wait3A_288] : memref<8x128xi32, #tpu.memory_space<vmem>> -> memref<1x128xi32, #tpu.memory_space<vmem>>
        %dma_wait3A_290 = tpu.memref_squeeze %dma_wait3A_289 : memref<1x128xi32, #tpu.memory_space<vmem>> -> memref<128xi32, #tpu.memory_space<vmem>>
        %dma_wait3A_291 = arith.constant 0 : i32
        %dma_wait3A_292 = arith.constant 0 : i32
        %dma_wait3A_293 = tpu.memref_slice %arg3[%dma_wait3A_291, %dma_wait3A_292] : memref<55000x32xf32, #tpu.memory_space<hbm>> -> memref<55000x32xf32, #tpu.memory_space<hbm>>
        tpu.wait_indirect_dma semaphore(%arg11 : memref<!tpu.dma_semaphore, #tpu.memory_space<semaphore_mem>>) src(%dma_wait3A_293 : memref<55000x32xf32, #tpu.memory_space<hbm>>) dst(%dma_wait3A_287 : memref<128x32xf32, #tpu.memory_space<vmem>>)
        %dma_wait3A_294 = arith.constant 4 : i32
        %dma_wait3A_295 = arith.constant 512 : i32
        %dma_wait3A_296 = arith.constant 0 : i32
        %dma_wait3A_297 = tpu.memref_slice %arg10[%dma_wait3A_295, %dma_wait3A_296] : memref<1024x32xf32, #tpu.memory_space<vmem>> -> memref<128x32xf32, #tpu.memory_space<vmem>>
        %dma_wait3A_298 = arith.constant 0 : i32
        %dma_wait3A_299 = tpu.memref_slice %arg9[%dma_wait3A_294, %dma_wait3A_298] : memref<8x128xi32, #tpu.memory_space<vmem>> -> memref<1x128xi32, #tpu.memory_space<vmem>>
        %dma_wait3A_300 = tpu.memref_squeeze %dma_wait3A_299 : memref<1x128xi32, #tpu.memory_space<vmem>> -> memref<128xi32, #tpu.memory_space<vmem>>
        %dma_wait3A_301 = arith.constant 0 : i32
        %dma_wait3A_302 = arith.constant 0 : i32
        %dma_wait3A_303 = tpu.memref_slice %arg3[%dma_wait3A_301, %dma_wait3A_302] : memref<55000x32xf32, #tpu.memory_space<hbm>> -> memref<55000x32xf32, #tpu.memory_space<hbm>>
        tpu.wait_indirect_dma semaphore(%arg11 : memref<!tpu.dma_semaphore, #tpu.memory_space<semaphore_mem>>) src(%dma_wait3A_303 : memref<55000x32xf32, #tpu.memory_space<hbm>>) dst(%dma_wait3A_297 : memref<128x32xf32, #tpu.memory_space<vmem>>)
        %dma_wait3A_304 = arith.constant 5 : i32
        %dma_wait3A_305 = arith.constant 640 : i32
        %dma_wait3A_306 = arith.constant 0 : i32
        %dma_wait3A_307 = tpu.memref_slice %arg10[%dma_wait3A_305, %dma_wait3A_306] : memref<1024x32xf32, #tpu.memory_space<vmem>> -> memref<128x32xf32, #tpu.memory_space<vmem>>
        %dma_wait3A_308 = arith.constant 0 : i32
        %dma_wait3A_309 = tpu.memref_slice %arg9[%dma_wait3A_304, %dma_wait3A_308] : memref<8x128xi32, #tpu.memory_space<vmem>> -> memref<1x128xi32, #tpu.memory_space<vmem>>
        %dma_wait3A_310 = tpu.memref_squeeze %dma_wait3A_309 : memref<1x128xi32, #tpu.memory_space<vmem>> -> memref<128xi32, #tpu.memory_space<vmem>>
        %dma_wait3A_311 = arith.constant 0 : i32
        %dma_wait3A_312 = arith.constant 0 : i32
        %dma_wait3A_313 = tpu.memref_slice %arg3[%dma_wait3A_311, %dma_wait3A_312] : memref<55000x32xf32, #tpu.memory_space<hbm>> -> memref<55000x32xf32, #tpu.memory_space<hbm>>
        tpu.wait_indirect_dma semaphore(%arg11 : memref<!tpu.dma_semaphore, #tpu.memory_space<semaphore_mem>>) src(%dma_wait3A_313 : memref<55000x32xf32, #tpu.memory_space<hbm>>) dst(%dma_wait3A_307 : memref<128x32xf32, #tpu.memory_space<vmem>>)
        %dma_wait3A_314 = arith.constant 6 : i32
        %dma_wait3A_315 = arith.constant 768 : i32
        %dma_wait3A_316 = arith.constant 0 : i32
        %dma_wait3A_317 = tpu.memref_slice %arg10[%dma_wait3A_315, %dma_wait3A_316] : memref<1024x32xf32, #tpu.memory_space<vmem>> -> memref<128x32xf32, #tpu.memory_space<vmem>>
        %dma_wait3A_318 = arith.constant 0 : i32
        %dma_wait3A_319 = tpu.memref_slice %arg9[%dma_wait3A_314, %dma_wait3A_318] : memref<8x128xi32, #tpu.memory_space<vmem>> -> memref<1x128xi32, #tpu.memory_space<vmem>>
        %dma_wait3A_320 = tpu.memref_squeeze %dma_wait3A_319 : memref<1x128xi32, #tpu.memory_space<vmem>> -> memref<128xi32, #tpu.memory_space<vmem>>
        %dma_wait3A_321 = arith.constant 0 : i32
        %dma_wait3A_322 = arith.constant 0 : i32
        %dma_wait3A_323 = tpu.memref_slice %arg3[%dma_wait3A_321, %dma_wait3A_322] : memref<55000x32xf32, #tpu.memory_space<hbm>> -> memref<55000x32xf32, #tpu.memory_space<hbm>>
        tpu.wait_indirect_dma semaphore(%arg11 : memref<!tpu.dma_semaphore, #tpu.memory_space<semaphore_mem>>) src(%dma_wait3A_323 : memref<55000x32xf32, #tpu.memory_space<hbm>>) dst(%dma_wait3A_317 : memref<128x32xf32, #tpu.memory_space<vmem>>)
        %dma_wait3A_324 = arith.constant 7 : i32
        %dma_wait3A_325 = arith.constant 896 : i32
        %dma_wait3A_326 = arith.constant 0 : i32
        %dma_wait3A_327 = tpu.memref_slice %arg10[%dma_wait3A_325, %dma_wait3A_326] : memref<1024x32xf32, #tpu.memory_space<vmem>> -> memref<128x32xf32, #tpu.memory_space<vmem>>
        %dma_wait3A_328 = arith.constant 0 : i32
        %dma_wait3A_329 = tpu.memref_slice %arg9[%dma_wait3A_324, %dma_wait3A_328] : memref<8x128xi32, #tpu.memory_space<vmem>> -> memref<1x128xi32, #tpu.memory_space<vmem>>
        %dma_wait3A_330 = tpu.memref_squeeze %dma_wait3A_329 : memref<1x128xi32, #tpu.memory_space<vmem>> -> memref<128xi32, #tpu.memory_space<vmem>>
        %dma_wait3A_331 = arith.constant 0 : i32
        %dma_wait3A_332 = arith.constant 0 : i32
        %dma_wait3A_333 = tpu.memref_slice %arg3[%dma_wait3A_331, %dma_wait3A_332] : memref<55000x32xf32, #tpu.memory_space<hbm>> -> memref<55000x32xf32, #tpu.memory_space<hbm>>
        tpu.wait_indirect_dma semaphore(%arg11 : memref<!tpu.dma_semaphore, #tpu.memory_space<semaphore_mem>>) src(%dma_wait3A_333 : memref<55000x32xf32, #tpu.memory_space<hbm>>) dst(%dma_wait3A_327 : memref<128x32xf32, #tpu.memory_space<vmem>>)
        %mul3A_334 = arith.constant 1024 : i32
        %mul3A_335 = arith.muli %add3A_9, %mul3A_334 : i32
        "tpu.region"() ({
          %run_scoped3A = tpu.sem_alloc : memref<!tpu.dma_semaphore, #tpu.memory_space<semaphore_mem>>
          %dma_start3A_336 = arith.constant 0 : i32
          %dma_start3A_337 = tpu.memref_slice %arg7[%mul3A_335, %dma_start3A_336] : memref<806912x32xf32, #tpu.memory_space<hbm>> -> memref<1024x32xf32, #tpu.memory_space<hbm>>
          %dma_start3A_338 = arith.constant 0 : i32
          %dma_start3A_339 = tpu.memref_slice %arg7[%mul3A_335, %dma_start3A_338] : memref<806912x32xf32, #tpu.memory_space<hbm>> -> memref<1024x32xf32, #tpu.memory_space<hbm>>
          tpu.enqueue_dma source(%arg10 : memref<1024x32xf32, #tpu.memory_space<vmem>>) target(%dma_start3A_339 : memref<1024x32xf32, #tpu.memory_space<hbm>>) target_semaphore(%run_scoped3A : memref<!tpu.dma_semaphore, #tpu.memory_space<semaphore_mem>>)
          %dma_wait3A_340 = arith.constant 0 : i32
          %dma_wait3A_341 = tpu.memref_slice %arg7[%mul3A_335, %dma_wait3A_340] : memref<806912x32xf32, #tpu.memory_space<hbm>> -> memref<1024x32xf32, #tpu.memory_space<hbm>>
          %dma_wait3A_342 = arith.constant 0 : i32
          %dma_wait3A_343 = tpu.memref_slice %arg7[%mul3A_335, %dma_wait3A_342] : memref<806912x32xf32, #tpu.memory_space<hbm>> -> memref<1024x32xf32, #tpu.memory_space<hbm>>
          tpu.wait_dma2 semaphore(%run_scoped3A : memref<!tpu.dma_semaphore, #tpu.memory_space<semaphore_mem>>) src(%arg10 : memref<1024x32xf32, #tpu.memory_space<vmem>>) dst(%dma_wait3A_343 : memref<1024x32xf32, #tpu.memory_space<hbm>>)
          tpu.yield
        }) : () -> ()
      } else {
      }
    }
    %scan3A_5 = arith.constant 25 : i32
    return
  }
}

#map = affine_map<(d0, d1) -> (0, 0)>
module attributes {stable_mosaic.version = 14 : i64} {
  func.func @k(%arg0: i32, %arg1: i32, %arg2: memref<806912x64xf32, #tpu.memory_space<hbm>>, %arg3: memref<6304x128xi32, #tpu.memory_space<hbm>>, %arg4: memref<128x64xf32, #tpu.memory_space<hbm>>, %arg5: memref<55000x64xf32, #tpu.memory_space<hbm>>, %arg6: memref<1x128xi32, #tpu.memory_space<vmem>>, %arg7: memref<1x128xi32, #tpu.memory_space<vmem>>, %arg8: memref<128x64xf32, #tpu.memory_space<vmem>>, %arg9: memref<25088x64xf32, #tpu.memory_space<vmem_shared>>, %arg10: memref<!tpu.dma_semaphore, #tpu.memory_space<semaphore_mem>>) attributes {dimension_semantics = [#tpu.dimension_semantics<core_parallel>, #tpu.dimension_semantics<subcore_parallel>], iteration_bounds = array<i64: 2, 16>, scalar_prefetch = 0 : i64, scratch_operands = 5 : i64, tpu.core_type = #tpu.core_type<sc_vector_subcore>, window_params = [{transform_indices = #map}, {transform_indices = #map}, {transform_indices = #map}, {transform_indices = #map}]} {
    %mul3A = arith.constant 1 : i32
    %mul3A_0 = arith.muli %arg0, %mul3A : i32
    %add3A = arith.constant 0 : i32
    %add3A_1 = arith.addi %mul3A_0, %add3A : i32
    %mul3A_2 = arith.constant 25000 : i32
    %mul3A_3 = arith.muli %add3A_1, %mul3A_2 : i32
    "tpu.region"() ({
      %run_scoped3A = tpu.sem_alloc : memref<!tpu.dma_semaphore, #tpu.memory_space<semaphore_mem>>
      tpu.enqueue_dma source(%arg4 : memref<128x64xf32, #tpu.memory_space<hbm>>) target(%arg8 : memref<128x64xf32, #tpu.memory_space<vmem>>) target_semaphore(%run_scoped3A : memref<!tpu.dma_semaphore, #tpu.memory_space<semaphore_mem>>)
      tpu.wait_dma2 semaphore(%run_scoped3A : memref<!tpu.dma_semaphore, #tpu.memory_space<semaphore_mem>>) src(%arg4 : memref<128x64xf32, #tpu.memory_space<hbm>>) dst(%arg8 : memref<128x64xf32, #tpu.memory_space<vmem>>)
      tpu.yield
    }) : () -> ()
    %scan3A = arith.constant 0 : i32
    %scan3A_4 = arith.constant 0 : i32
    %scan3A_5 = arith.constant 13 : i32
    %scan3A_6 = arith.addi %scan3A_4, %scan3A_5 : i32
    %scan3A_7 = arith.constant 1 : i32
    scf.for %scan3A_24 = %scan3A_4 to %scan3A_6 step %scan3A_7  : i32 {
      %mul3A_25 = arith.constant 16 : i32
      %mul3A_26 = arith.muli %scan3A_24, %mul3A_25 : i32
      %add3A_27 = arith.addi %mul3A_26, %arg1 : i32
      %lt3A = arith.constant 196 : i32
      %lt3A_28 = arith.cmpi slt, %add3A_27, %lt3A : i32
      %convert_element_type3A_29 = arith.extui %lt3A_28 : i1 to i32
      %cond3A_30 = arith.constant 0 : i32
      %cond3A_31 = arith.cmpi ne, %convert_element_type3A_29, %cond3A_30 : i32
      scf.if %cond3A_31 {
        %mul3A_32 = arith.constant 128 : i32
        %mul3A_33 = arith.muli %add3A_27, %mul3A_32 : i32
        "tpu.region"() ({
          %run_scoped3A = tpu.sem_alloc : memref<!tpu.dma_semaphore, #tpu.memory_space<semaphore_mem>>
          %dma_start3A = arith.constant 0 : i32
          %dma_start3A_34 = tpu.memref_slice %arg9[%mul3A_33, %dma_start3A] : memref<25088x64xf32, #tpu.memory_space<vmem_shared>> -> memref<128x64xf32, #tpu.memory_space<vmem_shared>>
          %dma_start3A_35 = arith.constant 0 : i32
          %dma_start3A_36 = tpu.memref_slice %arg9[%mul3A_33, %dma_start3A_35] : memref<25088x64xf32, #tpu.memory_space<vmem_shared>> -> memref<128x64xf32, #tpu.memory_space<vmem_shared>>
          tpu.enqueue_dma source(%arg8 : memref<128x64xf32, #tpu.memory_space<vmem>>) target(%dma_start3A_36 : memref<128x64xf32, #tpu.memory_space<vmem_shared>>) target_semaphore(%run_scoped3A : memref<!tpu.dma_semaphore, #tpu.memory_space<semaphore_mem>>)
          %dma_wait3A = arith.constant 0 : i32
          %dma_wait3A_37 = tpu.memref_slice %arg9[%mul3A_33, %dma_wait3A] : memref<25088x64xf32, #tpu.memory_space<vmem_shared>> -> memref<128x64xf32, #tpu.memory_space<vmem_shared>>
          %dma_wait3A_38 = arith.constant 0 : i32
          %dma_wait3A_39 = tpu.memref_slice %arg9[%mul3A_33, %dma_wait3A_38] : memref<25088x64xf32, #tpu.memory_space<vmem_shared>> -> memref<128x64xf32, #tpu.memory_space<vmem_shared>>
          tpu.wait_dma2 semaphore(%run_scoped3A : memref<!tpu.dma_semaphore, #tpu.memory_space<semaphore_mem>>) src(%arg8 : memref<128x64xf32, #tpu.memory_space<vmem>>) dst(%dma_wait3A_39 : memref<128x64xf32, #tpu.memory_space<vmem_shared>>)
          tpu.yield
        }) : () -> ()
      } else {
      }
    }
    %scan3A_8 = arith.constant 13 : i32
    %barrier3A = arith.constant 0 : index
    tpu.barrier barrier_id(%barrier3A)
    %scan3A_9 = arith.constant 0 : i32
    %scan3A_10 = arith.constant 0 : i32
    %scan3A_11 = arith.constant 394 : i32
    %scan3A_12 = arith.addi %scan3A_10, %scan3A_11 : i32
    %scan3A_13 = arith.constant 1 : i32
    scf.for %scan3A_24 = %scan3A_10 to %scan3A_12 step %scan3A_13  : i32 {
      %mul3A_25 = arith.constant 16 : i32
      %mul3A_26 = arith.muli %scan3A_24, %mul3A_25 : i32
      %add3A_27 = arith.addi %mul3A_26, %arg1 : i32
      %lt3A = arith.constant 6304 : i32
      %lt3A_28 = arith.cmpi slt, %add3A_27, %lt3A : i32
      %convert_element_type3A_29 = arith.extui %lt3A_28 : i1 to i32
      %cond3A_30 = arith.constant 0 : i32
      %cond3A_31 = arith.cmpi ne, %convert_element_type3A_29, %cond3A_30 : i32
      scf.if %cond3A_31 {
        "tpu.region"() ({
          %run_scoped3A_210 = tpu.sem_alloc : memref<!tpu.dma_semaphore, #tpu.memory_space<semaphore_mem>>
          %dma_start3A = arith.constant 0 : i32
          %dma_start3A_211 = tpu.memref_slice %arg3[%add3A_27, %dma_start3A] : memref<6304x128xi32, #tpu.memory_space<hbm>> -> memref<1x128xi32, #tpu.memory_space<hbm>>
          %dma_start3A_212 = arith.constant 0 : i32
          %dma_start3A_213 = tpu.memref_slice %arg3[%add3A_27, %dma_start3A_212] : memref<6304x128xi32, #tpu.memory_space<hbm>> -> memref<1x128xi32, #tpu.memory_space<hbm>>
          tpu.enqueue_dma source(%dma_start3A_213 : memref<1x128xi32, #tpu.memory_space<hbm>>) target(%arg6 : memref<1x128xi32, #tpu.memory_space<vmem>>) target_semaphore(%run_scoped3A_210 : memref<!tpu.dma_semaphore, #tpu.memory_space<semaphore_mem>>)
          %dma_wait3A = arith.constant 0 : i32
          %dma_wait3A_214 = tpu.memref_slice %arg3[%add3A_27, %dma_wait3A] : memref<6304x128xi32, #tpu.memory_space<hbm>> -> memref<1x128xi32, #tpu.memory_space<hbm>>
          %dma_wait3A_215 = arith.constant 0 : i32
          %dma_wait3A_216 = tpu.memref_slice %arg3[%add3A_27, %dma_wait3A_215] : memref<6304x128xi32, #tpu.memory_space<hbm>> -> memref<1x128xi32, #tpu.memory_space<hbm>>
          tpu.wait_dma2 semaphore(%run_scoped3A_210 : memref<!tpu.dma_semaphore, #tpu.memory_space<semaphore_mem>>) src(%dma_wait3A_216 : memref<1x128xi32, #tpu.memory_space<hbm>>) dst(%arg6 : memref<1x128xi32, #tpu.memory_space<vmem>>)
          tpu.yield
        }) : () -> ()
        %mul3A_32 = arith.constant 128 : i32
        %mul3A_33 = arith.muli %add3A_27, %mul3A_32 : i32
        "tpu.region"() ({
          %run_scoped3A_210 = tpu.sem_alloc : memref<!tpu.dma_semaphore, #tpu.memory_space<semaphore_mem>>
          %dma_start3A = arith.constant 0 : i32
          %dma_start3A_211 = tpu.memref_slice %arg2[%mul3A_33, %dma_start3A] : memref<806912x64xf32, #tpu.memory_space<hbm>> -> memref<128x64xf32, #tpu.memory_space<hbm>>
          %dma_start3A_212 = arith.constant 0 : i32
          %dma_start3A_213 = tpu.memref_slice %arg2[%mul3A_33, %dma_start3A_212] : memref<806912x64xf32, #tpu.memory_space<hbm>> -> memref<128x64xf32, #tpu.memory_space<hbm>>
          tpu.enqueue_dma source(%dma_start3A_213 : memref<128x64xf32, #tpu.memory_space<hbm>>) target(%arg8 : memref<128x64xf32, #tpu.memory_space<vmem>>) target_semaphore(%run_scoped3A_210 : memref<!tpu.dma_semaphore, #tpu.memory_space<semaphore_mem>>)
          %dma_wait3A = arith.constant 0 : i32
          %dma_wait3A_214 = tpu.memref_slice %arg2[%mul3A_33, %dma_wait3A] : memref<806912x64xf32, #tpu.memory_space<hbm>> -> memref<128x64xf32, #tpu.memory_space<hbm>>
          %dma_wait3A_215 = arith.constant 0 : i32
          %dma_wait3A_216 = tpu.memref_slice %arg2[%mul3A_33, %dma_wait3A_215] : memref<806912x64xf32, #tpu.memory_space<hbm>> -> memref<128x64xf32, #tpu.memory_space<hbm>>
          tpu.wait_dma2 semaphore(%run_scoped3A_210 : memref<!tpu.dma_semaphore, #tpu.memory_space<semaphore_mem>>) src(%dma_wait3A_216 : memref<128x64xf32, #tpu.memory_space<hbm>>) dst(%arg8 : memref<128x64xf32, #tpu.memory_space<vmem>>)
          tpu.yield
        }) : () -> ()
        %get3A = arith.constant 0 : i32
        %get3A_34 = arith.index_cast %get3A : i32 to index
        %get3A_35 = arith.constant 0 : index
        %get3A_36 = tpu.vector_load %arg6[%get3A_34, %get3A_35] {strides = array<i32>} : memref<1x128xi32, #tpu.memory_space<vmem>>, vector<1x16xi32>,
        %get3A_37 = vector.shape_cast %get3A_36 : vector<1x16xi32> to vector<16xi32>
        %sub3A = vector.broadcast %mul3A_3 : i32 to vector<16xi32>
        %sub3A_38 = arith.subi %get3A_37, %sub3A : vector<16xi32>
        %ge3A = arith.constant 0 : i32
        %ge3A_39 = vector.broadcast %ge3A : i32 to vector<16xi32>
        %ge3A_40 = arith.cmpi sge, %sub3A_38, %ge3A_39 : vector<16xi32>
        %lt3A_41 = arith.constant 25000 : i32
        %lt3A_42 = vector.broadcast %lt3A_41 : i32 to vector<16xi32>
        %lt3A_43 = arith.cmpi slt, %sub3A_38, %lt3A_42 : vector<16xi32>
        %and3A = arith.andi %ge3A_40, %lt3A_43 : vector<16xi1>
        %jit3A = arith.constant 25000 : i32
        %broadcast_in_dim3A = vector.broadcast %jit3A : i32 to vector<16xi32>
        %select_n3A = arith.select %and3A, %sub3A_38, %broadcast_in_dim3A : vector<16xi1>, vector<16xi32>
        %swap3A = arith.constant 0 : i32
        %swap3A_44 = arith.index_cast %swap3A : i32 to index
        %swap3A_45 = arith.constant 0 : index
        %swap3A_46 = tpu.vector_load %arg7[%swap3A_44, %swap3A_45] {strides = array<i32>} : memref<1x128xi32, #tpu.memory_space<vmem>>, vector<1x16xi32>,
        %swap3A_47 = vector.shape_cast %swap3A_46 : vector<1x16xi32> to vector<16xi32>
        %swap3A_48 = vector.shape_cast %select_n3A : vector<16xi32> to vector<1x16xi32>
        tpu.vector_store %arg7[%swap3A_44, %swap3A_45], %swap3A_48 {strides = array<i32>} : memref<1x128xi32, #tpu.memory_space<vmem>>, vector<1x16xi32>,
        %get3A_49 = arith.constant 0 : i32
        %get3A_50 = arith.index_cast %get3A_49 : i32 to index
        %get3A_51 = arith.constant 16 : index
        %get3A_52 = tpu.vector_load %arg6[%get3A_50, %get3A_51] {strides = array<i32>} : memref<1x128xi32, #tpu.memory_space<vmem>>, vector<1x16xi32>,
        %get3A_53 = vector.shape_cast %get3A_52 : vector<1x16xi32> to vector<16xi32>
        %sub3A_54 = vector.broadcast %mul3A_3 : i32 to vector<16xi32>
        %sub3A_55 = arith.subi %get3A_53, %sub3A_54 : vector<16xi32>
        %ge3A_56 = arith.constant 0 : i32
        %ge3A_57 = vector.broadcast %ge3A_56 : i32 to vector<16xi32>
        %ge3A_58 = arith.cmpi sge, %sub3A_55, %ge3A_57 : vector<16xi32>
        %lt3A_59 = arith.constant 25000 : i32
        %lt3A_60 = vector.broadcast %lt3A_59 : i32 to vector<16xi32>
        %lt3A_61 = arith.cmpi slt, %sub3A_55, %lt3A_60 : vector<16xi32>
        %and3A_62 = arith.andi %ge3A_58, %lt3A_61 : vector<16xi1>
        %jit3A_63 = arith.constant 25000 : i32
        %broadcast_in_dim3A_64 = vector.broadcast %jit3A_63 : i32 to vector<16xi32>
        %select_n3A_65 = arith.select %and3A_62, %sub3A_55, %broadcast_in_dim3A_64 : vector<16xi1>, vector<16xi32>
        %swap3A_66 = arith.constant 0 : i32
        %swap3A_67 = arith.index_cast %swap3A_66 : i32 to index
        %swap3A_68 = arith.constant 16 : index
        %swap3A_69 = tpu.vector_load %arg7[%swap3A_67, %swap3A_68] {strides = array<i32>} : memref<1x128xi32, #tpu.memory_space<vmem>>, vector<1x16xi32>,
        %swap3A_70 = vector.shape_cast %swap3A_69 : vector<1x16xi32> to vector<16xi32>
        %swap3A_71 = vector.shape_cast %select_n3A_65 : vector<16xi32> to vector<1x16xi32>
        tpu.vector_store %arg7[%swap3A_67, %swap3A_68], %swap3A_71 {strides = array<i32>} : memref<1x128xi32, #tpu.memory_space<vmem>>, vector<1x16xi32>,
        %get3A_72 = arith.constant 0 : i32
        %get3A_73 = arith.index_cast %get3A_72 : i32 to index
        %get3A_74 = arith.constant 32 : index
        %get3A_75 = tpu.vector_load %arg6[%get3A_73, %get3A_74] {strides = array<i32>} : memref<1x128xi32, #tpu.memory_space<vmem>>, vector<1x16xi32>,
        %get3A_76 = vector.shape_cast %get3A_75 : vector<1x16xi32> to vector<16xi32>
        %sub3A_77 = vector.broadcast %mul3A_3 : i32 to vector<16xi32>
        %sub3A_78 = arith.subi %get3A_76, %sub3A_77 : vector<16xi32>
        %ge3A_79 = arith.constant 0 : i32
        %ge3A_80 = vector.broadcast %ge3A_79 : i32 to vector<16xi32>
        %ge3A_81 = arith.cmpi sge, %sub3A_78, %ge3A_80 : vector<16xi32>
        %lt3A_82 = arith.constant 25000 : i32
        %lt3A_83 = vector.broadcast %lt3A_82 : i32 to vector<16xi32>
        %lt3A_84 = arith.cmpi slt, %sub3A_78, %lt3A_83 : vector<16xi32>
        %and3A_85 = arith.andi %ge3A_81, %lt3A_84 : vector<16xi1>
        %jit3A_86 = arith.constant 25000 : i32
        %broadcast_in_dim3A_87 = vector.broadcast %jit3A_86 : i32 to vector<16xi32>
        %select_n3A_88 = arith.select %and3A_85, %sub3A_78, %broadcast_in_dim3A_87 : vector<16xi1>, vector<16xi32>
        %swap3A_89 = arith.constant 0 : i32
        %swap3A_90 = arith.index_cast %swap3A_89 : i32 to index
        %swap3A_91 = arith.constant 32 : index
        %swap3A_92 = tpu.vector_load %arg7[%swap3A_90, %swap3A_91] {strides = array<i32>} : memref<1x128xi32, #tpu.memory_space<vmem>>, vector<1x16xi32>,
        %swap3A_93 = vector.shape_cast %swap3A_92 : vector<1x16xi32> to vector<16xi32>
        %swap3A_94 = vector.shape_cast %select_n3A_88 : vector<16xi32> to vector<1x16xi32>
        tpu.vector_store %arg7[%swap3A_90, %swap3A_91], %swap3A_94 {strides = array<i32>} : memref<1x128xi32, #tpu.memory_space<vmem>>, vector<1x16xi32>,
        %get3A_95 = arith.constant 0 : i32
        %get3A_96 = arith.index_cast %get3A_95 : i32 to index
        %get3A_97 = arith.constant 48 : index
        %get3A_98 = tpu.vector_load %arg6[%get3A_96, %get3A_97] {strides = array<i32>} : memref<1x128xi32, #tpu.memory_space<vmem>>, vector<1x16xi32>,
        %get3A_99 = vector.shape_cast %get3A_98 : vector<1x16xi32> to vector<16xi32>
        %sub3A_100 = vector.broadcast %mul3A_3 : i32 to vector<16xi32>
        %sub3A_101 = arith.subi %get3A_99, %sub3A_100 : vector<16xi32>
        %ge3A_102 = arith.constant 0 : i32
        %ge3A_103 = vector.broadcast %ge3A_102 : i32 to vector<16xi32>
        %ge3A_104 = arith.cmpi sge, %sub3A_101, %ge3A_103 : vector<16xi32>
        %lt3A_105 = arith.constant 25000 : i32
        %lt3A_106 = vector.broadcast %lt3A_105 : i32 to vector<16xi32>
        %lt3A_107 = arith.cmpi slt, %sub3A_101, %lt3A_106 : vector<16xi32>
        %and3A_108 = arith.andi %ge3A_104, %lt3A_107 : vector<16xi1>
        %jit3A_109 = arith.constant 25000 : i32
        %broadcast_in_dim3A_110 = vector.broadcast %jit3A_109 : i32 to vector<16xi32>
        %select_n3A_111 = arith.select %and3A_108, %sub3A_101, %broadcast_in_dim3A_110 : vector<16xi1>, vector<16xi32>
        %swap3A_112 = arith.constant 0 : i32
        %swap3A_113 = arith.index_cast %swap3A_112 : i32 to index
        %swap3A_114 = arith.constant 48 : index
        %swap3A_115 = tpu.vector_load %arg7[%swap3A_113, %swap3A_114] {strides = array<i32>} : memref<1x128xi32, #tpu.memory_space<vmem>>, vector<1x16xi32>,
        %swap3A_116 = vector.shape_cast %swap3A_115 : vector<1x16xi32> to vector<16xi32>
        %swap3A_117 = vector.shape_cast %select_n3A_111 : vector<16xi32> to vector<1x16xi32>
        tpu.vector_store %arg7[%swap3A_113, %swap3A_114], %swap3A_117 {strides = array<i32>} : memref<1x128xi32, #tpu.memory_space<vmem>>, vector<1x16xi32>,
        %get3A_118 = arith.constant 0 : i32
        %get3A_119 = arith.index_cast %get3A_118 : i32 to index
        %get3A_120 = arith.constant 64 : index
        %get3A_121 = tpu.vector_load %arg6[%get3A_119, %get3A_120] {strides = array<i32>} : memref<1x128xi32, #tpu.memory_space<vmem>>, vector<1x16xi32>,
        %get3A_122 = vector.shape_cast %get3A_121 : vector<1x16xi32> to vector<16xi32>
        %sub3A_123 = vector.broadcast %mul3A_3 : i32 to vector<16xi32>
        %sub3A_124 = arith.subi %get3A_122, %sub3A_123 : vector<16xi32>
        %ge3A_125 = arith.constant 0 : i32
        %ge3A_126 = vector.broadcast %ge3A_125 : i32 to vector<16xi32>
        %ge3A_127 = arith.cmpi sge, %sub3A_124, %ge3A_126 : vector<16xi32>
        %lt3A_128 = arith.constant 25000 : i32
        %lt3A_129 = vector.broadcast %lt3A_128 : i32 to vector<16xi32>
        %lt3A_130 = arith.cmpi slt, %sub3A_124, %lt3A_129 : vector<16xi32>
        %and3A_131 = arith.andi %ge3A_127, %lt3A_130 : vector<16xi1>
        %jit3A_132 = arith.constant 25000 : i32
        %broadcast_in_dim3A_133 = vector.broadcast %jit3A_132 : i32 to vector<16xi32>
        %select_n3A_134 = arith.select %and3A_131, %sub3A_124, %broadcast_in_dim3A_133 : vector<16xi1>, vector<16xi32>
        %swap3A_135 = arith.constant 0 : i32
        %swap3A_136 = arith.index_cast %swap3A_135 : i32 to index
        %swap3A_137 = arith.constant 64 : index
        %swap3A_138 = tpu.vector_load %arg7[%swap3A_136, %swap3A_137] {strides = array<i32>} : memref<1x128xi32, #tpu.memory_space<vmem>>, vector<1x16xi32>,
        %swap3A_139 = vector.shape_cast %swap3A_138 : vector<1x16xi32> to vector<16xi32>
        %swap3A_140 = vector.shape_cast %select_n3A_134 : vector<16xi32> to vector<1x16xi32>
        tpu.vector_store %arg7[%swap3A_136, %swap3A_137], %swap3A_140 {strides = array<i32>} : memref<1x128xi32, #tpu.memory_space<vmem>>, vector<1x16xi32>,
        %get3A_141 = arith.constant 0 : i32
        %get3A_142 = arith.index_cast %get3A_141 : i32 to index
        %get3A_143 = arith.constant 80 : index
        %get3A_144 = tpu.vector_load %arg6[%get3A_142, %get3A_143] {strides = array<i32>} : memref<1x128xi32, #tpu.memory_space<vmem>>, vector<1x16xi32>,
        %get3A_145 = vector.shape_cast %get3A_144 : vector<1x16xi32> to vector<16xi32>
        %sub3A_146 = vector.broadcast %mul3A_3 : i32 to vector<16xi32>
        %sub3A_147 = arith.subi %get3A_145, %sub3A_146 : vector<16xi32>
        %ge3A_148 = arith.constant 0 : i32
        %ge3A_149 = vector.broadcast %ge3A_148 : i32 to vector<16xi32>
        %ge3A_150 = arith.cmpi sge, %sub3A_147, %ge3A_149 : vector<16xi32>
        %lt3A_151 = arith.constant 25000 : i32
        %lt3A_152 = vector.broadcast %lt3A_151 : i32 to vector<16xi32>
        %lt3A_153 = arith.cmpi slt, %sub3A_147, %lt3A_152 : vector<16xi32>
        %and3A_154 = arith.andi %ge3A_150, %lt3A_153 : vector<16xi1>
        %jit3A_155 = arith.constant 25000 : i32
        %broadcast_in_dim3A_156 = vector.broadcast %jit3A_155 : i32 to vector<16xi32>
        %select_n3A_157 = arith.select %and3A_154, %sub3A_147, %broadcast_in_dim3A_156 : vector<16xi1>, vector<16xi32>
        %swap3A_158 = arith.constant 0 : i32
        %swap3A_159 = arith.index_cast %swap3A_158 : i32 to index
        %swap3A_160 = arith.constant 80 : index
        %swap3A_161 = tpu.vector_load %arg7[%swap3A_159, %swap3A_160] {strides = array<i32>} : memref<1x128xi32, #tpu.memory_space<vmem>>, vector<1x16xi32>,
        %swap3A_162 = vector.shape_cast %swap3A_161 : vector<1x16xi32> to vector<16xi32>
        %swap3A_163 = vector.shape_cast %select_n3A_157 : vector<16xi32> to vector<1x16xi32>
        tpu.vector_store %arg7[%swap3A_159, %swap3A_160], %swap3A_163 {strides = array<i32>} : memref<1x128xi32, #tpu.memory_space<vmem>>, vector<1x16xi32>,
        %get3A_164 = arith.constant 0 : i32
        %get3A_165 = arith.index_cast %get3A_164 : i32 to index
        %get3A_166 = arith.constant 96 : index
        %get3A_167 = tpu.vector_load %arg6[%get3A_165, %get3A_166] {strides = array<i32>} : memref<1x128xi32, #tpu.memory_space<vmem>>, vector<1x16xi32>,
        %get3A_168 = vector.shape_cast %get3A_167 : vector<1x16xi32> to vector<16xi32>
        %sub3A_169 = vector.broadcast %mul3A_3 : i32 to vector<16xi32>
        %sub3A_170 = arith.subi %get3A_168, %sub3A_169 : vector<16xi32>
        %ge3A_171 = arith.constant 0 : i32
        %ge3A_172 = vector.broadcast %ge3A_171 : i32 to vector<16xi32>
        %ge3A_173 = arith.cmpi sge, %sub3A_170, %ge3A_172 : vector<16xi32>
        %lt3A_174 = arith.constant 25000 : i32
        %lt3A_175 = vector.broadcast %lt3A_174 : i32 to vector<16xi32>
        %lt3A_176 = arith.cmpi slt, %sub3A_170, %lt3A_175 : vector<16xi32>
        %and3A_177 = arith.andi %ge3A_173, %lt3A_176 : vector<16xi1>
        %jit3A_178 = arith.constant 25000 : i32
        %broadcast_in_dim3A_179 = vector.broadcast %jit3A_178 : i32 to vector<16xi32>
        %select_n3A_180 = arith.select %and3A_177, %sub3A_170, %broadcast_in_dim3A_179 : vector<16xi1>, vector<16xi32>
        %swap3A_181 = arith.constant 0 : i32
        %swap3A_182 = arith.index_cast %swap3A_181 : i32 to index
        %swap3A_183 = arith.constant 96 : index
        %swap3A_184 = tpu.vector_load %arg7[%swap3A_182, %swap3A_183] {strides = array<i32>} : memref<1x128xi32, #tpu.memory_space<vmem>>, vector<1x16xi32>,
        %swap3A_185 = vector.shape_cast %swap3A_184 : vector<1x16xi32> to vector<16xi32>
        %swap3A_186 = vector.shape_cast %select_n3A_180 : vector<16xi32> to vector<1x16xi32>
        tpu.vector_store %arg7[%swap3A_182, %swap3A_183], %swap3A_186 {strides = array<i32>} : memref<1x128xi32, #tpu.memory_space<vmem>>, vector<1x16xi32>,
        %get3A_187 = arith.constant 0 : i32
        %get3A_188 = arith.index_cast %get3A_187 : i32 to index
        %get3A_189 = arith.constant 112 : index
        %get3A_190 = tpu.vector_load %arg6[%get3A_188, %get3A_189] {strides = array<i32>} : memref<1x128xi32, #tpu.memory_space<vmem>>, vector<1x16xi32>,
        %get3A_191 = vector.shape_cast %get3A_190 : vector<1x16xi32> to vector<16xi32>
        %sub3A_192 = vector.broadcast %mul3A_3 : i32 to vector<16xi32>
        %sub3A_193 = arith.subi %get3A_191, %sub3A_192 : vector<16xi32>
        %ge3A_194 = arith.constant 0 : i32
        %ge3A_195 = vector.broadcast %ge3A_194 : i32 to vector<16xi32>
        %ge3A_196 = arith.cmpi sge, %sub3A_193, %ge3A_195 : vector<16xi32>
        %lt3A_197 = arith.constant 25000 : i32
        %lt3A_198 = vector.broadcast %lt3A_197 : i32 to vector<16xi32>
        %lt3A_199 = arith.cmpi slt, %sub3A_193, %lt3A_198 : vector<16xi32>
        %and3A_200 = arith.andi %ge3A_196, %lt3A_199 : vector<16xi1>
        %jit3A_201 = arith.constant 25000 : i32
        %broadcast_in_dim3A_202 = vector.broadcast %jit3A_201 : i32 to vector<16xi32>
        %select_n3A_203 = arith.select %and3A_200, %sub3A_193, %broadcast_in_dim3A_202 : vector<16xi1>, vector<16xi32>
        %swap3A_204 = arith.constant 0 : i32
        %swap3A_205 = arith.index_cast %swap3A_204 : i32 to index
        %swap3A_206 = arith.constant 112 : index
        %swap3A_207 = tpu.vector_load %arg7[%swap3A_205, %swap3A_206] {strides = array<i32>} : memref<1x128xi32, #tpu.memory_space<vmem>>, vector<1x16xi32>,
        %swap3A_208 = vector.shape_cast %swap3A_207 : vector<1x16xi32> to vector<16xi32>
        %swap3A_209 = vector.shape_cast %select_n3A_203 : vector<16xi32> to vector<1x16xi32>
        tpu.vector_store %arg7[%swap3A_205, %swap3A_206], %swap3A_209 {strides = array<i32>} : memref<1x128xi32, #tpu.memory_space<vmem>>, vector<1x16xi32>,
        %run_scoped3A = arith.constant 0 : i32
        "tpu.region"() ({
          %run_scoped3A_210 = tpu.sem_alloc : memref<!tpu.dma_semaphore, #tpu.memory_space<semaphore_mem>>
          %dma_start3A = arith.constant 0 : i32
          %dma_start3A_211 = tpu.memref_slice %arg7[%run_scoped3A, %dma_start3A] : memref<1x128xi32, #tpu.memory_space<vmem>> -> memref<1x128xi32, #tpu.memory_space<vmem>>
          %dma_start3A_212 = tpu.memref_squeeze %dma_start3A_211 : memref<1x128xi32, #tpu.memory_space<vmem>> -> memref<128xi32, #tpu.memory_space<vmem>>
          %dma_start3A_213 = arith.constant 0 : i32
          %dma_start3A_214 = arith.constant 0 : i32
          %dma_start3A_215 = tpu.memref_slice %arg9[%dma_start3A_213, %dma_start3A_214] : memref<25088x64xf32, #tpu.memory_space<vmem_shared>> -> memref<25088x64xf32, #tpu.memory_space<vmem_shared>>
          tpu.enqueue_indirect_dma source(%arg8 : memref<128x64xf32, #tpu.memory_space<vmem>>) target(%dma_start3A_215 : memref<25088x64xf32, #tpu.memory_space<vmem_shared>>) offsets(%dma_start3A_212 : memref<128xi32, #tpu.memory_space<vmem>>) semaphore(%run_scoped3A_210 : memref<!tpu.dma_semaphore, #tpu.memory_space<semaphore_mem>>) {add = true}
          %dma_wait3A = arith.constant 0 : i32
          %dma_wait3A_216 = tpu.memref_slice %arg7[%run_scoped3A, %dma_wait3A] : memref<1x128xi32, #tpu.memory_space<vmem>> -> memref<1x128xi32, #tpu.memory_space<vmem>>
          %dma_wait3A_217 = tpu.memref_squeeze %dma_wait3A_216 : memref<1x128xi32, #tpu.memory_space<vmem>> -> memref<128xi32, #tpu.memory_space<vmem>>
          %dma_wait3A_218 = arith.constant 0 : i32
          %dma_wait3A_219 = arith.constant 0 : i32
          %dma_wait3A_220 = tpu.memref_slice %arg9[%dma_wait3A_218, %dma_wait3A_219] : memref<25088x64xf32, #tpu.memory_space<vmem_shared>> -> memref<25088x64xf32, #tpu.memory_space<vmem_shared>>
          tpu.wait_indirect_dma semaphore(%run_scoped3A_210 : memref<!tpu.dma_semaphore, #tpu.memory_space<semaphore_mem>>) src(%arg8 : memref<128x64xf32, #tpu.memory_space<vmem>>) dst(%dma_wait3A_220 : memref<25088x64xf32, #tpu.memory_space<vmem_shared>>)
          tpu.yield
        }) : () -> ()
      } else {
      }
    }
    %scan3A_14 = arith.constant 394 : i32
    %barrier3A_15 = arith.constant 0 : index
    tpu.barrier barrier_id(%barrier3A_15)
    %eq3A = arith.constant 0 : i32
    %eq3A_16 = arith.cmpi eq, %arg0, %eq3A : i32
    %convert_element_type3A = arith.extui %eq3A_16 : i1 to i32
    %cond3A = arith.constant 0 : i32
    %cond3A_17 = arith.cmpi ne, %convert_element_type3A, %cond3A : i32
    scf.if %cond3A_17 {
      %scan3A_24 = arith.constant 0 : i32
      %scan3A_25 = arith.constant 0 : i32
      %scan3A_26 = arith.constant 196 : i32
      %scan3A_27 = arith.addi %scan3A_25, %scan3A_26 : i32
      %scan3A_28 = arith.constant 1 : i32
      scf.for %scan3A_30 = %scan3A_25 to %scan3A_27 step %scan3A_28  : i32 {
        %mul3A_31 = arith.constant 16 : i32
        %mul3A_32 = arith.muli %scan3A_30, %mul3A_31 : i32
        %add3A_33 = arith.addi %mul3A_32, %arg1 : i32
        %lt3A = arith.constant 3125 : i32
        %lt3A_34 = arith.cmpi slt, %add3A_33, %lt3A : i32
        %convert_element_type3A_35 = arith.extui %lt3A_34 : i1 to i32
        %cond3A_36 = arith.constant 0 : i32
        %cond3A_37 = arith.cmpi ne, %convert_element_type3A_35, %cond3A_36 : i32
        scf.if %cond3A_37 {
          %mul3A_38 = arith.constant 8 : i32
          %mul3A_39 = arith.muli %add3A_33, %mul3A_38 : i32
          %mul3A_40 = arith.constant 8 : i32
          %mul3A_41 = arith.muli %add3A_33, %mul3A_40 : i32
          %add3A_42 = arith.constant 0 : i32
          %add3A_43 = arith.addi %add3A_42, %mul3A_41 : i32
          "tpu.region"() ({
            %run_scoped3A = tpu.sem_alloc : memref<!tpu.dma_semaphore, #tpu.memory_space<semaphore_mem>>
            %dma_start3A = arith.constant 0 : i32
            %dma_start3A_44 = tpu.memref_slice %arg5[%add3A_43, %dma_start3A] : memref<55000x64xf32, #tpu.memory_space<hbm>> -> memref<8x64xf32, #tpu.memory_space<hbm>>
            %dma_start3A_45 = arith.constant 0 : i32
            %dma_start3A_46 = tpu.memref_slice %arg9[%mul3A_39, %dma_start3A_45] : memref<25088x64xf32, #tpu.memory_space<vmem_shared>> -> memref<8x64xf32, #tpu.memory_space<vmem_shared>>
            tpu.enqueue_dma source(%dma_start3A_46 : memref<8x64xf32, #tpu.memory_space<vmem_shared>>) target(%dma_start3A_44 : memref<8x64xf32, #tpu.memory_space<hbm>>) target_semaphore(%run_scoped3A : memref<!tpu.dma_semaphore, #tpu.memory_space<semaphore_mem>>)
            %dma_wait3A = arith.constant 0 : i32
            %dma_wait3A_47 = tpu.memref_slice %arg5[%add3A_43, %dma_wait3A] : memref<55000x64xf32, #tpu.memory_space<hbm>> -> memref<8x64xf32, #tpu.memory_space<hbm>>
            %dma_wait3A_48 = arith.constant 0 : i32
            %dma_wait3A_49 = tpu.memref_slice %arg9[%mul3A_39, %dma_wait3A_48] : memref<25088x64xf32, #tpu.memory_space<vmem_shared>> -> memref<8x64xf32, #tpu.memory_space<vmem_shared>>
            tpu.wait_dma2 semaphore(%run_scoped3A : memref<!tpu.dma_semaphore, #tpu.memory_space<semaphore_mem>>) src(%dma_wait3A_49 : memref<8x64xf32, #tpu.memory_space<vmem_shared>>) dst(%dma_wait3A_47 : memref<8x64xf32, #tpu.memory_space<hbm>>)
            tpu.yield
          }) : () -> ()
        } else {
        }
      }
      %scan3A_29 = arith.constant 196 : i32
    } else {
    }
    %eq3A_18 = arith.constant 1 : i32
    %eq3A_19 = arith.cmpi eq, %arg0, %eq3A_18 : i32
    %convert_element_type3A_20 = arith.extui %eq3A_19 : i1 to i32
    %cond3A_21 = arith.constant 0 : i32
    %cond3A_22 = arith.cmpi ne, %convert_element_type3A_20, %cond3A_21 : i32
    scf.if %cond3A_22 {
      %scan3A_24 = arith.constant 0 : i32
      %scan3A_25 = arith.constant 0 : i32
      %scan3A_26 = arith.constant 196 : i32
      %scan3A_27 = arith.addi %scan3A_25, %scan3A_26 : i32
      %scan3A_28 = arith.constant 1 : i32
      scf.for %scan3A_30 = %scan3A_25 to %scan3A_27 step %scan3A_28  : i32 {
        %mul3A_31 = arith.constant 16 : i32
        %mul3A_32 = arith.muli %scan3A_30, %mul3A_31 : i32
        %add3A_33 = arith.addi %mul3A_32, %arg1 : i32
        %lt3A = arith.constant 3125 : i32
        %lt3A_34 = arith.cmpi slt, %add3A_33, %lt3A : i32
        %convert_element_type3A_35 = arith.extui %lt3A_34 : i1 to i32
        %cond3A_36 = arith.constant 0 : i32
        %cond3A_37 = arith.cmpi ne, %convert_element_type3A_35, %cond3A_36 : i32
        scf.if %cond3A_37 {
          %mul3A_38 = arith.constant 8 : i32
          %mul3A_39 = arith.muli %add3A_33, %mul3A_38 : i32
          %mul3A_40 = arith.constant 8 : i32
          %mul3A_41 = arith.muli %add3A_33, %mul3A_40 : i32
          %add3A_42 = arith.constant 25000 : i32
          %add3A_43 = arith.addi %add3A_42, %mul3A_41 : i32
          "tpu.region"() ({
            %run_scoped3A = tpu.sem_alloc : memref<!tpu.dma_semaphore, #tpu.memory_space<semaphore_mem>>
            %dma_start3A = arith.constant 0 : i32
            %dma_start3A_44 = tpu.memref_slice %arg5[%add3A_43, %dma_start3A] : memref<55000x64xf32, #tpu.memory_space<hbm>> -> memref<8x64xf32, #tpu.memory_space<hbm>>
            %dma_start3A_45 = arith.constant 0 : i32
            %dma_start3A_46 = tpu.memref_slice %arg9[%mul3A_39, %dma_start3A_45] : memref<25088x64xf32, #tpu.memory_space<vmem_shared>> -> memref<8x64xf32, #tpu.memory_space<vmem_shared>>
            tpu.enqueue_dma source(%dma_start3A_46 : memref<8x64xf32, #tpu.memory_space<vmem_shared>>) target(%dma_start3A_44 : memref<8x64xf32, #tpu.memory_space<hbm>>) target_semaphore(%run_scoped3A : memref<!tpu.dma_semaphore, #tpu.memory_space<semaphore_mem>>)
            %dma_wait3A = arith.constant 0 : i32
            %dma_wait3A_47 = tpu.memref_slice %arg5[%add3A_43, %dma_wait3A] : memref<55000x64xf32, #tpu.memory_space<hbm>> -> memref<8x64xf32, #tpu.memory_space<hbm>>
            %dma_wait3A_48 = arith.constant 0 : i32
            %dma_wait3A_49 = tpu.memref_slice %arg9[%mul3A_39, %dma_wait3A_48] : memref<25088x64xf32, #tpu.memory_space<vmem_shared>> -> memref<8x64xf32, #tpu.memory_space<vmem_shared>>
            tpu.wait_dma2 semaphore(%run_scoped3A : memref<!tpu.dma_semaphore, #tpu.memory_space<semaphore_mem>>) src(%dma_wait3A_49 : memref<8x64xf32, #tpu.memory_space<vmem_shared>>) dst(%dma_wait3A_47 : memref<8x64xf32, #tpu.memory_space<hbm>>)
            tpu.yield
          }) : () -> ()
        } else {
        }
      }
      %scan3A_29 = arith.constant 196 : i32
    } else {
    }
    %barrier3A_23 = arith.constant 0 : index
    tpu.barrier barrier_id(%barrier3A_23)
    return
  }
}

module attributes {stable_mosaic.version = 14 : i64} {
  func.func @body(%arg0: i32, %arg1: memref<5000x8xf32, #tpu.memory_space<vmem>>, %arg2: memref<8x64xf32, #tpu.memory_space<vmem>>, %arg3: memref<8x64xf32, #tpu.memory_space<vmem>>, %arg4: memref<5000x64xf32, #tpu.memory_space<vmem>>, %arg5: memref<5000x64xf32, #tpu.memory_space<vmem>>) attributes {dimension_semantics = [#tpu.dimension_semantics<arbitrary>], iteration_bounds = array<i64: 11>, scalar_prefetch = 0 : i64, scratch_operands = 0 : i64, tpu.core_type = #tpu.core_type<tc>, window_params = [{transform_indices = @transform_0, window_bounds = array<i64: 5000, 8>}, {pipeline_mode = #tpu.pipeline_mode<synchronous>, transform_indices = @transform_1, window_bounds = array<i64: 8, 64>}, {pipeline_mode = #tpu.pipeline_mode<synchronous>, transform_indices = @transform_2, window_bounds = array<i64: 8, 64>}, {transform_indices = @transform_3, window_bounds = array<i64: 5000, 64>}, {transform_indices = @transform_4, window_bounds = array<i64: 5000, 64>}]} {
    %get3A = arith.constant 0 : index
    %get3A_0 = arith.constant 0 : index
    %get3A_1 = vector.load %arg1[%get3A, %get3A_0] : memref<5000x8xf32, #tpu.memory_space<vmem>>, vector<5000x8xf32>
    %get3A_2 = arith.constant 0 : index
    %get3A_3 = arith.constant 0 : index
    %get3A_4 = vector.load %arg2[%get3A_2, %get3A_3] : memref<8x64xf32, #tpu.memory_space<vmem>>, vector<8x64xf32>
    %dot_general3A = arith.constant dense<0.000000e+00> : vector<5000x64xf32>
    %dot_general3A_5 = tpu.matmul %get3A_1, %get3A_4, %dot_general3A {dimension_numbers = #tpu.dot_dimension_numbers<[1], [0], [0], [1], [0, 0, 1, 1], [], []>, precision = #tpu.contract_precision<fp32>, transpose_lhs_hint = false} : vector<5000x8xf32>, vector<8x64xf32>, vector<5000x64xf32> -> vector<5000x64xf32>
    %swap3A = arith.constant 0 : index
    %swap3A_6 = arith.constant 0 : index
    %swap3A_7 = vector.load %arg4[%swap3A, %swap3A_6] : memref<5000x64xf32, #tpu.memory_space<vmem>>, vector<5000x64xf32>
    tpu.vector_store %arg4[%swap3A, %swap3A_6], %dot_general3A_5 {strides = array<i32>} : memref<5000x64xf32, #tpu.memory_space<vmem>>, vector<5000x64xf32>,
    %get3A_8 = arith.constant 0 : index
    %get3A_9 = arith.constant 0 : index
    %get3A_10 = vector.load %arg3[%get3A_8, %get3A_9] : memref<8x64xf32, #tpu.memory_space<vmem>>, vector<8x64xf32>
    %dot_general3A_11 = arith.constant dense<0.000000e+00> : vector<5000x64xf32>
    %dot_general3A_12 = tpu.matmul %get3A_1, %get3A_10, %dot_general3A_11 {dimension_numbers = #tpu.dot_dimension_numbers<[1], [0], [0], [1], [0, 0, 1, 1], [], []>, precision = #tpu.contract_precision<fp32>, transpose_lhs_hint = false} : vector<5000x8xf32>, vector<8x64xf32>, vector<5000x64xf32> -> vector<5000x64xf32>
    %swap3A_13 = arith.constant 0 : index
    %swap3A_14 = arith.constant 0 : index
    %swap3A_15 = vector.load %arg5[%swap3A_13, %swap3A_14] : memref<5000x64xf32, #tpu.memory_space<vmem>>, vector<5000x64xf32>
    tpu.vector_store %arg5[%swap3A_13, %swap3A_14], %dot_general3A_12 {strides = array<i32>} : memref<5000x64xf32, #tpu.memory_space<vmem>>, vector<5000x64xf32>,
    return
  }
  func.func @transform_0(%arg0: i32) -> (i32, i32) {
    %c0_i32 = arith.constant 0 : i32
    %c0_i32_0 = arith.constant 0 : i32
    return %arg0, %c0_i32 : i32, i32
  }
  func.func @transform_1(%arg0: i32) -> (i32, i32) {
    %c0_i32 = arith.constant 0 : i32
    %c0_i32_0 = arith.constant 0 : i32
    %c0_i32_1 = arith.constant 0 : i32
    return %c0_i32, %c0_i32_0 : i32, i32
  }
  func.func @transform_2(%arg0: i32) -> (i32, i32) {
    %c0_i32 = arith.constant 0 : i32
    %c0_i32_0 = arith.constant 0 : i32
    %c0_i32_1 = arith.constant 0 : i32
    return %c0_i32, %c0_i32_0 : i32, i32
  }
  func.func @transform_3(%arg0: i32) -> (i32, i32) {
    %c0_i32 = arith.constant 0 : i32
    %c0_i32_0 = arith.constant 0 : i32
    return %arg0, %c0_i32 : i32, i32
  }
  func.func @transform_4(%arg0: i32) -> (i32, i32) {
    %c0_i32 = arith.constant 0 : i32
    %c0_i32_0 = arith.constant 0 : i32
    return %arg0, %c0_i32 : i32, i32
  }
}

module attributes {stable_mosaic.version = 14 : i64} {
  func.func @body(%arg0: i32, %arg1: memref<4096x64xf32, #tpu.memory_space<vmem>>, %arg2: memref<4096x64xf32, #tpu.memory_space<vmem>>, %arg3: memref<1x64xf32, #tpu.memory_space<vmem>>, %arg4: memref<64x8xf32, #tpu.memory_space<vmem>>, %arg5: memref<8x64xf32, #tpu.memory_space<vmem>>, %arg6: memref<4096x72xf32, #tpu.memory_space<vmem>>) attributes {dimension_semantics = [#tpu.dimension_semantics<arbitrary>], iteration_bounds = array<i64: 197>, scalar_prefetch = 0 : i64, scratch_operands = 0 : i64, tpu.core_type = #tpu.core_type<tc>, window_params = [{transform_indices = @transform_0, window_bounds = array<i64: 4096, 64>}, {transform_indices = @transform_1, window_bounds = array<i64: 4096, 64>}, {pipeline_mode = #tpu.pipeline_mode<synchronous>, transform_indices = @transform_2, window_bounds = array<i64: 1, 64>}, {pipeline_mode = #tpu.pipeline_mode<synchronous>, transform_indices = @transform_3, window_bounds = array<i64: 64, 8>}, {pipeline_mode = #tpu.pipeline_mode<synchronous>, transform_indices = @transform_4, window_bounds = array<i64: 8, 64>}, {transform_indices = @transform_5, window_bounds = array<i64: 4096, 72>}]} {
    %get3A = arith.constant 0 : index
    %get3A_0 = arith.constant 0 : index
    %get3A_1 = vector.load %arg1[%get3A, %get3A_0] : memref<4096x64xf32, #tpu.memory_space<vmem>>, vector<4096x64xf32>
    %get3A_2 = arith.constant 0 : index
    %get3A_3 = arith.constant 0 : index
    %get3A_4 = vector.load %arg2[%get3A_2, %get3A_3] : memref<4096x64xf32, #tpu.memory_space<vmem>>, vector<4096x64xf32>
    %add3A = arith.addf %get3A_4, %get3A_1 : vector<4096x64xf32>
    %gt3A = arith.constant 0.000000e+00 : f32
    %gt3A_5 = vector.broadcast %gt3A : f32 to vector<4096x64xf32>
    %gt3A_6 = arith.cmpf ogt, %add3A, %gt3A_5 : vector<4096x64xf32>
    %mul3A = arith.constant 2.000000e-01 : f32
    %mul3A_7 = vector.broadcast %mul3A : f32 to vector<4096x64xf32>
    %mul3A_8 = arith.mulf %mul3A_7, %add3A : vector<4096x64xf32>
    %select_n3A = arith.select %gt3A_6, %add3A, %mul3A_8 : vector<4096x64xi1>, vector<4096x64xf32>
    %get3A_9 = arith.constant 0 : index
    %get3A_10 = arith.constant 0 : index
    %get3A_11 = vector.load %arg3[%get3A_9, %get3A_10] : memref<1x64xf32, #tpu.memory_space<vmem>>, vector<1x64xf32>
    %mul3A_12 = vector.broadcast %get3A_11 : vector<1x64xf32> to vector<4096x64xf32>
    %mul3A_13 = arith.mulf %select_n3A, %mul3A_12 : vector<4096x64xf32>
    %get3A_14 = arith.constant 0 : index
    %get3A_15 = arith.constant 0 : index
    %get3A_16 = vector.load %arg4[%get3A_14, %get3A_15] : memref<64x8xf32, #tpu.memory_space<vmem>>, vector<64x8xf32>
    %dot_general3A = arith.constant dense<0.000000e+00> : vector<4096x8xf32>
    %dot_general3A_17 = tpu.matmul %mul3A_13, %get3A_16, %dot_general3A {dimension_numbers = #tpu.dot_dimension_numbers<[1], [0], [0], [1], [0, 0, 1, 1], [], []>, precision = #tpu.contract_precision<fp32>, transpose_lhs_hint = false} : vector<4096x64xf32>, vector<64x8xf32>, vector<4096x8xf32> -> vector<4096x8xf32>
    %exp3A = math.exp %dot_general3A_17 : vector<4096x8xf32>
    %get3A_18 = arith.constant 0 : index
    %get3A_19 = arith.constant 0 : index
    %get3A_20 = vector.load %arg5[%get3A_18, %get3A_19] : memref<8x64xf32, #tpu.memory_space<vmem>>, vector<8x64xf32>
    %dot_general3A_21 = arith.constant dense<0.000000e+00> : vector<4096x64xf32>
    %dot_general3A_22 = tpu.matmul %exp3A, %get3A_20, %dot_general3A_21 {dimension_numbers = #tpu.dot_dimension_numbers<[1], [0], [0], [1], [0, 0, 1, 1], [], []>, precision = #tpu.contract_precision<fp32>, transpose_lhs_hint = false} : vector<4096x8xf32>, vector<8x64xf32>, vector<4096x64xf32> -> vector<4096x64xf32>
    %mul3A_23 = arith.mulf %get3A_1, %dot_general3A_22 : vector<4096x64xf32>
    %concatenate3A = tpu.concatenate %mul3A_23, %exp3A in 1 : vector<4096x64xf32>, vector<4096x8xf32> -> vector<4096x72xf32>
    %swap3A = arith.constant 0 : index
    %swap3A_24 = arith.constant 0 : index
    %swap3A_25 = vector.load %arg6[%swap3A, %swap3A_24] : memref<4096x72xf32, #tpu.memory_space<vmem>>, vector<4096x72xf32>
    tpu.vector_store %arg6[%swap3A, %swap3A_24], %concatenate3A {strides = array<i32>} : memref<4096x72xf32, #tpu.memory_space<vmem>>, vector<4096x72xf32>,
    return
  }
  func.func @transform_0(%arg0: i32) -> (i32, i32) {
    %c0_i32 = arith.constant 0 : i32
    %c0_i32_0 = arith.constant 0 : i32
    return %arg0, %c0_i32 : i32, i32
  }
  func.func @transform_1(%arg0: i32) -> (i32, i32) {
    %c0_i32 = arith.constant 0 : i32
    %c0_i32_0 = arith.constant 0 : i32
    return %arg0, %c0_i32 : i32, i32
  }
  func.func @transform_2(%arg0: i32) -> (i32, i32) {
    %c0_i32 = arith.constant 0 : i32
    %c0_i32_0 = arith.constant 0 : i32
    %c0_i32_1 = arith.constant 0 : i32
    return %c0_i32, %c0_i32_0 : i32, i32
  }
  func.func @transform_3(%arg0: i32) -> (i32, i32) {
    %c0_i32 = arith.constant 0 : i32
    %c0_i32_0 = arith.constant 0 : i32
    %c0_i32_1 = arith.constant 0 : i32
    return %c0_i32, %c0_i32_0 : i32, i32
  }
  func.func @transform_4(%arg0: i32) -> (i32, i32) {
    %c0_i32 = arith.constant 0 : i32
    %c0_i32_0 = arith.constant 0 : i32
    %c0_i32_1 = arith.constant 0 : i32
    return %c0_i32, %c0_i32_0 : i32, i32
  }
  func.func @transform_5(%arg0: i32) -> (i32, i32) {
    %c0_i32 = arith.constant 0 : i32
    %c0_i32_0 = arith.constant 0 : i32
    return %arg0, %c0_i32 : i32, i32
  }
}

module attributes {stable_mosaic.version = 14 : i64} {
  func.func @body(%arg0: i32, %arg1: memref<5000x72xf32, #tpu.memory_space<vmem>>, %arg2: memref<1x64xf32, #tpu.memory_space<vmem>>, %arg3: memref<8x64xf32, #tpu.memory_space<vmem>>, %arg4: memref<64x32xf32, #tpu.memory_space<vmem>>, %arg5: memref<64x32xf32, #tpu.memory_space<vmem>>, %arg6: memref<5000x32xf32, #tpu.memory_space<vmem>>, %arg7: memref<5000x32xf32, #tpu.memory_space<vmem>>) attributes {dimension_semantics = [#tpu.dimension_semantics<arbitrary>], iteration_bounds = array<i64: 11>, scalar_prefetch = 0 : i64, scratch_operands = 0 : i64, tpu.core_type = #tpu.core_type<tc>, window_params = [{transform_indices = @transform_0, window_bounds = array<i64: 5000, 72>}, {pipeline_mode = #tpu.pipeline_mode<synchronous>, transform_indices = @transform_1, window_bounds = array<i64: 1, 64>}, {pipeline_mode = #tpu.pipeline_mode<synchronous>, transform_indices = @transform_2, window_bounds = array<i64: 8, 64>}, {pipeline_mode = #tpu.pipeline_mode<synchronous>, transform_indices = @transform_3, window_bounds = array<i64: 64, 32>}, {pipeline_mode = #tpu.pipeline_mode<synchronous>, transform_indices = @transform_4, window_bounds = array<i64: 64, 32>}, {transform_indices = @transform_5, window_bounds = array<i64: 5000, 32>}, {transform_indices = @transform_6, window_bounds = array<i64: 5000, 32>}]} {
    %get3A = arith.constant 0 : index
    %get3A_0 = arith.constant 0 : index
    %get3A_1 = vector.load %arg1[%get3A, %get3A_0] : memref<5000x72xf32, #tpu.memory_space<vmem>>, vector<5000x72xf32>
    %slice3A = vector.extract_strided_slice %get3A_1 {offsets = [0, 0], sizes = [5000, 64], strides = [1, 1]} : vector<5000x72xf32> to vector<5000x64xf32>
    %slice3A_2 = vector.extract_strided_slice %get3A_1 {offsets = [0, 64], sizes = [5000, 8], strides = [1, 1]} : vector<5000x72xf32> to vector<5000x8xf32>
    %get3A_3 = arith.constant 0 : index
    %get3A_4 = arith.constant 0 : index
    %get3A_5 = vector.load %arg3[%get3A_3, %get3A_4] : memref<8x64xf32, #tpu.memory_space<vmem>>, vector<8x64xf32>
    %dot_general3A = arith.constant dense<0.000000e+00> : vector<5000x64xf32>
    %dot_general3A_6 = tpu.matmul %slice3A_2, %get3A_5, %dot_general3A {dimension_numbers = #tpu.dot_dimension_numbers<[1], [0], [0], [1], [0, 0, 1, 1], [], []>, precision = #tpu.contract_precision<fp32>, transpose_lhs_hint = false} : vector<5000x8xf32>, vector<8x64xf32>, vector<5000x64xf32> -> vector<5000x64xf32>
    %gt3A = arith.constant 0.000000e+00 : f32
    %gt3A_7 = vector.broadcast %gt3A : f32 to vector<5000x64xf32>
    %gt3A_8 = arith.cmpf ogt, %dot_general3A_6, %gt3A_7 : vector<5000x64xf32>
    %div3A = arith.divf %slice3A, %dot_general3A_6 : vector<5000x64xf32>
    %jit3A = arith.constant 0.000000e+00 : f32
    %broadcast_in_dim3A = vector.broadcast %jit3A : f32 to vector<5000x64xf32>
    %select_n3A = arith.select %gt3A_8, %div3A, %broadcast_in_dim3A : vector<5000x64xi1>, vector<5000x64xf32>
    %get3A_9 = arith.constant 0 : index
    %get3A_10 = arith.constant 0 : index
    %get3A_11 = vector.load %arg2[%get3A_9, %get3A_10] : memref<1x64xf32, #tpu.memory_space<vmem>>, vector<1x64xf32>
    %add3A = vector.broadcast %get3A_11 : vector<1x64xf32> to vector<5000x64xf32>
    %add3A_12 = arith.addf %select_n3A, %add3A : vector<5000x64xf32>
    %max3A = arith.constant 0.000000e+00 : f32
    %max3A_13 = vector.broadcast %max3A : f32 to vector<5000x64xf32>
    %max3A_14 = arith.maximumf %add3A_12, %max3A_13 : vector<5000x64xf32>
    %get3A_15 = arith.constant 0 : index
    %get3A_16 = arith.constant 0 : index
    %get3A_17 = vector.load %arg4[%get3A_15, %get3A_16] : memref<64x32xf32, #tpu.memory_space<vmem>>, vector<64x32xf32>
    %dot_general3A_18 = arith.constant dense<0.000000e+00> : vector<5000x32xf32>
    %dot_general3A_19 = tpu.matmul %max3A_14, %get3A_17, %dot_general3A_18 {dimension_numbers = #tpu.dot_dimension_numbers<[1], [0], [0], [1], [0, 0, 1, 1], [], []>, precision = #tpu.contract_precision<fp32>, transpose_lhs_hint = false} : vector<5000x64xf32>, vector<64x32xf32>, vector<5000x32xf32> -> vector<5000x32xf32>
    %swap3A = arith.constant 0 : index
    %swap3A_20 = arith.constant 0 : index
    %swap3A_21 = vector.load %arg6[%swap3A, %swap3A_20] : memref<5000x32xf32, #tpu.memory_space<vmem>>, vector<5000x32xf32>
    tpu.vector_store %arg6[%swap3A, %swap3A_20], %dot_general3A_19 {strides = array<i32>} : memref<5000x32xf32, #tpu.memory_space<vmem>>, vector<5000x32xf32>,
    %get3A_22 = arith.constant 0 : index
    %get3A_23 = arith.constant 0 : index
    %get3A_24 = vector.load %arg5[%get3A_22, %get3A_23] : memref<64x32xf32, #tpu.memory_space<vmem>>, vector<64x32xf32>
    %dot_general3A_25 = arith.constant dense<0.000000e+00> : vector<5000x32xf32>
    %dot_general3A_26 = tpu.matmul %max3A_14, %get3A_24, %dot_general3A_25 {dimension_numbers = #tpu.dot_dimension_numbers<[1], [0], [0], [1], [0, 0, 1, 1], [], []>, precision = #tpu.contract_precision<fp32>, transpose_lhs_hint = false} : vector<5000x64xf32>, vector<64x32xf32>, vector<5000x32xf32> -> vector<5000x32xf32>
    %swap3A_27 = arith.constant 0 : index
    %swap3A_28 = arith.constant 0 : index
    %swap3A_29 = vector.load %arg7[%swap3A_27, %swap3A_28] : memref<5000x32xf32, #tpu.memory_space<vmem>>, vector<5000x32xf32>
    tpu.vector_store %arg7[%swap3A_27, %swap3A_28], %dot_general3A_26 {strides = array<i32>} : memref<5000x32xf32, #tpu.memory_space<vmem>>, vector<5000x32xf32>,
    return
  }
  func.func @transform_0(%arg0: i32) -> (i32, i32) {
    %c0_i32 = arith.constant 0 : i32
    %c0_i32_0 = arith.constant 0 : i32
    return %arg0, %c0_i32 : i32, i32
  }
  func.func @transform_1(%arg0: i32) -> (i32, i32) {
    %c0_i32 = arith.constant 0 : i32
    %c0_i32_0 = arith.constant 0 : i32
    %c0_i32_1 = arith.constant 0 : i32
    return %c0_i32, %c0_i32_0 : i32, i32
  }
  func.func @transform_2(%arg0: i32) -> (i32, i32) {
    %c0_i32 = arith.constant 0 : i32
    %c0_i32_0 = arith.constant 0 : i32
    %c0_i32_1 = arith.constant 0 : i32
    return %c0_i32, %c0_i32_0 : i32, i32
  }
  func.func @transform_3(%arg0: i32) -> (i32, i32) {
    %c0_i32 = arith.constant 0 : i32
    %c0_i32_0 = arith.constant 0 : i32
    %c0_i32_1 = arith.constant 0 : i32
    return %c0_i32, %c0_i32_0 : i32, i32
  }
  func.func @transform_4(%arg0: i32) -> (i32, i32) {
    %c0_i32 = arith.constant 0 : i32
    %c0_i32_0 = arith.constant 0 : i32
    %c0_i32_1 = arith.constant 0 : i32
    return %c0_i32, %c0_i32_0 : i32, i32
  }
  func.func @transform_5(%arg0: i32) -> (i32, i32) {
    %c0_i32 = arith.constant 0 : i32
    %c0_i32_0 = arith.constant 0 : i32
    return %arg0, %c0_i32 : i32, i32
  }
  func.func @transform_6(%arg0: i32) -> (i32, i32) {
    %c0_i32 = arith.constant 0 : i32
    %c0_i32_0 = arith.constant 0 : i32
    return %arg0, %c0_i32 : i32, i32
  }
}

module attributes {stable_mosaic.version = 14 : i64} {
  func.func @body(%arg0: i32, %arg1: memref<4096x32xf32, #tpu.memory_space<vmem>>, %arg2: memref<4096x32xf32, #tpu.memory_space<vmem>>, %arg3: memref<1x32xf32, #tpu.memory_space<vmem>>, %arg4: memref<32x1xf32, #tpu.memory_space<vmem>>, %arg5: memref<1x32xf32, #tpu.memory_space<vmem>>, %arg6: memref<4096x64xf32, #tpu.memory_space<vmem>>) attributes {dimension_semantics = [#tpu.dimension_semantics<arbitrary>], iteration_bounds = array<i64: 197>, scalar_prefetch = 0 : i64, scratch_operands = 0 : i64, tpu.core_type = #tpu.core_type<tc>, window_params = [{transform_indices = @transform_0, window_bounds = array<i64: 4096, 32>}, {transform_indices = @transform_1, window_bounds = array<i64: 4096, 32>}, {pipeline_mode = #tpu.pipeline_mode<synchronous>, transform_indices = @transform_2, window_bounds = array<i64: 1, 32>}, {pipeline_mode = #tpu.pipeline_mode<synchronous>, transform_indices = @transform_3, window_bounds = array<i64: 32, 1>}, {pipeline_mode = #tpu.pipeline_mode<synchronous>, transform_indices = @transform_4, window_bounds = array<i64: 1, 32>}, {transform_indices = @transform_5, window_bounds = array<i64: 4096, 64>}]} {
    %get3A = arith.constant 0 : index
    %get3A_0 = arith.constant 0 : index
    %get3A_1 = vector.load %arg1[%get3A, %get3A_0] : memref<4096x32xf32, #tpu.memory_space<vmem>>, vector<4096x32xf32>
    %get3A_2 = arith.constant 0 : index
    %get3A_3 = arith.constant 0 : index
    %get3A_4 = vector.load %arg2[%get3A_2, %get3A_3] : memref<4096x32xf32, #tpu.memory_space<vmem>>, vector<4096x32xf32>
    %add3A = arith.addf %get3A_4, %get3A_1 : vector<4096x32xf32>
    %gt3A = arith.constant 0.000000e+00 : f32
    %gt3A_5 = vector.broadcast %gt3A : f32 to vector<4096x32xf32>
    %gt3A_6 = arith.cmpf ogt, %add3A, %gt3A_5 : vector<4096x32xf32>
    %mul3A = arith.constant 2.000000e-01 : f32
    %mul3A_7 = vector.broadcast %mul3A : f32 to vector<4096x32xf32>
    %mul3A_8 = arith.mulf %mul3A_7, %add3A : vector<4096x32xf32>
    %select_n3A = arith.select %gt3A_6, %add3A, %mul3A_8 : vector<4096x32xi1>, vector<4096x32xf32>
    %get3A_9 = arith.constant 0 : index
    %get3A_10 = arith.constant 0 : index
    %get3A_11 = vector.load %arg3[%get3A_9, %get3A_10] : memref<1x32xf32, #tpu.memory_space<vmem>>, vector<1x32xf32>
    %mul3A_12 = vector.broadcast %get3A_11 : vector<1x32xf32> to vector<4096x32xf32>
    %mul3A_13 = arith.mulf %select_n3A, %mul3A_12 : vector<4096x32xf32>
    %get3A_14 = arith.constant 0 : index
    %get3A_15 = arith.constant 0 : index
    %get3A_16 = vector.load %arg4[%get3A_14, %get3A_15] : memref<32x1xf32, #tpu.memory_space<vmem>>, vector<32x1xf32>
    %dot_general3A = arith.constant dense<0.000000e+00> : vector<4096x1xf32>
    %dot_general3A_17 = tpu.matmul %mul3A_13, %get3A_16, %dot_general3A {dimension_numbers = #tpu.dot_dimension_numbers<[1], [0], [0], [1], [0, 0, 1, 1], [], []>, precision = #tpu.contract_precision<fp32>, transpose_lhs_hint = false} : vector<4096x32xf32>, vector<32x1xf32>, vector<4096x1xf32> -> vector<4096x1xf32>
    %exp3A = math.exp %dot_general3A_17 : vector<4096x1xf32>
    %get3A_18 = arith.constant 0 : index
    %get3A_19 = arith.constant 0 : index
    %get3A_20 = vector.load %arg5[%get3A_18, %get3A_19] : memref<1x32xf32, #tpu.memory_space<vmem>>, vector<1x32xf32>
    %dot_general3A_21 = arith.constant dense<0.000000e+00> : vector<4096x32xf32>
    %dot_general3A_22 = tpu.matmul %exp3A, %get3A_20, %dot_general3A_21 {dimension_numbers = #tpu.dot_dimension_numbers<[1], [0], [0], [1], [0, 0, 1, 1], [], []>, precision = #tpu.contract_precision<fp32>, transpose_lhs_hint = false} : vector<4096x1xf32>, vector<1x32xf32>, vector<4096x32xf32> -> vector<4096x32xf32>
    %mul3A_23 = arith.mulf %get3A_1, %dot_general3A_22 : vector<4096x32xf32>
    %broadcast_in_dim3A = arith.constant 0.000000e+00 : f32
    %broadcast_in_dim3A_24 = vector.broadcast %broadcast_in_dim3A : f32 to vector<4096x31xf32>
    %concatenate3A = tpu.concatenate %mul3A_23, %exp3A, %broadcast_in_dim3A_24 in 1 : vector<4096x32xf32>, vector<4096x1xf32>, vector<4096x31xf32> -> vector<4096x64xf32>
    %swap3A = arith.constant 0 : index
    %swap3A_25 = arith.constant 0 : index
    %swap3A_26 = vector.load %arg6[%swap3A, %swap3A_25] : memref<4096x64xf32, #tpu.memory_space<vmem>>, vector<4096x64xf32>
    tpu.vector_store %arg6[%swap3A, %swap3A_25], %concatenate3A {strides = array<i32>} : memref<4096x64xf32, #tpu.memory_space<vmem>>, vector<4096x64xf32>,
    return
  }
  func.func @transform_0(%arg0: i32) -> (i32, i32) {
    %c0_i32 = arith.constant 0 : i32
    %c0_i32_0 = arith.constant 0 : i32
    return %arg0, %c0_i32 : i32, i32
  }
  func.func @transform_1(%arg0: i32) -> (i32, i32) {
    %c0_i32 = arith.constant 0 : i32
    %c0_i32_0 = arith.constant 0 : i32
    return %arg0, %c0_i32 : i32, i32
  }
  func.func @transform_2(%arg0: i32) -> (i32, i32) {
    %c0_i32 = arith.constant 0 : i32
    %c0_i32_0 = arith.constant 0 : i32
    %c0_i32_1 = arith.constant 0 : i32
    return %c0_i32, %c0_i32_0 : i32, i32
  }
  func.func @transform_3(%arg0: i32) -> (i32, i32) {
    %c0_i32 = arith.constant 0 : i32
    %c0_i32_0 = arith.constant 0 : i32
    %c0_i32_1 = arith.constant 0 : i32
    return %c0_i32, %c0_i32_0 : i32, i32
  }
  func.func @transform_4(%arg0: i32) -> (i32, i32) {
    %c0_i32 = arith.constant 0 : i32
    %c0_i32_0 = arith.constant 0 : i32
    %c0_i32_1 = arith.constant 0 : i32
    return %c0_i32, %c0_i32_0 : i32, i32
  }
  func.func @transform_5(%arg0: i32) -> (i32, i32) {
    %c0_i32 = arith.constant 0 : i32
    %c0_i32_0 = arith.constant 0 : i32
    return %arg0, %c0_i32 : i32, i32
  }
}

module attributes {stable_mosaic.version = 14 : i64} {
  func.func @body(%arg0: i32, %arg1: memref<5000x64xf32, #tpu.memory_space<vmem>>, %arg2: memref<1x32xf32, #tpu.memory_space<vmem>>, %arg3: memref<1x32xf32, #tpu.memory_space<vmem>>, %arg4: memref<5000x32xf32, #tpu.memory_space<vmem>>) attributes {dimension_semantics = [#tpu.dimension_semantics<arbitrary>], iteration_bounds = array<i64: 11>, scalar_prefetch = 0 : i64, scratch_operands = 0 : i64, tpu.core_type = #tpu.core_type<tc>, window_params = [{transform_indices = @transform_0, window_bounds = array<i64: 5000, 64>}, {pipeline_mode = #tpu.pipeline_mode<synchronous>, transform_indices = @transform_1, window_bounds = array<i64: 1, 32>}, {pipeline_mode = #tpu.pipeline_mode<synchronous>, transform_indices = @transform_2, window_bounds = array<i64: 1, 32>}, {transform_indices = @transform_3, window_bounds = array<i64: 5000, 32>}]} {
    %get3A = arith.constant 0 : index
    %get3A_0 = arith.constant 0 : index
    %get3A_1 = vector.load %arg1[%get3A, %get3A_0] : memref<5000x64xf32, #tpu.memory_space<vmem>>, vector<5000x64xf32>
    %slice3A = vector.extract_strided_slice %get3A_1 {offsets = [0, 0], sizes = [5000, 32], strides = [1, 1]} : vector<5000x64xf32> to vector<5000x32xf32>
    %slice3A_2 = vector.extract_strided_slice %get3A_1 {offsets = [0, 32], sizes = [5000, 1], strides = [1, 1]} : vector<5000x64xf32> to vector<5000x1xf32>
    %get3A_3 = arith.constant 0 : index
    %get3A_4 = arith.constant 0 : index
    %get3A_5 = vector.load %arg3[%get3A_3, %get3A_4] : memref<1x32xf32, #tpu.memory_space<vmem>>, vector<1x32xf32>
    %dot_general3A = arith.constant dense<0.000000e+00> : vector<5000x32xf32>
    %dot_general3A_6 = tpu.matmul %slice3A_2, %get3A_5, %dot_general3A {dimension_numbers = #tpu.dot_dimension_numbers<[1], [0], [0], [1], [0, 0, 1, 1], [], []>, precision = #tpu.contract_precision<fp32>, transpose_lhs_hint = false} : vector<5000x1xf32>, vector<1x32xf32>, vector<5000x32xf32> -> vector<5000x32xf32>
    %gt3A = arith.constant 0.000000e+00 : f32
    %gt3A_7 = vector.broadcast %gt3A : f32 to vector<5000x32xf32>
    %gt3A_8 = arith.cmpf ogt, %dot_general3A_6, %gt3A_7 : vector<5000x32xf32>
    %div3A = arith.divf %slice3A, %dot_general3A_6 : vector<5000x32xf32>
    %jit3A = arith.constant 0.000000e+00 : f32
    %broadcast_in_dim3A = vector.broadcast %jit3A : f32 to vector<5000x32xf32>
    %select_n3A = arith.select %gt3A_8, %div3A, %broadcast_in_dim3A : vector<5000x32xi1>, vector<5000x32xf32>
    %get3A_9 = arith.constant 0 : index
    %get3A_10 = arith.constant 0 : index
    %get3A_11 = vector.load %arg2[%get3A_9, %get3A_10] : memref<1x32xf32, #tpu.memory_space<vmem>>, vector<1x32xf32>
    %add3A = vector.broadcast %get3A_11 : vector<1x32xf32> to vector<5000x32xf32>
    %add3A_12 = arith.addf %select_n3A, %add3A : vector<5000x32xf32>
    %swap3A = arith.constant 0 : index
    %swap3A_13 = arith.constant 0 : index
    %swap3A_14 = vector.load %arg4[%swap3A, %swap3A_13] : memref<5000x32xf32, #tpu.memory_space<vmem>>, vector<5000x32xf32>
    tpu.vector_store %arg4[%swap3A, %swap3A_13], %add3A_12 {strides = array<i32>} : memref<5000x32xf32, #tpu.memory_space<vmem>>, vector<5000x32xf32>,
    return
  }
  func.func @transform_0(%arg0: i32) -> (i32, i32) {
    %c0_i32 = arith.constant 0 : i32
    %c0_i32_0 = arith.constant 0 : i32
    return %arg0, %c0_i32 : i32, i32
  }
  func.func @transform_1(%arg0: i32) -> (i32, i32) {
    %c0_i32 = arith.constant 0 : i32
    %c0_i32_0 = arith.constant 0 : i32
    %c0_i32_1 = arith.constant 0 : i32
    return %c0_i32, %c0_i32_0 : i32, i32
  }
  func.func @transform_2(%arg0: i32) -> (i32, i32) {
    %c0_i32 = arith.constant 0 : i32
    %c0_i32_0 = arith.constant 0 : i32
    %c0_i32_1 = arith.constant 0 : i32
    return %c0_i32, %c0_i32_0 : i32, i32
  }
  func.func @transform_3(%arg0: i32) -> (i32, i32) {
    %c0_i32 = arith.constant 0 : i32
    %c0_i32_0 = arith.constant 0 : i32
    return %arg0, %c0_i32 : i32, i32
  }
}

</mosaic_0001>

<sc_bundles>
// kernel: kernel.11.cloned.1.call-start
scs
__scs_entry_jumppad:
0x0: {  	(pc) =	sbr.rel $0x88, $3  }
0x1: {  	(tag) =	ssettag $0x0;
	lr =	simm.s32 $0x1  }
0x2: {  	[smem:$0x3F97] =	sst lr;
	_ =	strace $0xD0000000  }
0x3: {  	_ = 	snop  }
0x4: {  	_ = 	snop  }
0x5: {  	_ = 	snop  }
0x6: {  	_ = 	snop  }
0x7: {  	_ = 	snop  }
__scs_overlays_trampoline_lowered:
0x8: {  	[smem:$0x3FA6] =	sst s0  }
0x9: {  	[smem:$0x3FA7] =	sst s1  }
0xa: {  	[smem:$0x3FA8] =	sst s2  }
0xb: {  	[smem:$0x3FA9] =	sst s3  }
0xc: {  	[smem:$0x3FAA] =	sst s4  }
0xd: {  	[smem:$0x3FAB] =	sst s5  }
0xe: {  	[smem:$0x3FAC] =	sst s6  }
0xf: {  	[smem:$0x3FAD] =	sst s7  }
0x10: {  	[smem:$0x3FAE] =	sst s8  }
0x11: {  	[smem:$0x3FAF] =	sst s9;
	s0 =	simm.s32 @!p0 $0x0  }
0x12: {  	s1 =	sld [smem:$0x3F95];
	s0 =	simm.s32 @p0 $0x1  }
0x13: {  	[smem:$0x3FB0] =	sst s0;
	s0 =	simm.s32 @!p1 $0x0  }
0x14: {  	s2 =	sld [smem:$0x3F94];
	s0 =	simm.s32 @p1 $0x1  }
0x15: {  	[smem:$0x3FB1] =	sst s0;
	s0 =	simm.s32 @!p2 $0x0  }
0x16: {  	s3 =	sld [smem:$0x3FDB];
	s0 =	simm.s32 @p2 $0x1  }
0x17: {  	s4 =	simm.s32 $0x1BF5;
	[smem:$0x3FB3] =	sst s0  }
0x18: {  	s0 =	sld [smem:$0x3F96];
	_ =	swait.ge [sflag:s4], $0x0  }
0x19: {  	s7 =	sld [smem:$0x3F97]  }
0x1a: {  	s8 =	sadd.s32 $0xFFFFE003, lr  }
0x1b: {  	s9 =	sadd.s32 $0xFFFFFEF7, lr;
	s5 =	simm.s32 $0xFFFFFFFF;
	p2 =	slt.u32 s8, $0xFFFFF086  }
0x1c: {  	p1 =	slt.u32 s9, $0xF7A;
	s5 =	simm.s32 @!p2 $0x0  }
0x1d: {  	s5 =	simm.s32 @p1 $0x1;
	p0 =	seq.s32 s7, s2  }
0x1e: {  	s7 =	smul.u32 @!p0 $0xF7A, s2;
	p2 =	seq.s32 @!p0 s5, $0x0  }
0x1f: {  	s9 =	smul.u32 $0xF7A, s1;
	s8 =	simm.s32 @!p0 $0x1BF5;
	p2 =	por !p2, p0  }
0x20: {  	[sflag:s8] =	ssyncset.s32 @!p0 $0xFFFFF086;
	s6 =	sadd.s32 @!p0 s3, s7;
	s7 =	simm.s32 @!p0 $0x108  }
0x21: {  	s3 =	sadd.s32 s3, s9;
	s6 =	sadd.s32 @!p0 $0x88, s6;
	s7 =	simm.s32 @p2 $0x1082  }
0x22: {  	[simem:s7], [sflag:s8] =	dma.local @!p0 [hbm:s6], $0xF7A  }
0x23: {  	s9 =	sor.u32 $0xD0000000, s2;
	s6 =	simm.s32 $0x108;
	_ =	swait.ge @!p0 [sflag:s8], $0x0  }
0x24: {  	s3 =	sadd.s32 $0x88, s3;
	s6 =	simm.s32 @!p1 $0x1082;
	[sflag:s4] =	ssyncset.s32 $0xFFFFF086  }
0x25: {  	[simem:s6], [sflag:s4] =	dma.local [hbm:s3], $0xF7A  }
0x26: {  	[smem:$0x3F97] =	sst s1;
	(tag) =	ssettag s2;
	_ =	strace s9  }
0x27: {  	s1 =	sld [smem:$0x3FA7]  }
0x28: {  	s2 =	sld [smem:$0x3FA8]  }
0x29: {  	s4 =	sld [smem:$0x3FAA]  }
0x2a: {  	p0 =	seq.s32 s5, $0x0;
	s5 =	sld [smem:$0x3FAB]  }
0x2b: {  	s6 =	sld [smem:$0x3FAC]  }
0x2c: {  	s7 =	sld [smem:$0x3FAD]  }
0x2d: {  	s3 =	simm.s32 $0x108;
	s8 =	sld [smem:$0x3FAE]  }
0x2e: {  	s3 =	simm.s32 @!p0 $0x1082;
	s9 =	sld [smem:$0x3FAF]  }
0x2f: {  	lr =	sadd.s32 s0, s3;
	s0 =	sld [smem:$0x3FA6]  }
0x30: {  	s3 =	sld [smem:$0x3FA9]  }
0x31: {  	[smem:$0x3FB2] =	sst s10  }
0x32: {  	s10 =	sld [smem:$0x3FB0];
	_ =	sdelay $0x3  }
0x33: {  	p0 =	seq.s32 s10, $0x1;
	s10 =	sld [smem:$0x3FB2];
	_ =	sdelay $0x3  }
0x34: {  	[smem:$0x3FB2] =	sst s10  }
0x35: {  	s10 =	sld [smem:$0x3FB1];
	_ =	sdelay $0x3  }
0x36: {  	p1 =	seq.s32 s10, $0x1;
	s10 =	sld [smem:$0x3FB2];
	_ =	sdelay $0x3  }
0x37: {  	[smem:$0x3FB2] =	sst s10  }
0x38: {  	s10 =	sld [smem:$0x3FB3]  }
0x39: {  	_ = 	snop;
	(pc) =	sbr.ind lr, $3  }
0x3a: {  	_ = 	snop  }
0x3b: {  	_ = 	snop  }
0x3c: {  	p2 =	seq.s32 s10, $0x1;
	s10 =	sld [smem:$0x3FB2]  }
0x3d: {  	_ =	shalt  }
0x3e: {  	_ =	shalt  }
0x3f: {  	_ =	shalt  }
0x40: {  	_ =	shalt  }
0x41: {  	_ =	shalt  }
0x42: {  	_ =	shalt  }
0x43: {  	_ =	shalt  }
0x44: {  	_ =	shalt  }
0x45: {  	_ =	shalt  }
0x46: {  	_ =	shalt  }
0x47: {  	_ =	shalt  }
0x48: {  	_ =	shalt  }
0x49: {  	_ =	shalt  }
0x4a: {  	_ =	shalt  }
0x4b: {  	_ =	shalt  }
0x4c: {  	_ =	shalt  }
0x4d: {  	_ =	shalt  }
0x4e: {  	_ =	shalt  }
0x4f: {  	_ =	shalt  }
0x50: {  	_ =	shalt  }
0x51: {  	_ =	shalt  }
0x52: {  	_ =	shalt  }
0x53: {  	_ =	shalt  }
0x54: {  	_ =	shalt  }
0x55: {  	_ =	shalt  }
0x56: {  	_ =	shalt  }
0x57: {  	_ =	shalt  }
0x58: {  	_ =	shalt  }
0x59: {  	_ =	shalt  }
0x5a: {  	_ =	shalt  }
0x5b: {  	_ =	shalt  }
0x5c: {  	_ =	shalt  }
0x5d: {  	_ =	shalt  }
0x5e: {  	_ =	shalt  }
0x5f: {  	_ =	shalt  }
0x60: {  	_ =	shalt  }
0x61: {  	_ =	shalt  }
0x62: {  	_ =	shalt  }
0x63: {  	_ =	shalt  }
0x64: {  	_ =	shalt  }
0x65: {  	_ =	shalt  }
0x66: {  	_ =	shalt  }
0x67: {  	_ =	shalt  }
0x68: {  	_ =	shalt  }
0x69: {  	_ =	shalt  }
0x6a: {  	_ =	shalt  }
0x6b: {  	_ =	shalt  }
0x6c: {  	_ =	shalt  }
0x6d: {  	_ =	shalt  }
0x6e: {  	_ =	shalt  }
0x6f: {  	_ =	shalt  }
0x70: {  	_ =	shalt  }
0x71: {  	_ =	shalt  }
0x72: {  	_ =	shalt  }
0x73: {  	_ =	shalt  }
0x74: {  	_ =	shalt  }
0x75: {  	_ =	shalt  }
0x76: {  	_ =	shalt  }
0x77: {  	_ =	shalt  }
0x78: {  	_ =	shalt  }
0x79: {  	_ =	shalt  }
0x7a: {  	_ =	shalt  }
0x7b: {  	_ =	shalt  }
0x7c: {  	_ =	shalt  }
0x7d: {  	_ =	shalt  }
0x7e: {  	_ =	shalt  }
0x7f: {  	_ =	shalt  }
0x80: {  	_ =	shalt  }
0x81: {  	_ =	shalt  }
0x82: {  	_ =	shalt  }
0x83: {  	_ =	shalt  }
0x84: {  	_ =	shalt  }
0x85: {  	_ =	shalt  }
0x86: {  	_ =	shalt  }
0x87: {  	_ =	shalt  }
.Lfunc_end0:
.L_simem_size_0:
called_computation_lowered:
.L_overlay_start_0:
0x88: {  	s2 =	sld [smem:$0x3FD9]  }
0x89: {  	s3 =	sld [smem:$0x3FFE];
	_ =	sdelay $0x1  }
0x8a: {  	s1 =	srdreg.scid  }
0x8b: {  	s0 =	sand.u32 $0x1, s1  }
0x8c: {  	s17 =	sshll.u32 s0, $0xA;
	s2 =	sadd.s32 s3, s2  }
0x8d: {  	s2 =	sadd.s32 s2, s17  }
0x8e: {  	[smem:$0x3FBE] =	sst s2  }
0x8f: {  	_ = 	snop  }
0x90: {  	s2 =	sld [smem:$0x3FD0];
	(tm) =	ssettm $0x1  }
0x91: {  	s18 =	sld [smem:$0x3FFB];
	_ =	sdelay $0x3  }
0x92: {  	_ =	strace s18  }
0x93: {  	s3 =	sld [smem:$0x3FFC];
	_ =	sdelay $0x3  }
0x94: {  	_ =	strace s3  }
0x95: {  	s3 =	sld [smem:$0x3FFD];
	_ =	sdelay $0x3  }
0x96: {  	_ =	strace s3  }
0x97: {  	_ =	strace $0x8FFFFFFF  }
0x98: {  	s19 =	sld [smem:$0x3FDB];
	_ =	sdelay $0x1  }
0x99: {  	s4 =	simm.s32 $_scs_section_size  }
0x9a: {  	s5 =	simm.s32 $_size__tile_overlayer_lowered;
	s6 =	simm.s32 $_tile_overlayer_lowered  }
0x9b: {  	s22 =	simm.s32 $0x1BFF;
	s21 =	sshll.u32 s6, $0x1;
	s3 =	sadd.s32 s4, s19  }
0x9c: {  	s7 =	simm.s32 $0x0;
	s20 =	sshll.u32 s5, $0x1;
	s5 =	sadd.s32 s21, s3  }
0x9d: {  	[timem:s7], [sflag:s22] =	dma.local [hbm:s5], s20  }
0x9e: {  	_ =	swait.ge [sflag:s22], s20  }
0x9f: {  	s4 =	ssub.s32 $0x0, s20;
	[sflag:s22] =	ssyncset.done $0x0  }
0xa0: {  	[sflag:s22] =	ssyncadd.s32 s4;
	_ =	sdelay $0x1  }
0xa1: {  	s23 =	simm.s32 $0x1B8B  }
0xa2: {  	_ =	swait.ge [sflag:s23], $0x1  }
0xa3: {  	[sflag:s23] =	ssyncset.done $0x0  }
0xa4: {  	s25 =	simm.s32 $0x1B8E;
	s24 =	sld [smem:$0x3FFE];
	[sflag:s23] =	ssyncadd.s32 $0xFFFFFFFF  }
0xa5: {  	s26 =	simm.s32 $execute0_lowered;
	[smem:$0x3FD2] =	sst s25  }
0xa6: {  	s5 =	sshll.u32 s26, $0x1;
	_ =	strace $0x80000046;
	[dreg:$0x1] =	wrdreg $0xFFFFFFFF  }
0xa7: {  	s28 =	simm.s32 $_size_execute0_lowered;
	s3 =	sadd.s32 s3, s5;
	[dreg:$0x0] =	wrdreg $0x0  }
0xa8: {  	s5 =	sshll.u32 s28, $0x1;
	[dreg:$0x2] =	wrdreg s3  }
0xa9: {  	[dreg:$0x3] =	wrdreg s5  }
0xaa: {  	[dreg:$0x4] =	wrdreg $0xC0  }
0xab: {  	_ =	task [dreg:s7], $0x5FFFF  }
0xac: {  	[dreg:$0x1] =	wrdreg $0xFFFFFFFF  }
0xad: {  	[dreg:$0x0] =	wrdreg $0x60  }
0xae: {  	[dreg:$0x2] =	wrdreg s24  }
0xaf: {  	[dreg:$0x3] =	wrdreg s2  }
0xb0: {  	[dreg:$0x4] =	wrdreg $0x9  }
0xb1: {  	_ =	task.clear_ibuf [dreg:s7], $0x5FFFF;
	_ =	strace $0x90000046  }
0xb2: {  	s29 =	simm.s32 $0x9;
	_ =	strace $0x80000048  }
0xb3: {  	_ =	swait.ge [sflag:s29], $0x1  }
0xb4: {  	[sflag:s29] =	ssyncadd.s32 $0xFFFFFFFF  }
0xb5: {  	_ =	strace $0x90000048  }
0xb6: {  	_ =	sfence  }
0xb7: {  	s30 =	sld [smem:$0x0];
	_ =	sdelay $0x2  }
0xb8: {  	s31 =	sshll.u32 s1, $0xD;
	s1 =	sshrl.u32 s1, $0x2  }
0xb9: {  	s3 =	sand.u32 $0x4000, s31;
	s1 =	sadd.s32 s1, s30  }
0xba: {  	s0 =	sor.u32 s3, s0;
	s1 =	sshll.u32 s1, $0x11  }
0xbb: {  	s0 =	sor.u32 s1, s0  }
0xbc: {  	s0 =	sadd.s32 $0x8F2B, s0  }
0xbd: {  	[sflag:s0] =	ssyncadd.remote.s32 $0x1  }
0xbe: {  	_ =	sfence.sel $0xFFFF  }
0xbf: {  	[dreg:$0x0] =	wrdreg $0xFFFFFFFF;
	(pc) =	sbr.abs _section_cstart, $3  }
0xc0: {  	[dreg:$0x1] =	wrdreg $0xFFFFFFFF  }
0xc1: {  	_ =	task.clear_ibuf [dreg:s7], $0x2FFFF;
	_ =	strace $0x9FFFFFFF  }
0xc2: {  	(tm) =	ssettm $0x7FFFFFFF  }
0xc3: {  	_ =	shalt  }
tec
execute0_lowered:
.L_overlay_start_1:
0x0: {  	(tag) =	ssettag $0x1  }
0x1: {  	s0 =	rddreg [dreg:$0x0]  }
0x2: {  	s2 =	rddreg [dreg:$0x1];
	s1 =	simm.s32 $0x0;
	s5 =	srdreg.scid  }
0x3: {  	s10 =	stileid.u32;
	s11 =	simm.s32 $0x3;
	s12 =	simm.s32 $0x400  }
0x4: {  	s13 =	simm.s32 $0x80;
	s14 =	simm.s32 $0x800;
	s15 =	simm.s32 $0x2800  }
0x5: {  	s17 =	simm.s32 $0x4800;
	s19 =	simm.s32 $0x6800;
	s21 =	simm.s32 $0x8800  }
0x6: {  	s28 =	simm.s32 $0xE800;
	s29 =	simm.s32 $0x1;
	s30 =	simm.s32 $0x480  }
0x7: {  	s31 =	simm.s32 $0x500;
	s18 =	simm.s32 $0x0;
	[smem:$0x7FF] =	sst s1  }
0x8: {  	s3 =	sadd.s32 $0x6F200, s0;
	s4 =	sadd.s32 $0x3A00, s0;
	s5 =	sand.u32 $0x1, s5  }
0x9: {  	s6 =	sshll.u32 s10, $0x8;
	s7 =	sshll.u32 s10, $0xE;
	s23 =	sshll.u32 s10, $0x1  }
0xa: {  	s10 =	simm.s32 $0x2;
	_ =	strace $0x80000047;
	s8 =	ssub.s32 $0x2, s5  }
0xb: {  	s9 =	sadd.s32 s6, s0;
	s0 =	sadd.s32 s7, s0;
	[dreg:$0x3] =	wrdreg s23  }
0xc: {  	s24 =	sshll.u32 s5, $0x7;
	s5 =	sshll.u32 s5, $0xD;
	s2 =	sadd.s32 s6, s2  }
0xd: {  	s23 =	simm.s32 $0xA800;
	s6 =	simm.s32 $0x700;
	s22 =	sshrl.u32 s8, $0x1  }
0xe: {  	s25 =	sadd.s32 s24, s9;
	s0 =	sadd.s32 s5, s0;
	s5 =	simm.s32 $0x680  }
.Ltmp0:
0xf: {  	s9 =	simm.s32 $0x780;
	s7 =	ssub.s32 s8, s22;
	(pc) =	sbr.rel .LBB2_1-.Ltmp0, $4  }
0x10: {  	s8 =	sadd.s32 s24, s2;
	s26 =	sadd.s32 $0xF3400, s0;
	s0 =	sadd.s32 $0x71B400, s0  }
0x11: {  	s2 =	simm.s32 $0x600;
	s7 =	smax.u32 s7, $0x1;
	[dreg:$0x5] =	wrdreg s26  }
0x12: {  	[dreg:$0x6] =	wrdreg s0;
	s26 =	simm.s32 $0x380;
	s0 =	simm.s32 $0x580  }
0x13: {  	[dreg:$0x4] =	wrdreg s7;
	s7 =	sadd.s32 $0xDAA00, s25;
	s25 =	simm.s32 $0xC800  }
.LBB2_5:
0x14: {  	s18 =	rddreg [dreg:$0x7]  }
0x15: {  	s16 =	rddreg [dreg:$0x4];
	s18 =	sadd.s32 $0x1, s18  }
0x16: {  	p0 =	sne.s32 s18, s16  }
.Ltmp1:
0x17: {  	_ = 	snop;
	(pc) =	sbr.rel @!p0 .LBB2_6-.Ltmp1, $1  }
0x18: {  	_ =	sdelay $0x3  }
.LBB2_1:
.Ltmp2:
0x19: {  	(pc) =	sbr.rel .LBB2_2-.Ltmp2, $4  }
0x1a: {  	[dreg:$0x7] =	wrdreg s18  }
0x1b: {  	s18 =	rddreg [dreg:$0x3]  }
0x1c: {  	s16 =	rddreg [dreg:$0x6]  }
0x1d: {  	s20 =	rddreg [dreg:$0x5];
	s22 =	simm.s32 $0x0  }
.LBB2_4:
0x1e: {  	s22 =	sadd.s32 $0x1000, s22  }
0x1f: {  	p0 =	sne.s32 s22, $0x19000  }
.Ltmp3:
0x20: {  	_ = 	snop;
	(pc) =	sbr.rel @!p0 .LBB2_5-.Ltmp3, $2  }
0x21: {  	_ =	sdelay $0x2  }
0x22: {  	s20 =	sadd.s32 $0x40000, s20;
	s16 =	sadd.s32 $0x40000, s16;
	s18 =	sadd.s32 $0x20, s18  }
.LBB2_2:
0x23: {  	p0 =	sgt.u32 s18, $0x313  }
.Ltmp4:
0x24: {  	_ = 	snop;
	(pc) =	sbr.rel @p0 .LBB2_4-.Ltmp4, $1  }
0x25: {  	_ =	sdelay $0x3  }
0x26: {  	s24 =	sadd.s32 s22, s8  }
0x27: {  	[tilespmem:s1], [sflag:$0x3] =	stream.linear.gather [hbm4b:s24+s1], $0x400, $0x38;
	[tilespmem:$0x10800] =	vst v63  }
0x28: {  	_ =	swait.ge [sflag:s11], $0x400  }
0x29: {  	[sflag:s11] =	ssyncset.done $0x0  }
0x2a: {  	s24 =	sadd.s32 s22, s7;
	[sflag:s11] =	ssyncadd.s32 $0xFFFFFC00  }
0x2b: {  	[tilespmem:s12], [sflag:$0x3] =	stream.linear.gather [hbm4b:s24+s1], $0x400, $0x38;
	[tilespmem:$0x10800] =	vst v63  }
0x2c: {  	_ =	swait.ge [sflag:s11], $0x400  }
0x2d: {  	[sflag:s11] =	ssyncset.done $0x0  }
0x2e: {  	[sflag:s11] =	ssyncadd.s32 $0xFFFFFC00  }
0x2f: {  	[tilespmem:s14], [sflag:$0x1] =	stream.indirect.gather [hbm4b:s3+s13], $0x40, s1, s13, $0xb8;
	[tilespmem:$0x10800] =	vst v63  }
0x30: {  	_ = 	snop  }
0x31: {  	[tilespmem:s15], [sflag:$0x1] =	stream.indirect.gather [hbm4b:s3+s13], $0x40, s13, s13, $0xb8;
	[tilespmem:$0x10800] =	vst v63  }
0x32: {  	s24 =	simm.s32 $0x100  }
0x33: {  	[tilespmem:s17], [sflag:$0x1] =	stream.indirect.gather [hbm4b:s3+s13], $0x40, s24, s13, $0xb8;
	[tilespmem:$0x10800] =	vst v63  }
0x34: {  	s24 =	simm.s32 $0x180  }
0x35: {  	[tilespmem:s19], [sflag:$0x1] =	stream.indirect.gather [hbm4b:s3+s13], $0x40, s24, s13, $0xb8;
	[tilespmem:$0x10800] =	vst v63  }
0x36: {  	s24 =	simm.s32 $0x200  }
0x37: {  	[tilespmem:s21], [sflag:$0x1] =	stream.indirect.gather [hbm4b:s3+s13], $0x40, s24, s13, $0xb8;
	[tilespmem:$0x10800] =	vst v63  }
0x38: {  	s24 =	simm.s32 $0x280  }
0x39: {  	[tilespmem:s23], [sflag:$0x1] =	stream.indirect.gather [hbm4b:s3+s13], $0x40, s24, s13, $0xb8;
	[tilespmem:$0x10800] =	vst v63  }
0x3a: {  	s24 =	simm.s32 $0x300  }
0x3b: {  	[tilespmem:s25], [sflag:$0x1] =	stream.indirect.gather [hbm4b:s3+s13], $0x40, s24, s13, $0xb8;
	[tilespmem:$0x10800] =	vst v63  }
0x3c: {  	_ = 	snop  }
0x3d: {  	[tilespmem:s28], [sflag:$0x1] =	stream.indirect.gather [hbm4b:s3+s13], $0x40, s26, s13, $0xb8;
	[tilespmem:$0x10800] =	vst v63  }
0x3e: {  	_ =	swait.ge [sflag:s29], $0x2000  }
0x3f: {  	[sflag:s29] =	ssyncset.done $0x0  }
0x40: {  	[sflag:s29] =	ssyncadd.s32 $0xFFFFE000  }
0x41: {  	_ =	swait.ge [sflag:s29], $0x2000  }
0x42: {  	[sflag:s29] =	ssyncset.done $0x0  }
0x43: {  	[sflag:s29] =	ssyncadd.s32 $0xFFFFE000  }
0x44: {  	_ =	swait.ge [sflag:s29], $0x2000  }
0x45: {  	[sflag:s29] =	ssyncset.done $0x0  }
0x46: {  	[sflag:s29] =	ssyncadd.s32 $0xFFFFE000  }
0x47: {  	_ =	swait.ge [sflag:s29], $0x2000  }
0x48: {  	[sflag:s29] =	ssyncset.done $0x0  }
0x49: {  	[sflag:s29] =	ssyncadd.s32 $0xFFFFE000  }
0x4a: {  	_ =	swait.ge [sflag:s29], $0x2000  }
0x4b: {  	[sflag:s29] =	ssyncset.done $0x0  }
0x4c: {  	[sflag:s29] =	ssyncadd.s32 $0xFFFFE000  }
0x4d: {  	_ =	swait.ge [sflag:s29], $0x2000  }
0x4e: {  	[sflag:s29] =	ssyncset.done $0x0  }
0x4f: {  	[sflag:s29] =	ssyncadd.s32 $0xFFFFE000  }
0x50: {  	_ =	swait.ge [sflag:s29], $0x2000  }
0x51: {  	[sflag:s29] =	ssyncset.done $0x0  }
0x52: {  	[sflag:s29] =	ssyncadd.s32 $0xFFFFE000  }
0x53: {  	_ =	swait.ge [sflag:s29], $0x2000  }
0x54: {  	[sflag:s29] =	ssyncset.done $0x0  }
0x55: {  	[sflag:s29] =	ssyncadd.s32 $0xFFFFE000  }
0x56: {  	[hbm4b:s16+s1] =	stream.linear.scatter [tilespmem:s14], [sflag:$0x3], $0x10000, $0x38;
	[tilespmem:$0x10800] =	vst v63  }
0x57: {  	_ =	swait.ge [sflag:s11], $0x10000  }
0x58: {  	[sflag:s11] =	ssyncset.done $0x0  }
0x59: {  	[sflag:s11] =	ssyncadd.s32 $0xFFFF0000  }
0x5a: {  	[tilespmem:s14], [sflag:$0x1] =	stream.indirect.gather [hbm4b:s4+s13], $0x40, s12, s13, $0xb8;
	[tilespmem:$0x10800] =	vst v63  }
0x5b: {  	_ = 	snop  }
0x5c: {  	[tilespmem:s15], [sflag:$0x1] =	stream.indirect.gather [hbm4b:s4+s13], $0x40, s30, s13, $0xb8;
	[tilespmem:$0x10800] =	vst v63  }
0x5d: {  	_ = 	snop  }
0x5e: {  	[tilespmem:s17], [sflag:$0x1] =	stream.indirect.gather [hbm4b:s4+s13], $0x40, s31, s13, $0xb8;
	[tilespmem:$0x10800] =	vst v63  }
0x5f: {  	_ = 	snop  }
0x60: {  	[tilespmem:s19], [sflag:$0x1] =	stream.indirect.gather [hbm4b:s4+s13], $0x40, s0, s13, $0xb8;
	[tilespmem:$0x10800] =	vst v63  }
0x61: {  	_ = 	snop  }
0x62: {  	[tilespmem:s21], [sflag:$0x1] =	stream.indirect.gather [hbm4b:s4+s13], $0x40, s2, s13, $0xb8;
	[tilespmem:$0x10800] =	vst v63  }
0x63: {  	_ = 	snop  }
0x64: {  	[tilespmem:s23], [sflag:$0x1] =	stream.indirect.gather [hbm4b:s4+s13], $0x40, s5, s13, $0xb8;
	[tilespmem:$0x10800] =	vst v63  }
0x65: {  	_ = 	snop  }
0x66: {  	[tilespmem:s25], [sflag:$0x1] =	stream.indirect.gather [hbm4b:s4+s13], $0x40, s6, s13, $0xb8;
	[tilespmem:$0x10800] =	vst v63  }
0x67: {  	_ = 	snop  }
0x68: {  	[tilespmem:s28], [sflag:$0x1] =	stream.indirect.gather [hbm4b:s4+s13], $0x40, s9, s13, $0xb8;
	[tilespmem:$0x10800] =	vst v63  }
0x69: {  	_ =	swait.ge [sflag:s29], $0x2000  }
0x6a: {  	[sflag:s29] =	ssyncset.done $0x0  }
0x6b: {  	[sflag:s29] =	ssyncadd.s32 $0xFFFFE000  }
0x6c: {  	_ =	swait.ge [sflag:s29], $0x2000  }
0x6d: {  	[sflag:s29] =	ssyncset.done $0x0  }
0x6e: {  	[sflag:s29] =	ssyncadd.s32 $0xFFFFE000  }
0x6f: {  	_ =	swait.ge [sflag:s29], $0x2000  }
0x70: {  	[sflag:s29] =	ssyncset.done $0x0  }
0x71: {  	[sflag:s29] =	ssyncadd.s32 $0xFFFFE000  }
0x72: {  	_ =	swait.ge [sflag:s29], $0x2000  }
0x73: {  	[sflag:s29] =	ssyncset.done $0x0  }
0x74: {  	[sflag:s29] =	ssyncadd.s32 $0xFFFFE000  }
0x75: {  	_ =	swait.ge [sflag:s29], $0x2000  }
0x76: {  	[sflag:s29] =	ssyncset.done $0x0  }
0x77: {  	[sflag:s29] =	ssyncadd.s32 $0xFFFFE000  }
0x78: {  	_ =	swait.ge [sflag:s29], $0x2000  }
0x79: {  	[sflag:s29] =	ssyncset.done $0x0  }
0x7a: {  	[sflag:s29] =	ssyncadd.s32 $0xFFFFE000  }
0x7b: {  	_ =	swait.ge [sflag:s29], $0x2000  }
0x7c: {  	[sflag:s29] =	ssyncset.done $0x0  }
0x7d: {  	[sflag:s29] =	ssyncadd.s32 $0xFFFFE000  }
0x7e: {  	_ =	swait.ge [sflag:s29], $0x2000  }
0x7f: {  	[sflag:s29] =	ssyncset.done $0x0  }
.Ltmp5:
0x80: {  	[sflag:s29] =	ssyncadd.s32 $0xFFFFE000;
	(pc) =	sbr.rel .LBB2_4-.Ltmp5, $4  }
0x81: {  	[hbm4b:s20+s1] =	stream.linear.scatter [tilespmem:s14], [sflag:$0x2], $0x10000, $0x38;
	[tilespmem:$0x10800] =	vst v63  }
0x82: {  	_ =	swait.ge [sflag:s10], $0x10000  }
0x83: {  	[sflag:s10] =	ssyncset.done $0x0  }
0x84: {  	[sflag:s10] =	ssyncadd.s32 $0xFFFF0000  }
.LBB2_6:
0x85: {  	_ =	sfence.sel $0x180000  }
0x86: {  	[bflag:$0x0] =	sbarrier.arrive $0xFFFF  }
0x87: {  	_ =	strace $0x90000047  }
0x88: {  	s0 =	stileid.u32;
	[bflag:$0x2] =	sbarrier.arrive $0xFFFF  }
0x89: {  	p0 =	sne.s32 s0, $0x0;
	s0 =	rddreg [dreg:$0x2]  }
0x8a: {  	s0 =	sadd.s32 @!p0 $0x100000, s0  }
0x8b: {  	[sflag:s0] =	ssyncadd.tile.s32 @!p0 $0x1;
	_ =	shalt  }
.Lfunc_end2:
_tile_overlayer_lowered:
.L_overlay_start_2:
0x8c: {  	(tag) =	ssettag $0x2  }
0x8d: {  	s0 =	rddreg [dreg:$0x0];
	s2 =	stileid.u32  }
0x8e: {  	s1 =	rddreg [dreg:$0x1];
	p0 =	sne.s32 s2, $0x0  }
0x8f: {  	s3 =	rddreg [dreg:$0x2];
	[bflag:$0x3] =	sbarrier.arrive $0xFFFF;
	s2 =	simm.s32 @!p0 $0x1C02  }
0x90: {  	[timem:s3], [sflag:s2] =	dma.local @!p0 [hbm:s0], s1  }
0x91: {  	s0 =	simm.s32 @!p0 $0x2  }
0x92: {  	_ =	swait.ge @!p0 [sflag:s0], s1  }
0x93: {  	s1 =	ssub.s32 @!p0 $0x0, s1;
	[sflag:s0] =	ssyncset.done @!p0 $0x0  }
0x94: {  	[sflag:s0] =	ssyncadd.s32 @!p0 s1  }
0x95: {  	[bflag:$0x3] =	sbarrier.arrive $0xFFFF  }
0x96: {  	_ =	shalt  }

// kernel: kernel.14.cloned.1.call-start
scs
__scs_entry_jumppad:
0x0: {  	(pc) =	sbr.rel $0x88, $3  }
0x1: {  	(tag) =	ssettag $0x0;
	lr =	simm.s32 $0x1  }
0x2: {  	[smem:$0x3F97] =	sst lr;
	_ =	strace $0xD0000000  }
0x3: {  	_ = 	snop  }
0x4: {  	_ = 	snop  }
0x5: {  	_ = 	snop  }
0x6: {  	_ = 	snop  }
0x7: {  	_ = 	snop  }
__scs_overlays_trampoline_lowered:
0x8: {  	[smem:$0x3FA6] =	sst s0  }
0x9: {  	[smem:$0x3FA7] =	sst s1  }
0xa: {  	[smem:$0x3FA8] =	sst s2  }
0xb: {  	[smem:$0x3FA9] =	sst s3  }
0xc: {  	[smem:$0x3FAA] =	sst s4  }
0xd: {  	[smem:$0x3FAB] =	sst s5  }
0xe: {  	[smem:$0x3FAC] =	sst s6  }
0xf: {  	[smem:$0x3FAD] =	sst s7  }
0x10: {  	[smem:$0x3FAE] =	sst s8  }
0x11: {  	[smem:$0x3FAF] =	sst s9;
	s0 =	simm.s32 @!p0 $0x0  }
0x12: {  	s1 =	sld [smem:$0x3F95];
	s0 =	simm.s32 @p0 $0x1  }
0x13: {  	[smem:$0x3FB0] =	sst s0;
	s0 =	simm.s32 @!p1 $0x0  }
0x14: {  	s2 =	sld [smem:$0x3F94];
	s0 =	simm.s32 @p1 $0x1  }
0x15: {  	[smem:$0x3FB1] =	sst s0;
	s0 =	simm.s32 @!p2 $0x0  }
0x16: {  	s3 =	sld [smem:$0x3FDB];
	s0 =	simm.s32 @p2 $0x1  }
0x17: {  	s4 =	simm.s32 $0x1BF5;
	[smem:$0x3FB3] =	sst s0  }
0x18: {  	s0 =	sld [smem:$0x3F96];
	_ =	swait.ge [sflag:s4], $0x0  }
0x19: {  	s7 =	sld [smem:$0x3F97]  }
0x1a: {  	s8 =	sadd.s32 $0xFFFFE003, lr  }
0x1b: {  	s9 =	sadd.s32 $0xFFFFFEF7, lr;
	s5 =	simm.s32 $0xFFFFFFFF;
	p2 =	slt.u32 s8, $0xFFFFF086  }
0x1c: {  	p1 =	slt.u32 s9, $0xF7A;
	s5 =	simm.s32 @!p2 $0x0  }
0x1d: {  	s5 =	simm.s32 @p1 $0x1;
	p0 =	seq.s32 s7, s2  }
0x1e: {  	s7 =	smul.u32 @!p0 $0xF7A, s2;
	p2 =	seq.s32 @!p0 s5, $0x0  }
0x1f: {  	s9 =	smul.u32 $0xF7A, s1;
	s8 =	simm.s32 @!p0 $0x1BF5;
	p2 =	por !p2, p0  }
0x20: {  	[sflag:s8] =	ssyncset.s32 @!p0 $0xFFFFF086;
	s6 =	sadd.s32 @!p0 s3, s7;
	s7 =	simm.s32 @!p0 $0x108  }
0x21: {  	s3 =	sadd.s32 s3, s9;
	s6 =	sadd.s32 @!p0 $0x88, s6;
	s7 =	simm.s32 @p2 $0x1082  }
0x22: {  	[simem:s7], [sflag:s8] =	dma.local @!p0 [hbm:s6], $0xF7A  }
0x23: {  	s9 =	sor.u32 $0xD0000000, s2;
	s6 =	simm.s32 $0x108;
	_ =	swait.ge @!p0 [sflag:s8], $0x0  }
0x24: {  	s3 =	sadd.s32 $0x88, s3;
	s6 =	simm.s32 @!p1 $0x1082;
	[sflag:s4] =	ssyncset.s32 $0xFFFFF086  }
0x25: {  	[simem:s6], [sflag:s4] =	dma.local [hbm:s3], $0xF7A  }
0x26: {  	[smem:$0x3F97] =	sst s1;
	(tag) =	ssettag s2;
	_ =	strace s9  }
0x27: {  	s1 =	sld [smem:$0x3FA7]  }
0x28: {  	s2 =	sld [smem:$0x3FA8]  }
0x29: {  	s4 =	sld [smem:$0x3FAA]  }
0x2a: {  	p0 =	seq.s32 s5, $0x0;
	s5 =	sld [smem:$0x3FAB]  }
0x2b: {  	s6 =	sld [smem:$0x3FAC]  }
0x2c: {  	s7 =	sld [smem:$0x3FAD]  }
0x2d: {  	s3 =	simm.s32 $0x108;
	s8 =	sld [smem:$0x3FAE]  }
0x2e: {  	s3 =	simm.s32 @!p0 $0x1082;
	s9 =	sld [smem:$0x3FAF]  }
0x2f: {  	lr =	sadd.s32 s0, s3;
	s0 =	sld [smem:$0x3FA6]  }
0x30: {  	s3 =	sld [smem:$0x3FA9]  }
0x31: {  	[smem:$0x3FB2] =	sst s10  }
0x32: {  	s10 =	sld [smem:$0x3FB0];
	_ =	sdelay $0x3  }
0x33: {  	p0 =	seq.s32 s10, $0x1;
	s10 =	sld [smem:$0x3FB2];
	_ =	sdelay $0x3  }
0x34: {  	[smem:$0x3FB2] =	sst s10  }
0x35: {  	s10 =	sld [smem:$0x3FB1];
	_ =	sdelay $0x3  }
0x36: {  	p1 =	seq.s32 s10, $0x1;
	s10 =	sld [smem:$0x3FB2];
	_ =	sdelay $0x3  }
0x37: {  	[smem:$0x3FB2] =	sst s10  }
0x38: {  	s10 =	sld [smem:$0x3FB3]  }
0x39: {  	_ = 	snop;
	(pc) =	sbr.ind lr, $3  }
0x3a: {  	_ = 	snop  }
0x3b: {  	_ = 	snop  }
0x3c: {  	p2 =	seq.s32 s10, $0x1;
	s10 =	sld [smem:$0x3FB2]  }
0x3d: {  	_ =	shalt  }
0x3e: {  	_ =	shalt  }
0x3f: {  	_ =	shalt  }
0x40: {  	_ =	shalt  }
0x41: {  	_ =	shalt  }
0x42: {  	_ =	shalt  }
0x43: {  	_ =	shalt  }
0x44: {  	_ =	shalt  }
0x45: {  	_ =	shalt  }
0x46: {  	_ =	shalt  }
0x47: {  	_ =	shalt  }
0x48: {  	_ =	shalt  }
0x49: {  	_ =	shalt  }
0x4a: {  	_ =	shalt  }
0x4b: {  	_ =	shalt  }
0x4c: {  	_ =	shalt  }
0x4d: {  	_ =	shalt  }
0x4e: {  	_ =	shalt  }
0x4f: {  	_ =	shalt  }
0x50: {  	_ =	shalt  }
0x51: {  	_ =	shalt  }
0x52: {  	_ =	shalt  }
0x53: {  	_ =	shalt  }
0x54: {  	_ =	shalt  }
0x55: {  	_ =	shalt  }
0x56: {  	_ =	shalt  }
0x57: {  	_ =	shalt  }
0x58: {  	_ =	shalt  }
0x59: {  	_ =	shalt  }
0x5a: {  	_ =	shalt  }
0x5b: {  	_ =	shalt  }
0x5c: {  	_ =	shalt  }
0x5d: {  	_ =	shalt  }
0x5e: {  	_ =	shalt  }
0x5f: {  	_ =	shalt  }
0x60: {  	_ =	shalt  }
0x61: {  	_ =	shalt  }
0x62: {  	_ =	shalt  }
0x63: {  	_ =	shalt  }
0x64: {  	_ =	shalt  }
0x65: {  	_ =	shalt  }
0x66: {  	_ =	shalt  }
0x67: {  	_ =	shalt  }
0x68: {  	_ =	shalt  }
0x69: {  	_ =	shalt  }
0x6a: {  	_ =	shalt  }
0x6b: {  	_ =	shalt  }
0x6c: {  	_ =	shalt  }
0x6d: {  	_ =	shalt  }
0x6e: {  	_ =	shalt  }
0x6f: {  	_ =	shalt  }
0x70: {  	_ =	shalt  }
0x71: {  	_ =	shalt  }
0x72: {  	_ =	shalt  }
0x73: {  	_ =	shalt  }
0x74: {  	_ =	shalt  }
0x75: {  	_ =	shalt  }
0x76: {  	_ =	shalt  }
0x77: {  	_ =	shalt  }
0x78: {  	_ =	shalt  }
0x79: {  	_ =	shalt  }
0x7a: {  	_ =	shalt  }
0x7b: {  	_ =	shalt  }
0x7c: {  	_ =	shalt  }
0x7d: {  	_ =	shalt  }
0x7e: {  	_ =	shalt  }
0x7f: {  	_ =	shalt  }
0x80: {  	_ =	shalt  }
0x81: {  	_ =	shalt  }
0x82: {  	_ =	shalt  }
0x83: {  	_ =	shalt  }
0x84: {  	_ =	shalt  }
0x85: {  	_ =	shalt  }
0x86: {  	_ =	shalt  }
0x87: {  	_ =	shalt  }
.Lfunc_end0:
.L_simem_size_0:
called_computation.1_lowered:
.L_overlay_start_0:
0x88: {  	s2 =	sld [smem:$0x3FD9]  }
0x89: {  	s3 =	sld [smem:$0x3FFE];
	_ =	sdelay $0x1  }
0x8a: {  	s1 =	srdreg.scid  }
0x8b: {  	s0 =	sand.u32 $0x1, s1  }
0x8c: {  	s16 =	sshll.u32 s0, $0xA;
	s2 =	sadd.s32 s3, s2  }
0x8d: {  	s2 =	sadd.s32 s2, s16  }
0x8e: {  	[smem:$0x3FBE] =	sst s2  }
0x8f: {  	_ = 	snop  }
0x90: {  	(tm) =	ssettm $0x1  }
0x91: {  	s17 =	sld [smem:$0x3FFB];
	_ =	sdelay $0x3  }
0x92: {  	_ =	strace s17  }
0x93: {  	s2 =	sld [smem:$0x3FFC];
	_ =	sdelay $0x3  }
0x94: {  	_ =	strace s2  }
0x95: {  	s2 =	sld [smem:$0x3FFD];
	_ =	sdelay $0x3  }
0x96: {  	_ =	strace s2  }
0x97: {  	_ =	strace $0x8FFFFFFF  }
0x98: {  	s18 =	sld [smem:$0x3FDB];
	_ =	sdelay $0x1  }
0x99: {  	s19 =	simm.s32 $_scs_section_size  }
0x9a: {  	s4 =	simm.s32 $_size__tile_overlayer_lowered;
	s5 =	simm.s32 $_tile_overlayer_lowered  }
0x9b: {  	s22 =	simm.s32 $0x1BFF;
	s21 =	sshll.u32 s5, $0x1;
	s2 =	sadd.s32 s19, s18  }
0x9c: {  	s6 =	simm.s32 $0x0;
	s20 =	sshll.u32 s4, $0x1;
	s4 =	sadd.s32 s21, s2  }
0x9d: {  	[timem:s6], [sflag:s22] =	dma.local [hbm:s4], s20  }
0x9e: {  	_ =	swait.ge [sflag:s22], s20  }
0x9f: {  	s3 =	ssub.s32 $0x0, s20;
	[sflag:s22] =	ssyncset.done $0x0  }
0xa0: {  	[sflag:s22] =	ssyncadd.s32 s3;
	_ =	sdelay $0x1  }
0xa1: {  	s23 =	simm.s32 $0x1B8B  }
0xa2: {  	_ =	swait.ge [sflag:s23], $0x1  }
0xa3: {  	[sflag:s23] =	ssyncset.done $0x0  }
0xa4: {  	s25 =	simm.s32 $0x1B8E;
	s24 =	sld [smem:$0x3FFE];
	[sflag:s23] =	ssyncadd.s32 $0xFFFFFFFF  }
0xa5: {  	s26 =	simm.s32 $execute0_lowered;
	[smem:$0x3FD2] =	sst s25  }
0xa6: {  	s4 =	sshll.u32 s26, $0x1;
	_ =	strace $0x80000049;
	[dreg:$0x1] =	wrdreg $0xFFFFFFFF  }
0xa7: {  	s28 =	simm.s32 $_size_execute0_lowered;
	s2 =	sadd.s32 s2, s4;
	[dreg:$0x0] =	wrdreg $0x0  }
0xa8: {  	s4 =	sshll.u32 s28, $0x1;
	[dreg:$0x2] =	wrdreg s2  }
0xa9: {  	[dreg:$0x3] =	wrdreg s4  }
0xaa: {  	[dreg:$0x4] =	wrdreg $0xC0  }
0xab: {  	_ =	task [dreg:s6], $0x5FFFF  }
0xac: {  	[dreg:$0x1] =	wrdreg $0xFFFFFFFF  }
0xad: {  	[dreg:$0x0] =	wrdreg $0x60  }
0xae: {  	[dreg:$0x2] =	wrdreg s24  }
0xaf: {  	[dreg:$0x3] =	wrdreg $0x25000  }
0xb0: {  	[dreg:$0x4] =	wrdreg $0x9  }
0xb1: {  	_ =	task.clear_ibuf [dreg:s6], $0x5FFFF;
	_ =	strace $0x90000049  }
0xb2: {  	s29 =	simm.s32 $0x9;
	_ =	strace $0x8000004B  }
0xb3: {  	_ =	swait.ge [sflag:s29], $0x1  }
0xb4: {  	[sflag:s29] =	ssyncadd.s32 $0xFFFFFFFF  }
0xb5: {  	_ =	strace $0x9000004B  }
0xb6: {  	_ =	sfence  }
0xb7: {  	s30 =	sld [smem:$0x0];
	_ =	sdelay $0x2  }
0xb8: {  	s31 =	sshll.u32 s1, $0xD;
	s1 =	sshrl.u32 s1, $0x2  }
0xb9: {  	s3 =	sand.u32 $0x4000, s31;
	s1 =	sadd.s32 s1, s30  }
0xba: {  	s0 =	sor.u32 s3, s0;
	s1 =	sshll.u32 s1, $0x11  }
0xbb: {  	s0 =	sor.u32 s1, s0  }
0xbc: {  	s0 =	sadd.s32 $0x8F2B, s0  }
0xbd: {  	[sflag:s0] =	ssyncadd.remote.s32 $0x1  }
0xbe: {  	_ =	sfence.sel $0xFFFF  }
0xbf: {  	[dreg:$0x0] =	wrdreg $0xFFFFFFFF;
	(pc) =	sbr.abs _section_cstart, $3  }
0xc0: {  	[dreg:$0x1] =	wrdreg $0xFFFFFFFF  }
0xc1: {  	_ =	task.clear_ibuf [dreg:s6], $0x2FFFF;
	_ =	strace $0x9FFFFFFF  }
0xc2: {  	(tm) =	ssettm $0x7FFFFFFF  }
0xc3: {  	_ =	shalt  }
tec
execute0_lowered:
.L_overlay_start_1:
0x0: {  	(tag) =	ssettag $0x1  }
0x1: {  	s0 =	rddreg [dreg:$0x0]  }
0x2: {  	s2 =	rddreg [dreg:$0x1];
	s3 =	simm.s32 $0x0  }
0x3: {  	s1 =	stileid.u32;
	s6 =	srdreg.scid;
	s28 =	simm.s32 $0x80  }
0x4: {  	s29 =	simm.s32 $0x0;
	[smem:$0x7FF] =	sst s3;
	s4 =	smul.u32 $0x480, s1  }
0x5: {  	s5 =	smul.u32 $0x48, s1;
	s7 =	sshll.u32 s1, $0x4;
	s6 =	sand.u32 $0x1, s6  }
0x6: {  	s8 =	smul.u32 $0x9000, s1;
	s20 =	sadd.s32 $0x3A00, s0;
	s30 =	sor.u32 $0xC0, s1  }
0x7: {  	_ =	strace $0x8000004A;
	s19 =	sadd.s32 s7, s0;
	[dreg:$0x3] =	wrdreg s20  }
0x8: {  	s21 =	ssub.s32 $0x2, s6;
	s26 =	smul.u32 $0x61A8, s6;
	p0 =	seq.s32 s6, $0x1  }
0x9: {  	s16 =	smul.u32 $0x9000, s30;
	p1 =	sgt.u32 s30, $0xC3;
	s4 =	sadd.s32 s4, s0  }
0xa: {  	s0 =	sadd.s32 s5, s0;
	s22 =	sshrl.u32 s21, $0x1;
	s8 =	sshrl.u32 s8, $0x2  }
0xb: {  	s19 =	sadd.s32 $0xDAA00, s19;
	s7 =	ssub.s32 s21, s22;
	s5 =	sadd.s32 s8, s2  }
0xc: {  	s18 =	sshrl.u32 s16, $0x2;
	s21 =	smul.u32 $0x900, s1;
	s20 =	sadd.s32 $0xD43600, s4  }
0xd: {  	v0 =	vmov s26;
	s26 =	simm.s32 $0x2;
	s23 =	smax.u32 s7, $0x1;
	s24 =	sadd.s32 $0x24000, s5  }
0xe: {  	s25 =	sadd.s32 $0x48000, s5;
	s9 =	sadd.s32 $0x6C000, s5;
	s10 =	sadd.s32 $0x90000, s5  }
0xf: {  	s11 =	sadd.s32 $0xB4000, s5;
	s12 =	sadd.s32 $0xD8000, s5;
	s13 =	sadd.s32 $0xFC000, s5  }
.Ltmp0:
0x10: {  	s14 =	sadd.s32 $0x120000, s5;
	[dreg:$0x4] =	wrdreg s23;
	(pc) =	sbr.rel .LBB2_1-.Ltmp0, $4  }
0x11: {  	s15 =	sadd.s32 $0x144000, s5;
	s16 =	sadd.s32 $0x168000, s5;
	[dreg:$0x5] =	wrdreg s24  }
0x12: {  	s17 =	sadd.s32 $0x18C000, s5;
	s18 =	sadd.s32 s18, s2;
	[dreg:$0x6] =	wrdreg s25  }
0x13: {  	s31 =	sshrl.u32 s21, $0x2;
	s21 =	sadd.s32 $0x4000, s0;
	s23 =	sadd.s32 $0x3AEE8, s0  }
0x14: {  	s24 =	simm.s32 $0x100;
	s25 =	simm.s32 $0x1;
	s22 =	sadd.s32 s31, s2  }
.LBB2_6:
0x15: {  	p3 =	sgt.u32 s6, $0xC34  }
0x16: {  	[sflag:s4] =	ssyncadd.s32 @!p2 $0xFFFFFFB8;
	s0 =	sshll.u32 @!p3 s1, $0x6  }
0x17: {  	s4 =	sshrl.u32 @!p3 s30, $0x3;
	s6 =	simm.s32 @!p3 $0x1;
	s0 =	sor.u32 @!p3 $0x1C01, s0  }
0x18: {  	[hbm:s31], [sflag:s0] =	dma.local @!p3 [spmem:s4], $0x48  }
0x19: {  	_ =	swait.ge @!p3 [sflag:s6], $0x48  }
0x1a: {  	[sflag:s6] =	ssyncset.done @!p3 $0x0  }
0x1b: {  	[sflag:s6] =	ssyncadd.s32 @!p3 $0xFFFFFFB8  }
.LBB2_10:
0x1c: {  	s29 =	sadd.s32 $0x1, s29;
	s0 =	rddreg [dreg:$0x4]  }
0x1d: {  	p2 =	sne.s32 s29, s0  }
.Ltmp1:
0x1e: {  	_ = 	snop;
	(pc) =	sbr.rel @!p2 .LBB2_11-.Ltmp1, $2  }
0x1f: {  	_ =	sdelay $0x1  }
0x20: {  	[bflag:$0x0] =	sbarrier.arrive $0xFFFF;
	_ =	sdelay $0x1  }
.LBB2_1:
0x21: {  	s0 =	rddreg [dreg:$0x3]  }
0x22: {  	[tilespmem:s24], [sflag:$0x1] =	stream.linear.gather [hbm4b:s0+s3], $0x2400, $0x38;
	[tilespmem:$0x1DE00] =	vst v63  }
0x23: {  	_ =	swait.ge [sflag:s25], $0x2400  }
0x24: {  	[sflag:s25] =	ssyncset.done $0x0  }
0x25: {  	[sflag:s25] =	ssyncadd.s32 $0xFFFFDC00  }
0x26: {  	[spmem:s5] =	stream.linear.scatter [tilespmem:s24], [sflag:$0x1], $0x2400, $0x38;
	[tilespmem:$0x1DE00] =	vst v63  }
0x27: {  	_ =	swait.ge [sflag:s25], $0x2400  }
0x28: {  	[sflag:s25] =	ssyncset.done $0x0  }
0x29: {  	s6 =	rddreg [dreg:$0x5];
	[sflag:s25] =	ssyncadd.s32 $0xFFFFDC00  }
0x2a: {  	[spmem:s6] =	stream.linear.scatter [tilespmem:s24], [sflag:$0x1], $0x2400, $0x38;
	[tilespmem:$0x1DE00] =	vst v63  }
0x2b: {  	_ =	swait.ge [sflag:s25], $0x2400  }
0x2c: {  	[sflag:s25] =	ssyncset.done $0x0  }
0x2d: {  	s7 =	rddreg [dreg:$0x6];
	[sflag:s25] =	ssyncadd.s32 $0xFFFFDC00  }
0x2e: {  	[spmem:s7] =	stream.linear.scatter [tilespmem:s24], [sflag:$0x1], $0x2400, $0x38;
	[tilespmem:$0x1DE00] =	vst v63  }
0x2f: {  	_ =	swait.ge [sflag:s25], $0x2400  }
0x30: {  	[sflag:s25] =	ssyncset.done $0x0  }
0x31: {  	[sflag:s25] =	ssyncadd.s32 $0xFFFFDC00  }
0x32: {  	[spmem:s9] =	stream.linear.scatter [tilespmem:s24], [sflag:$0x1], $0x2400, $0x38;
	[tilespmem:$0x1DE00] =	vst v63  }
0x33: {  	_ =	swait.ge [sflag:s25], $0x2400  }
0x34: {  	[sflag:s25] =	ssyncset.done $0x0  }
0x35: {  	[sflag:s25] =	ssyncadd.s32 $0xFFFFDC00  }
0x36: {  	[spmem:s10] =	stream.linear.scatter [tilespmem:s24], [sflag:$0x1], $0x2400, $0x38;
	[tilespmem:$0x1DE00] =	vst v63  }
0x37: {  	_ =	swait.ge [sflag:s25], $0x2400  }
0x38: {  	[sflag:s25] =	ssyncset.done $0x0  }
0x39: {  	[sflag:s25] =	ssyncadd.s32 $0xFFFFDC00  }
0x3a: {  	[spmem:s11] =	stream.linear.scatter [tilespmem:s24], [sflag:$0x1], $0x2400, $0x38;
	[tilespmem:$0x1DE00] =	vst v63  }
0x3b: {  	_ =	swait.ge [sflag:s25], $0x2400  }
0x3c: {  	[sflag:s25] =	ssyncset.done $0x0  }
0x3d: {  	[sflag:s25] =	ssyncadd.s32 $0xFFFFDC00  }
0x3e: {  	[spmem:s12] =	stream.linear.scatter [tilespmem:s24], [sflag:$0x1], $0x2400, $0x38;
	[tilespmem:$0x1DE00] =	vst v63  }
0x3f: {  	_ =	swait.ge [sflag:s25], $0x2400  }
0x40: {  	[sflag:s25] =	ssyncset.done $0x0  }
0x41: {  	[sflag:s25] =	ssyncadd.s32 $0xFFFFDC00  }
0x42: {  	[spmem:s13] =	stream.linear.scatter [tilespmem:s24], [sflag:$0x1], $0x2400, $0x38;
	[tilespmem:$0x1DE00] =	vst v63  }
0x43: {  	_ =	swait.ge [sflag:s25], $0x2400  }
0x44: {  	[sflag:s25] =	ssyncset.done $0x0  }
0x45: {  	[sflag:s25] =	ssyncadd.s32 $0xFFFFDC00  }
0x46: {  	[spmem:s14] =	stream.linear.scatter [tilespmem:s24], [sflag:$0x1], $0x2400, $0x38;
	[tilespmem:$0x1DE00] =	vst v63  }
0x47: {  	_ =	swait.ge [sflag:s25], $0x2400  }
0x48: {  	[sflag:s25] =	ssyncset.done $0x0  }
0x49: {  	[sflag:s25] =	ssyncadd.s32 $0xFFFFDC00  }
0x4a: {  	[spmem:s15] =	stream.linear.scatter [tilespmem:s24], [sflag:$0x1], $0x2400, $0x38;
	[tilespmem:$0x1DE00] =	vst v63  }
0x4b: {  	_ =	swait.ge [sflag:s25], $0x2400  }
0x4c: {  	[sflag:s25] =	ssyncset.done $0x0  }
0x4d: {  	[sflag:s25] =	ssyncadd.s32 $0xFFFFDC00  }
0x4e: {  	[spmem:s16] =	stream.linear.scatter [tilespmem:s24], [sflag:$0x1], $0x2400, $0x38;
	[tilespmem:$0x1DE00] =	vst v63  }
0x4f: {  	_ =	swait.ge [sflag:s25], $0x2400  }
0x50: {  	[sflag:s25] =	ssyncset.done $0x0  }
0x51: {  	[sflag:s25] =	ssyncadd.s32 $0xFFFFDC00  }
0x52: {  	[spmem:s17] =	stream.linear.scatter [tilespmem:s24], [sflag:$0x1], $0x2400, $0x38;
	[tilespmem:$0x1DE00] =	vst v63  }
0x53: {  	_ =	swait.ge [sflag:s25], $0x2400  }
0x54: {  	[sflag:s25] =	ssyncset.done $0x0  }
0x55: {  	s0 =	simm.s32 @!p1 $0x100;
	[sflag:s25] =	ssyncadd.s32 $0xFFFFDC00  }
0x56: {  	[spmem:s18] =	stream.linear.scatter @!p1 [tilespmem:s0], [sflag:$0x1], $0x2400, $0x38;
	[tilespmem:$0x1DE00] =	vst v63  }
0x57: {  	s0 =	simm.s32 @!p1 $0x1  }
0x58: {  	_ =	swait.ge @!p1 [sflag:s0], $0x2400  }
0x59: {  	[sflag:s0] =	ssyncset.done @!p1 $0x0  }
0x5a: {  	[sflag:s0] =	ssyncadd.s32 @!p1 $0xFFFFDC00  }
0x5b: {  	s8 =	sadd.s32 $0x0, s19;
	[bflag:$0x0] =	sbarrier.arrive $0xFFFF  }
0x5c: {  	[tilespmem:s3], [sflag:$0x2] =	stream.linear.gather [hbm4b:s8+s3], $0x80, $0x38;
	[tilespmem:$0x1DE00] =	vst v63  }
0x5d: {  	_ =	swait.ge [sflag:s26], $0x80  }
0x5e: {  	[sflag:s26] =	ssyncset.done $0x0  }
0x5f: {  	[sflag:s26] =	ssyncadd.s32 $0xFFFFFF80  }
0x60: {  	[tilespmem:s24], [sflag:$0x2] =	stream.linear.gather [hbm4b:s20+s3], $0x2400, $0x38;
	[tilespmem:$0x1DE00] =	vst v63  }
0x61: {  	_ =	swait.ge [sflag:s26], $0x2400  }
0x62: {  	[sflag:s26] =	ssyncset.done $0x0  }
0x63: {  	[sflag:s26] =	ssyncadd.s32 $0xFFFFDC00  }
0x64: {  	v1 =	vld [tilespmem:$0x50]  }
0x65: {  	v3 =	vld [tilespmem:$0x60]  }
0x66: {  	s30 =	simm.s32 $0x100;
	s31 =	smov.u32 s20;
	v2 =	vld [tilespmem:$0x70]  }
.LBB2_2:
0x67: {  	p2 =	sne.s32 s30, $0x18900  }
0x68: {  	v4 =	vld [tilespmem:$0x30];
	s31 =	sadd.s32 $0x4800, s31;
	s0 =	smov.u32 s30;
	s30 =	sadd.s32 $0x100, s30  }
0x69: {  	v5 =	vld [tilespmem:$0x10]  }
0x6a: {  	v6 =	vld [tilespmem:$0x20]  }
0x6b: {  	v7 =	vld [tilespmem:$0x0];
	v3 =	vsub.s32 v3, v0  }
0x6c: {  	v1 =	vsub.s32 v1, v0;
	v8 =	vld [tilespmem:$0x40];
	v3 =	vmin.u32 v3, $0x61A8;
	v2 =	vsub.s32 v2, v0  }
0x6d: {  	v1 =	vmin.u32 v1, $0x61A8;
	v4 =	vsub.s32 v4, v0;
	[tilespmem:$0xE0] =	vst v3;
	v2 =	vmin.u32 v2, $0x61A8  }
0x6e: {  	v3 =	vsub.s32 v5, v0;
	v4 =	vmin.u32 v4, $0x61A8;
	[tilespmem:$0xF0] =	vst v2  }
0x6f: {  	v2 =	vmin.u32 v3, $0x61A8;
	v3 =	vsub.s32 v6, v0;
	[tilespmem:$0xD0] =	vst v1  }
0x70: {  	v1 =	vsub.s32 v7, v0;
	v3 =	vmin.u32 v3, $0x61A8;
	[tilespmem:$0xB0] =	vst v4  }
0x71: {  	v1 =	vmin.u32 v1, $0x61A8;
	[tilespmem:$0x90] =	vst v2;
	v2 =	vsub.s32 v8, v0  }
0x72: {  	[tilespmem:$0xA0] =	vst v3;
	v2 =	vmin.u32 v2, $0x61A8  }
0x73: {  	[tilespmem:$0xC0] =	vst v2  }
0x74: {  	[tilespmem:$0x80] =	vst v1  }
0x75: {  	[spmem:s2] =	stream.indirect.scatter.add.f32 [tilespmem:s24], [sflag:$0x1], $0x48, s28, s28, $0xb8;
	[tilespmem:$0x1DE00] =	vst v63  }
0x76: {  	_ =	swait.ge [sflag:s25], $0x2400  }
0x77: {  	[sflag:s25] =	ssyncset.done $0x0  }
0x78: {  	s0 =	sadd.s32 s0, s19;
	[sflag:s25] =	ssyncadd.s32 $0xFFFFDC00  }
0x79: {  	[tilespmem:s3], [sflag:$0x2] =	stream.linear.gather [hbm4b:s0+s3], $0x80, $0x38;
	[tilespmem:$0x1DE00] =	vst v63  }
0x7a: {  	_ =	swait.ge [sflag:s26], $0x80  }
0x7b: {  	[sflag:s26] =	ssyncset.done $0x0  }
0x7c: {  	[sflag:s26] =	ssyncadd.s32 $0xFFFFFF80  }
0x7d: {  	[tilespmem:s24], [sflag:$0x2] =	stream.linear.gather [hbm4b:s31+s3], $0x2400, $0x38;
	[tilespmem:$0x1DE00] =	vst v63  }
0x7e: {  	_ =	swait.ge [sflag:s26], $0x2400  }
.Ltmp2:
0x7f: {  	[sflag:s26] =	ssyncset.done $0x0;
	(pc) =	sbr.rel @p2 .LBB2_2-.Ltmp2, $4  }
0x80: {  	[sflag:s26] =	ssyncadd.s32 $0xFFFFDC00  }
0x81: {  	v1 =	vld [tilespmem:$0x50]  }
0x82: {  	v3 =	vld [tilespmem:$0x60]  }
0x83: {  	v2 =	vld [tilespmem:$0x70]  }
0x84: {  	v4 =	vld [tilespmem:$0x30]  }
0x85: {  	v5 =	vld [tilespmem:$0x10]  }
0x86: {  	v6 =	vld [tilespmem:$0x20];
	v1 =	vsub.s32 v1, v0  }
0x87: {  	v7 =	vld [tilespmem:$0x40];
	v3 =	vsub.s32 v3, v0;
	v1 =	vmin.u32 v1, $0x61A8  }
0x88: {  	v8 =	vld [tilespmem:$0x0];
	v3 =	vmin.u32 v3, $0x61A8;
	v2 =	vsub.s32 v2, v0;
	[tilespmem:$0xD0] =	vst v1  }
0x89: {  	[tilespmem:$0xE0] =	vst v3;
	v2 =	vmin.u32 v2, $0x61A8;
	v3 =	vsub.s32 v4, v0  }
0x8a: {  	[tilespmem:$0xF0] =	vst v2;
	v2 =	vsub.s32 v5, v0;
	v3 =	vmin.u32 v3, $0x61A8  }
0x8b: {  	v1 =	vmin.u32 v2, $0x61A8;
	v2 =	vsub.s32 v6, v0;
	[tilespmem:$0xB0] =	vst v3  }
0x8c: {  	v2 =	vmin.u32 v2, $0x61A8;
	[tilespmem:$0x90] =	vst v1;
	v1 =	vsub.s32 v7, v0  }
0x8d: {  	v3 =	vsub.s32 v8, v0;
	[tilespmem:$0xA0] =	vst v2;
	v1 =	vmin.u32 v1, $0x61A8  }
0x8e: {  	v2 =	vmin.u32 v3, $0x61A8;
	[tilespmem:$0xC0] =	vst v1  }
0x8f: {  	[tilespmem:$0x80] =	vst v2  }
0x90: {  	[spmem:s2] =	stream.indirect.scatter.add.f32 [tilespmem:s24], [sflag:$0x1], $0x48, s28, s28, $0xb8;
	[tilespmem:$0x1DE00] =	vst v63  }
.Ltmp3:
0x91: {  	_ =	swait.ge [sflag:s25], $0x2400;
	(pc) =	sbr.rel @!p0 .LBB2_4-.Ltmp3, $4  }
0x92: {  	[sflag:s25] =	ssyncset.done $0x0  }
0x93: {  	[sflag:s25] =	ssyncadd.s32 $0xFFFFDC00  }
0x94: {  	s0 =	sadd.s32 $0x0, s1;
	[bflag:$0x0] =	sbarrier.arrive $0xFFFF  }
0x95: {  	p2 =	sgt.u32 s0, $0xC34  }
0x96: {  	s0 =	sshll.u32 @!p2 s1, $0x6  }
0x97: {  	s6 =	sshrl.u32 @!p2 s22, $0x3;
	s4 =	simm.s32 @!p2 $0x1;
	s0 =	sor.u32 @!p2 $0x1C01, s0  }
0x98: {  	[hbm:s23], [sflag:s0] =	dma.local @!p2 [spmem:s6], $0x48  }
0x99: {  	s30 =	sadd.s32 $0x2400, s22;
	s31 =	sadd.s32 $0x480, s23;
	_ =	swait.ge @!p2 [sflag:s4], $0x48  }
0x9a: {  	s0 =	simm.s32 $0x20;
	s6 =	sadd.s32 $0x10, s1;
	[sflag:s4] =	ssyncset.done @!p2 $0x0  }
.LBB2_8:
0x9b: {  	[sflag:s4] =	ssyncadd.s32 @!p2 $0xFFFFFFB8  }
0x9c: {  	p2 =	sgt.u32 s6, $0xC34;
	s6 =	smov.u32 s0;
	s0 =	sadd.s32 $0x10, s0  }
0x9d: {  	p3 =	sne.s32 s0, $0xC40  }
.Ltmp4:
0x9e: {  	s4 =	sshll.u32 @!p2 s1, $0x6;
	s7 =	sshrl.u32 @!p2 s30, $0x3;
	(pc) =	sbr.rel @p3 .LBB2_8-.Ltmp4, $4  }
0x9f: {  	s8 =	sor.u32 @!p2 $0x1C01, s4;
	s4 =	simm.s32 @!p2 $0x1  }
0xa0: {  	[hbm:s31], [sflag:s8] =	dma.local @!p2 [spmem:s7], $0x48  }
0xa1: {  	s30 =	sadd.s32 $0x2400, s30;
	_ =	swait.ge @!p2 [sflag:s4], $0x48  }
0xa2: {  	s6 =	sadd.s32 s6, s1;
	s31 =	sadd.s32 $0x480, s31;
	[sflag:s4] =	ssyncset.done @!p2 $0x0  }
0xa3: {  	p3 =	sgt.u32 s6, $0xC34  }
0xa4: {  	[sflag:s4] =	ssyncadd.s32 @!p2 $0xFFFFFFB8;
	s0 =	sshll.u32 @!p3 s1, $0x6;
	s4 =	sshrl.u32 @!p3 s30, $0x3  }
.Ltmp5:
0xa5: {  	s6 =	simm.s32 @!p3 $0x1;
	s0 =	sor.u32 @!p3 $0x1C01, s0;
	(pc) =	sbr.rel .LBB2_10-.Ltmp5, $4  }
0xa6: {  	[hbm:s31], [sflag:s0] =	dma.local @!p3 [spmem:s4], $0x48  }
0xa7: {  	_ =	swait.ge @!p3 [sflag:s6], $0x48  }
0xa8: {  	[sflag:s6] =	ssyncset.done @!p3 $0x0  }
0xa9: {  	[sflag:s6] =	ssyncadd.s32 @!p3 $0xFFFFFFB8  }
.LBB2_4:
0xaa: {  	s0 =	sshll.u32 @!p2 s1, $0x6  }
0xab: {  	s6 =	sshrl.u32 @!p2 s22, $0x3;
	s4 =	simm.s32 @!p2 $0x1;
	s0 =	sor.u32 @!p2 $0x1C01, s0  }
0xac: {  	[hbm:s21], [sflag:s0] =	dma.local @!p2 [spmem:s6], $0x48  }
0xad: {  	s30 =	sadd.s32 $0x2400, s22;
	s31 =	sadd.s32 $0x480, s21;
	_ =	swait.ge @!p2 [sflag:s4], $0x48  }
0xae: {  	s0 =	simm.s32 $0x20;
	s6 =	sadd.s32 $0x10, s1;
	[sflag:s4] =	ssyncset.done @!p2 $0x0  }
.LBB2_5:
0xaf: {  	[sflag:s4] =	ssyncadd.s32 @!p2 $0xFFFFFFB8  }
0xb0: {  	p2 =	sgt.u32 s6, $0xC34;
	s6 =	smov.u32 s0;
	s0 =	sadd.s32 $0x10, s0  }
0xb1: {  	p3 =	seq.s32 s0, $0xC40  }
.Ltmp6:
0xb2: {  	s4 =	sshll.u32 @!p2 s1, $0x6;
	s7 =	sshrl.u32 @!p2 s30, $0x3;
	(pc) =	sbr.rel @!p3 .LBB2_5-.Ltmp6, $4  }
0xb3: {  	s8 =	sor.u32 @!p2 $0x1C01, s4;
	s4 =	simm.s32 @!p2 $0x1  }
0xb4: {  	[hbm:s31], [sflag:s8] =	dma.local @!p2 [spmem:s7], $0x48  }
0xb5: {  	s30 =	sadd.s32 $0x2400, s30;
	_ =	swait.ge @!p2 [sflag:s4], $0x48  }
0xb6: {  	s6 =	sadd.s32 s6, s1;
	s31 =	sadd.s32 $0x480, s31;
	[sflag:s4] =	ssyncset.done @!p2 $0x0  }
.Ltmp7:
0xb7: {  	_ = 	snop;
	(pc) =	sbr.rel .LBB2_6-.Ltmp7, $1  }
0xb8: {  	_ =	sdelay $0x3  }
.LBB2_11:
0xb9: {  	_ =	sfence.sel $0x180000  }
0xba: {  	[bflag:$0x0] =	sbarrier.arrive $0xFFFF  }
0xbb: {  	_ =	strace $0x9000004A  }
0xbc: {  	[bflag:$0x2] =	sbarrier.arrive $0xFFFF  }
0xbd: {  	p0 =	sne.s32 s1, $0x0;
	s0 =	rddreg [dreg:$0x2]  }
0xbe: {  	s0 =	sadd.s32 @!p0 $0x100000, s0  }
0xbf: {  	[sflag:s0] =	ssyncadd.tile.s32 @!p0 $0x1;
	_ =	shalt  }
.Lfunc_end2:
_tile_overlayer_lowered:
.L_overlay_start_2:
0xc0: {  	(tag) =	ssettag $0x2  }
0xc1: {  	s0 =	rddreg [dreg:$0x0];
	s2 =	stileid.u32  }
0xc2: {  	s1 =	rddreg [dreg:$0x1];
	p0 =	sne.s32 s2, $0x0  }
0xc3: {  	s3 =	rddreg [dreg:$0x2];
	[bflag:$0x3] =	sbarrier.arrive $0xFFFF;
	s2 =	simm.s32 @!p0 $0x1C01  }
0xc4: {  	[timem:s3], [sflag:s2] =	dma.local @!p0 [hbm:s0], s1  }
0xc5: {  	s0 =	simm.s32 @!p0 $0x1  }
0xc6: {  	_ =	swait.ge @!p0 [sflag:s0], s1  }
0xc7: {  	s1 =	ssub.s32 @!p0 $0x0, s1;
	[sflag:s0] =	ssyncset.done @!p0 $0x0  }
0xc8: {  	[sflag:s0] =	ssyncadd.s32 @!p0 s1  }
0xc9: {  	[bflag:$0x3] =	sbarrier.arrive $0xFFFF  }
0xca: {  	_ =	shalt  }

// kernel: kernel.17.cloned.1.call-start
scs
__scs_entry_jumppad:
0x0: {  	(pc) =	sbr.rel $0x88, $3  }
0x1: {  	(tag) =	ssettag $0x0;
	lr =	simm.s32 $0x1  }
0x2: {  	[smem:$0x3F97] =	sst lr;
	_ =	strace $0xD0000000  }
0x3: {  	_ = 	snop  }
0x4: {  	_ = 	snop  }
0x5: {  	_ = 	snop  }
0x6: {  	_ = 	snop  }
0x7: {  	_ = 	snop  }
__scs_overlays_trampoline_lowered:
0x8: {  	[smem:$0x3FA6] =	sst s0  }
0x9: {  	[smem:$0x3FA7] =	sst s1  }
0xa: {  	[smem:$0x3FA8] =	sst s2  }
0xb: {  	[smem:$0x3FA9] =	sst s3  }
0xc: {  	[smem:$0x3FAA] =	sst s4  }
0xd: {  	[smem:$0x3FAB] =	sst s5  }
0xe: {  	[smem:$0x3FAC] =	sst s6  }
0xf: {  	[smem:$0x3FAD] =	sst s7  }
0x10: {  	[smem:$0x3FAE] =	sst s8  }
0x11: {  	[smem:$0x3FAF] =	sst s9;
	s0 =	simm.s32 @!p0 $0x0  }
0x12: {  	s1 =	sld [smem:$0x3F95];
	s0 =	simm.s32 @p0 $0x1  }
0x13: {  	[smem:$0x3FB0] =	sst s0;
	s0 =	simm.s32 @!p1 $0x0  }
0x14: {  	s2 =	sld [smem:$0x3F94];
	s0 =	simm.s32 @p1 $0x1  }
0x15: {  	[smem:$0x3FB1] =	sst s0;
	s0 =	simm.s32 @!p2 $0x0  }
0x16: {  	s3 =	sld [smem:$0x3FDB];
	s0 =	simm.s32 @p2 $0x1  }
0x17: {  	s4 =	simm.s32 $0x1BF5;
	[smem:$0x3FB3] =	sst s0  }
0x18: {  	s0 =	sld [smem:$0x3F96];
	_ =	swait.ge [sflag:s4], $0x0  }
0x19: {  	s7 =	sld [smem:$0x3F97]  }
0x1a: {  	s8 =	sadd.s32 $0xFFFFE003, lr  }
0x1b: {  	s9 =	sadd.s32 $0xFFFFFEF7, lr;
	s5 =	simm.s32 $0xFFFFFFFF;
	p2 =	slt.u32 s8, $0xFFFFF086  }
0x1c: {  	p1 =	slt.u32 s9, $0xF7A;
	s5 =	simm.s32 @!p2 $0x0  }
0x1d: {  	s5 =	simm.s32 @p1 $0x1;
	p0 =	seq.s32 s7, s2  }
0x1e: {  	s7 =	smul.u32 @!p0 $0xF7A, s2;
	p2 =	seq.s32 @!p0 s5, $0x0  }
0x1f: {  	s9 =	smul.u32 $0xF7A, s1;
	s8 =	simm.s32 @!p0 $0x1BF5;
	p2 =	por !p2, p0  }
0x20: {  	[sflag:s8] =	ssyncset.s32 @!p0 $0xFFFFF086;
	s6 =	sadd.s32 @!p0 s3, s7;
	s7 =	simm.s32 @!p0 $0x108  }
0x21: {  	s3 =	sadd.s32 s3, s9;
	s6 =	sadd.s32 @!p0 $0x88, s6;
	s7 =	simm.s32 @p2 $0x1082  }
0x22: {  	[simem:s7], [sflag:s8] =	dma.local @!p0 [hbm:s6], $0xF7A  }
0x23: {  	s9 =	sor.u32 $0xD0000000, s2;
	s6 =	simm.s32 $0x108;
	_ =	swait.ge @!p0 [sflag:s8], $0x0  }
0x24: {  	s3 =	sadd.s32 $0x88, s3;
	s6 =	simm.s32 @!p1 $0x1082;
	[sflag:s4] =	ssyncset.s32 $0xFFFFF086  }
0x25: {  	[simem:s6], [sflag:s4] =	dma.local [hbm:s3], $0xF7A  }
0x26: {  	[smem:$0x3F97] =	sst s1;
	(tag) =	ssettag s2;
	_ =	strace s9  }
0x27: {  	s1 =	sld [smem:$0x3FA7]  }
0x28: {  	s2 =	sld [smem:$0x3FA8]  }
0x29: {  	s4 =	sld [smem:$0x3FAA]  }
0x2a: {  	p0 =	seq.s32 s5, $0x0;
	s5 =	sld [smem:$0x3FAB]  }
0x2b: {  	s6 =	sld [smem:$0x3FAC]  }
0x2c: {  	s7 =	sld [smem:$0x3FAD]  }
0x2d: {  	s3 =	simm.s32 $0x108;
	s8 =	sld [smem:$0x3FAE]  }
0x2e: {  	s3 =	simm.s32 @!p0 $0x1082;
	s9 =	sld [smem:$0x3FAF]  }
0x2f: {  	lr =	sadd.s32 s0, s3;
	s0 =	sld [smem:$0x3FA6]  }
0x30: {  	s3 =	sld [smem:$0x3FA9]  }
0x31: {  	[smem:$0x3FB2] =	sst s10  }
0x32: {  	s10 =	sld [smem:$0x3FB0];
	_ =	sdelay $0x3  }
0x33: {  	p0 =	seq.s32 s10, $0x1;
	s10 =	sld [smem:$0x3FB2];
	_ =	sdelay $0x3  }
0x34: {  	[smem:$0x3FB2] =	sst s10  }
0x35: {  	s10 =	sld [smem:$0x3FB1];
	_ =	sdelay $0x3  }
0x36: {  	p1 =	seq.s32 s10, $0x1;
	s10 =	sld [smem:$0x3FB2];
	_ =	sdelay $0x3  }
0x37: {  	[smem:$0x3FB2] =	sst s10  }
0x38: {  	s10 =	sld [smem:$0x3FB3]  }
0x39: {  	_ = 	snop;
	(pc) =	sbr.ind lr, $3  }
0x3a: {  	_ = 	snop  }
0x3b: {  	_ = 	snop  }
0x3c: {  	p2 =	seq.s32 s10, $0x1;
	s10 =	sld [smem:$0x3FB2]  }
0x3d: {  	_ =	shalt  }
0x3e: {  	_ =	shalt  }
0x3f: {  	_ =	shalt  }
0x40: {  	_ =	shalt  }
0x41: {  	_ =	shalt  }
0x42: {  	_ =	shalt  }
0x43: {  	_ =	shalt  }
0x44: {  	_ =	shalt  }
0x45: {  	_ =	shalt  }
0x46: {  	_ =	shalt  }
0x47: {  	_ =	shalt  }
0x48: {  	_ =	shalt  }
0x49: {  	_ =	shalt  }
0x4a: {  	_ =	shalt  }
0x4b: {  	_ =	shalt  }
0x4c: {  	_ =	shalt  }
0x4d: {  	_ =	shalt  }
0x4e: {  	_ =	shalt  }
0x4f: {  	_ =	shalt  }
0x50: {  	_ =	shalt  }
0x51: {  	_ =	shalt  }
0x52: {  	_ =	shalt  }
0x53: {  	_ =	shalt  }
0x54: {  	_ =	shalt  }
0x55: {  	_ =	shalt  }
0x56: {  	_ =	shalt  }
0x57: {  	_ =	shalt  }
0x58: {  	_ =	shalt  }
0x59: {  	_ =	shalt  }
0x5a: {  	_ =	shalt  }
0x5b: {  	_ =	shalt  }
0x5c: {  	_ =	shalt  }
0x5d: {  	_ =	shalt  }
0x5e: {  	_ =	shalt  }
0x5f: {  	_ =	shalt  }
0x60: {  	_ =	shalt  }
0x61: {  	_ =	shalt  }
0x62: {  	_ =	shalt  }
0x63: {  	_ =	shalt  }
0x64: {  	_ =	shalt  }
0x65: {  	_ =	shalt  }
0x66: {  	_ =	shalt  }
0x67: {  	_ =	shalt  }
0x68: {  	_ =	shalt  }
0x69: {  	_ =	shalt  }
0x6a: {  	_ =	shalt  }
0x6b: {  	_ =	shalt  }
0x6c: {  	_ =	shalt  }
0x6d: {  	_ =	shalt  }
0x6e: {  	_ =	shalt  }
0x6f: {  	_ =	shalt  }
0x70: {  	_ =	shalt  }
0x71: {  	_ =	shalt  }
0x72: {  	_ =	shalt  }
0x73: {  	_ =	shalt  }
0x74: {  	_ =	shalt  }
0x75: {  	_ =	shalt  }
0x76: {  	_ =	shalt  }
0x77: {  	_ =	shalt  }
0x78: {  	_ =	shalt  }
0x79: {  	_ =	shalt  }
0x7a: {  	_ =	shalt  }
0x7b: {  	_ =	shalt  }
0x7c: {  	_ =	shalt  }
0x7d: {  	_ =	shalt  }
0x7e: {  	_ =	shalt  }
0x7f: {  	_ =	shalt  }
0x80: {  	_ =	shalt  }
0x81: {  	_ =	shalt  }
0x82: {  	_ =	shalt  }
0x83: {  	_ =	shalt  }
0x84: {  	_ =	shalt  }
0x85: {  	_ =	shalt  }
0x86: {  	_ =	shalt  }
0x87: {  	_ =	shalt  }
.Lfunc_end0:
.L_simem_size_0:
called_computation.2_lowered:
.L_overlay_start_0:
0x88: {  	s2 =	sld [smem:$0x3FD9]  }
0x89: {  	s3 =	sld [smem:$0x3FFE];
	_ =	sdelay $0x1  }
0x8a: {  	s1 =	srdreg.scid  }
0x8b: {  	s0 =	sand.u32 $0x1, s1  }
0x8c: {  	s17 =	sshll.u32 s0, $0xA;
	s2 =	sadd.s32 s3, s2  }
0x8d: {  	s2 =	sadd.s32 s2, s17  }
0x8e: {  	[smem:$0x3FBE] =	sst s2  }
0x8f: {  	_ = 	snop  }
0x90: {  	s2 =	sld [smem:$0x3FD0];
	(tm) =	ssettm $0x1  }
0x91: {  	s18 =	sld [smem:$0x3FFB];
	_ =	sdelay $0x3  }
0x92: {  	_ =	strace s18  }
0x93: {  	s3 =	sld [smem:$0x3FFC];
	_ =	sdelay $0x3  }
0x94: {  	_ =	strace s3  }
0x95: {  	s3 =	sld [smem:$0x3FFD];
	_ =	sdelay $0x3  }
0x96: {  	_ =	strace s3  }
0x97: {  	_ =	strace $0x8FFFFFFF  }
0x98: {  	s19 =	sld [smem:$0x3FDB];
	_ =	sdelay $0x1  }
0x99: {  	s4 =	simm.s32 $_scs_section_size  }
0x9a: {  	s5 =	simm.s32 $_size__tile_overlayer_lowered;
	s6 =	simm.s32 $_tile_overlayer_lowered  }
0x9b: {  	s22 =	simm.s32 $0x1BFF;
	s21 =	sshll.u32 s6, $0x1;
	s3 =	sadd.s32 s4, s19  }
0x9c: {  	s7 =	simm.s32 $0x0;
	s20 =	sshll.u32 s5, $0x1;
	s5 =	sadd.s32 s21, s3  }
0x9d: {  	[timem:s7], [sflag:s22] =	dma.local [hbm:s5], s20  }
0x9e: {  	_ =	swait.ge [sflag:s22], s20  }
0x9f: {  	s4 =	ssub.s32 $0x0, s20;
	[sflag:s22] =	ssyncset.done $0x0  }
0xa0: {  	[sflag:s22] =	ssyncadd.s32 s4;
	_ =	sdelay $0x1  }
0xa1: {  	s23 =	simm.s32 $0x1B8B  }
0xa2: {  	_ =	swait.ge [sflag:s23], $0x1  }
0xa3: {  	[sflag:s23] =	ssyncset.done $0x0  }
0xa4: {  	s25 =	simm.s32 $0x1B8E;
	s24 =	sld [smem:$0x3FFE];
	[sflag:s23] =	ssyncadd.s32 $0xFFFFFFFF  }
0xa5: {  	s26 =	simm.s32 $execute0_lowered;
	[smem:$0x3FD2] =	sst s25  }
0xa6: {  	s5 =	sshll.u32 s26, $0x1;
	_ =	strace $0x8000004C;
	[dreg:$0x1] =	wrdreg $0xFFFFFFFF  }
0xa7: {  	s28 =	simm.s32 $_size_execute0_lowered;
	s3 =	sadd.s32 s3, s5;
	[dreg:$0x0] =	wrdreg $0x0  }
0xa8: {  	s5 =	sshll.u32 s28, $0x1;
	[dreg:$0x2] =	wrdreg s3  }
0xa9: {  	[dreg:$0x3] =	wrdreg s5  }
0xaa: {  	[dreg:$0x4] =	wrdreg $0xC0  }
0xab: {  	_ =	task [dreg:s7], $0x5FFFF  }
0xac: {  	[dreg:$0x1] =	wrdreg $0xFFFFFFFF  }
0xad: {  	[dreg:$0x0] =	wrdreg $0x60  }
0xae: {  	[dreg:$0x2] =	wrdreg s24  }
0xaf: {  	[dreg:$0x3] =	wrdreg s2  }
0xb0: {  	[dreg:$0x4] =	wrdreg $0x9  }
0xb1: {  	_ =	task.clear_ibuf [dreg:s7], $0x5FFFF;
	_ =	strace $0x9000004C  }
0xb2: {  	s29 =	simm.s32 $0x9;
	_ =	strace $0x8000004E  }
0xb3: {  	_ =	swait.ge [sflag:s29], $0x1  }
0xb4: {  	[sflag:s29] =	ssyncadd.s32 $0xFFFFFFFF  }
0xb5: {  	_ =	strace $0x9000004E  }
0xb6: {  	_ =	sfence  }
0xb7: {  	s30 =	sld [smem:$0x0];
	_ =	sdelay $0x2  }
0xb8: {  	s31 =	sshll.u32 s1, $0xD;
	s1 =	sshrl.u32 s1, $0x2  }
0xb9: {  	s3 =	sand.u32 $0x4000, s31;
	s1 =	sadd.s32 s1, s30  }
0xba: {  	s0 =	sor.u32 s3, s0;
	s1 =	sshll.u32 s1, $0x11  }
0xbb: {  	s0 =	sor.u32 s1, s0  }
0xbc: {  	s0 =	sadd.s32 $0x8F2B, s0  }
0xbd: {  	[sflag:s0] =	ssyncadd.remote.s32 $0x1  }
0xbe: {  	_ =	sfence.sel $0xFFFF  }
0xbf: {  	[dreg:$0x0] =	wrdreg $0xFFFFFFFF;
	(pc) =	sbr.abs _section_cstart, $3  }
0xc0: {  	[dreg:$0x1] =	wrdreg $0xFFFFFFFF  }
0xc1: {  	_ =	task.clear_ibuf [dreg:s7], $0x2FFFF;
	_ =	strace $0x9FFFFFFF  }
0xc2: {  	(tm) =	ssettm $0x7FFFFFFF  }
0xc3: {  	_ =	shalt  }
tec
execute0_lowered:
.L_overlay_start_1:
0x0: {  	(tag) =	ssettag $0x1  }
0x1: {  	s0 =	rddreg [dreg:$0x0]  }
0x2: {  	s2 =	rddreg [dreg:$0x1];
	s1 =	simm.s32 $0x0;
	s5 =	srdreg.scid  }
0x3: {  	s10 =	stileid.u32;
	s11 =	simm.s32 $0x3;
	s12 =	simm.s32 $0x400  }
0x4: {  	s13 =	simm.s32 $0x80;
	s14 =	simm.s32 $0x800;
	s15 =	simm.s32 $0x1800  }
0x5: {  	s17 =	simm.s32 $0x2800;
	s19 =	simm.s32 $0x3800;
	s21 =	simm.s32 $0x4800  }
0x6: {  	s28 =	simm.s32 $0x7800;
	s29 =	simm.s32 $0x1;
	s30 =	simm.s32 $0x480  }
0x7: {  	s31 =	simm.s32 $0x500;
	s18 =	simm.s32 $0x0;
	[smem:$0x7FF] =	sst s1  }
0x8: {  	s3 =	sadd.s32 $0x3A00, s0;
	s4 =	sadd.s32 $0xF3400, s0;
	s5 =	sand.u32 $0x1, s5  }
0x9: {  	s6 =	sshll.u32 s10, $0x8;
	s7 =	sshll.u32 s10, $0xD;
	s23 =	sshll.u32 s10, $0x1  }
0xa: {  	s10 =	simm.s32 $0x2;
	_ =	strace $0x8000004D;
	s8 =	ssub.s32 $0x2, s5  }
0xb: {  	s9 =	sadd.s32 s6, s0;
	s0 =	sadd.s32 s7, s0;
	[dreg:$0x3] =	wrdreg s23  }
0xc: {  	s24 =	sshll.u32 s5, $0x7;
	s5 =	sshll.u32 s5, $0xC;
	s2 =	sadd.s32 s6, s2  }
0xd: {  	s23 =	simm.s32 $0x5800;
	s6 =	simm.s32 $0x700;
	s22 =	sshrl.u32 s8, $0x1  }
0xe: {  	s25 =	sadd.s32 s24, s9;
	s0 =	sadd.s32 s5, s0;
	s5 =	simm.s32 $0x680  }
.Ltmp0:
0xf: {  	s9 =	simm.s32 $0x780;
	s7 =	ssub.s32 s8, s22;
	(pc) =	sbr.rel .LBB2_1-.Ltmp0, $4  }
0x10: {  	s8 =	sadd.s32 s24, s2;
	s26 =	sadd.s32 $0x129000, s0;
	s0 =	sadd.s32 $0x43D000, s0  }
0x11: {  	s2 =	simm.s32 $0x600;
	s7 =	smax.u32 s7, $0x1;
	[dreg:$0x5] =	wrdreg s26  }
0x12: {  	[dreg:$0x6] =	wrdreg s0;
	s26 =	simm.s32 $0x380;
	s0 =	simm.s32 $0x580  }
0x13: {  	[dreg:$0x4] =	wrdreg s7;
	s7 =	sadd.s32 $0xDAA00, s25;
	s25 =	simm.s32 $0x6800  }
.LBB2_5:
0x14: {  	s18 =	rddreg [dreg:$0x7]  }
0x15: {  	s16 =	rddreg [dreg:$0x4];
	s18 =	sadd.s32 $0x1, s18  }
0x16: {  	p0 =	sne.s32 s18, s16  }
.Ltmp1:
0x17: {  	_ = 	snop;
	(pc) =	sbr.rel @!p0 .LBB2_6-.Ltmp1, $1  }
0x18: {  	_ =	sdelay $0x3  }
.LBB2_1:
.Ltmp2:
0x19: {  	(pc) =	sbr.rel .LBB2_2-.Ltmp2, $4  }
0x1a: {  	[dreg:$0x7] =	wrdreg s18  }
0x1b: {  	s18 =	rddreg [dreg:$0x3]  }
0x1c: {  	s16 =	rddreg [dreg:$0x6]  }
0x1d: {  	s20 =	rddreg [dreg:$0x5];
	s22 =	simm.s32 $0x0  }
.LBB2_4:
0x1e: {  	s22 =	sadd.s32 $0x1000, s22  }
0x1f: {  	p0 =	sne.s32 s22, $0x19000  }
.Ltmp3:
0x20: {  	_ = 	snop;
	(pc) =	sbr.rel @!p0 .LBB2_5-.Ltmp3, $2  }
0x21: {  	_ =	sdelay $0x2  }
0x22: {  	s20 =	sadd.s32 $0x20000, s20;
	s16 =	sadd.s32 $0x20000, s16;
	s18 =	sadd.s32 $0x20, s18  }
.LBB2_2:
0x23: {  	p0 =	sgt.u32 s18, $0x313  }
.Ltmp4:
0x24: {  	_ = 	snop;
	(pc) =	sbr.rel @p0 .LBB2_4-.Ltmp4, $1  }
0x25: {  	_ =	sdelay $0x3  }
0x26: {  	s24 =	sadd.s32 s22, s8  }
0x27: {  	[tilespmem:s1], [sflag:$0x3] =	stream.linear.gather [hbm4b:s24+s1], $0x400, $0x38;
	[tilespmem:$0x8800] =	vst v63  }
0x28: {  	_ =	swait.ge [sflag:s11], $0x400  }
0x29: {  	[sflag:s11] =	ssyncset.done $0x0  }
0x2a: {  	s24 =	sadd.s32 s22, s7;
	[sflag:s11] =	ssyncadd.s32 $0xFFFFFC00  }
0x2b: {  	[tilespmem:s12], [sflag:$0x3] =	stream.linear.gather [hbm4b:s24+s1], $0x400, $0x38;
	[tilespmem:$0x8800] =	vst v63  }
0x2c: {  	_ =	swait.ge [sflag:s11], $0x400  }
0x2d: {  	[sflag:s11] =	ssyncset.done $0x0  }
0x2e: {  	[sflag:s11] =	ssyncadd.s32 $0xFFFFFC00  }
0x2f: {  	[tilespmem:s14], [sflag:$0x1] =	stream.indirect.gather [hbm4b:s3+s13], $0x20, s1, s13, $0xb8;
	[tilespmem:$0x8800] =	vst v63  }
0x30: {  	_ = 	snop  }
0x31: {  	[tilespmem:s15], [sflag:$0x1] =	stream.indirect.gather [hbm4b:s3+s13], $0x20, s13, s13, $0xb8;
	[tilespmem:$0x8800] =	vst v63  }
0x32: {  	s24 =	simm.s32 $0x100  }
0x33: {  	[tilespmem:s17], [sflag:$0x1] =	stream.indirect.gather [hbm4b:s3+s13], $0x20, s24, s13, $0xb8;
	[tilespmem:$0x8800] =	vst v63  }
0x34: {  	s24 =	simm.s32 $0x180  }
0x35: {  	[tilespmem:s19], [sflag:$0x1] =	stream.indirect.gather [hbm4b:s3+s13], $0x20, s24, s13, $0xb8;
	[tilespmem:$0x8800] =	vst v63  }
0x36: {  	s24 =	simm.s32 $0x200  }
0x37: {  	[tilespmem:s21], [sflag:$0x1] =	stream.indirect.gather [hbm4b:s3+s13], $0x20, s24, s13, $0xb8;
	[tilespmem:$0x8800] =	vst v63  }
0x38: {  	s24 =	simm.s32 $0x280  }
0x39: {  	[tilespmem:s23], [sflag:$0x1] =	stream.indirect.gather [hbm4b:s3+s13], $0x20, s24, s13, $0xb8;
	[tilespmem:$0x8800] =	vst v63  }
0x3a: {  	s24 =	simm.s32 $0x300  }
0x3b: {  	[tilespmem:s25], [sflag:$0x1] =	stream.indirect.gather [hbm4b:s3+s13], $0x20, s24, s13, $0xb8;
	[tilespmem:$0x8800] =	vst v63  }
0x3c: {  	_ = 	snop  }
0x3d: {  	[tilespmem:s28], [sflag:$0x1] =	stream.indirect.gather [hbm4b:s3+s13], $0x20, s26, s13, $0xb8;
	[tilespmem:$0x8800] =	vst v63  }
0x3e: {  	_ =	swait.ge [sflag:s29], $0x1000  }
0x3f: {  	[sflag:s29] =	ssyncset.done $0x0  }
0x40: {  	[sflag:s29] =	ssyncadd.s32 $0xFFFFF000  }
0x41: {  	_ =	swait.ge [sflag:s29], $0x1000  }
0x42: {  	[sflag:s29] =	ssyncset.done $0x0  }
0x43: {  	[sflag:s29] =	ssyncadd.s32 $0xFFFFF000  }
0x44: {  	_ =	swait.ge [sflag:s29], $0x1000  }
0x45: {  	[sflag:s29] =	ssyncset.done $0x0  }
0x46: {  	[sflag:s29] =	ssyncadd.s32 $0xFFFFF000  }
0x47: {  	_ =	swait.ge [sflag:s29], $0x1000  }
0x48: {  	[sflag:s29] =	ssyncset.done $0x0  }
0x49: {  	[sflag:s29] =	ssyncadd.s32 $0xFFFFF000  }
0x4a: {  	_ =	swait.ge [sflag:s29], $0x1000  }
0x4b: {  	[sflag:s29] =	ssyncset.done $0x0  }
0x4c: {  	[sflag:s29] =	ssyncadd.s32 $0xFFFFF000  }
0x4d: {  	_ =	swait.ge [sflag:s29], $0x1000  }
0x4e: {  	[sflag:s29] =	ssyncset.done $0x0  }
0x4f: {  	[sflag:s29] =	ssyncadd.s32 $0xFFFFF000  }
0x50: {  	_ =	swait.ge [sflag:s29], $0x1000  }
0x51: {  	[sflag:s29] =	ssyncset.done $0x0  }
0x52: {  	[sflag:s29] =	ssyncadd.s32 $0xFFFFF000  }
0x53: {  	_ =	swait.ge [sflag:s29], $0x1000  }
0x54: {  	[sflag:s29] =	ssyncset.done $0x0  }
0x55: {  	[sflag:s29] =	ssyncadd.s32 $0xFFFFF000  }
0x56: {  	[hbm4b:s16+s1] =	stream.linear.scatter [tilespmem:s14], [sflag:$0x3], $0x8000, $0x38;
	[tilespmem:$0x8800] =	vst v63  }
0x57: {  	_ =	swait.ge [sflag:s11], $0x8000  }
0x58: {  	[sflag:s11] =	ssyncset.done $0x0  }
0x59: {  	[sflag:s11] =	ssyncadd.s32 $0xFFFF8000  }
0x5a: {  	[tilespmem:s14], [sflag:$0x1] =	stream.indirect.gather [hbm4b:s4+s13], $0x20, s12, s13, $0xb8;
	[tilespmem:$0x8800] =	vst v63  }
0x5b: {  	_ = 	snop  }
0x5c: {  	[tilespmem:s15], [sflag:$0x1] =	stream.indirect.gather [hbm4b:s4+s13], $0x20, s30, s13, $0xb8;
	[tilespmem:$0x8800] =	vst v63  }
0x5d: {  	_ = 	snop  }
0x5e: {  	[tilespmem:s17], [sflag:$0x1] =	stream.indirect.gather [hbm4b:s4+s13], $0x20, s31, s13, $0xb8;
	[tilespmem:$0x8800] =	vst v63  }
0x5f: {  	_ = 	snop  }
0x60: {  	[tilespmem:s19], [sflag:$0x1] =	stream.indirect.gather [hbm4b:s4+s13], $0x20, s0, s13, $0xb8;
	[tilespmem:$0x8800] =	vst v63  }
0x61: {  	_ = 	snop  }
0x62: {  	[tilespmem:s21], [sflag:$0x1] =	stream.indirect.gather [hbm4b:s4+s13], $0x20, s2, s13, $0xb8;
	[tilespmem:$0x8800] =	vst v63  }
0x63: {  	_ = 	snop  }
0x64: {  	[tilespmem:s23], [sflag:$0x1] =	stream.indirect.gather [hbm4b:s4+s13], $0x20, s5, s13, $0xb8;
	[tilespmem:$0x8800] =	vst v63  }
0x65: {  	_ = 	snop  }
0x66: {  	[tilespmem:s25], [sflag:$0x1] =	stream.indirect.gather [hbm4b:s4+s13], $0x20, s6, s13, $0xb8;
	[tilespmem:$0x8800] =	vst v63  }
0x67: {  	_ = 	snop  }
0x68: {  	[tilespmem:s28], [sflag:$0x1] =	stream.indirect.gather [hbm4b:s4+s13], $0x20, s9, s13, $0xb8;
	[tilespmem:$0x8800] =	vst v63  }
0x69: {  	_ =	swait.ge [sflag:s29], $0x1000  }
0x6a: {  	[sflag:s29] =	ssyncset.done $0x0  }
0x6b: {  	[sflag:s29] =	ssyncadd.s32 $0xFFFFF000  }
0x6c: {  	_ =	swait.ge [sflag:s29], $0x1000  }
0x6d: {  	[sflag:s29] =	ssyncset.done $0x0  }
0x6e: {  	[sflag:s29] =	ssyncadd.s32 $0xFFFFF000  }
0x6f: {  	_ =	swait.ge [sflag:s29], $0x1000  }
0x70: {  	[sflag:s29] =	ssyncset.done $0x0  }
0x71: {  	[sflag:s29] =	ssyncadd.s32 $0xFFFFF000  }
0x72: {  	_ =	swait.ge [sflag:s29], $0x1000  }
0x73: {  	[sflag:s29] =	ssyncset.done $0x0  }
0x74: {  	[sflag:s29] =	ssyncadd.s32 $0xFFFFF000  }
0x75: {  	_ =	swait.ge [sflag:s29], $0x1000  }
0x76: {  	[sflag:s29] =	ssyncset.done $0x0  }
0x77: {  	[sflag:s29] =	ssyncadd.s32 $0xFFFFF000  }
0x78: {  	_ =	swait.ge [sflag:s29], $0x1000  }
0x79: {  	[sflag:s29] =	ssyncset.done $0x0  }
0x7a: {  	[sflag:s29] =	ssyncadd.s32 $0xFFFFF000  }
0x7b: {  	_ =	swait.ge [sflag:s29], $0x1000  }
0x7c: {  	[sflag:s29] =	ssyncset.done $0x0  }
0x7d: {  	[sflag:s29] =	ssyncadd.s32 $0xFFFFF000  }
0x7e: {  	_ =	swait.ge [sflag:s29], $0x1000  }
0x7f: {  	[sflag:s29] =	ssyncset.done $0x0  }
.Ltmp5:
0x80: {  	[sflag:s29] =	ssyncadd.s32 $0xFFFFF000;
	(pc) =	sbr.rel .LBB2_4-.Ltmp5, $4  }
0x81: {  	[hbm4b:s20+s1] =	stream.linear.scatter [tilespmem:s14], [sflag:$0x2], $0x8000, $0x38;
	[tilespmem:$0x8800] =	vst v63  }
0x82: {  	_ =	swait.ge [sflag:s10], $0x8000  }
0x83: {  	[sflag:s10] =	ssyncset.done $0x0  }
0x84: {  	[sflag:s10] =	ssyncadd.s32 $0xFFFF8000  }
.LBB2_6:
0x85: {  	_ =	sfence.sel $0x180000  }
0x86: {  	[bflag:$0x0] =	sbarrier.arrive $0xFFFF  }
0x87: {  	_ =	strace $0x9000004D  }
0x88: {  	s0 =	stileid.u32;
	[bflag:$0x2] =	sbarrier.arrive $0xFFFF  }
0x89: {  	p0 =	sne.s32 s0, $0x0;
	s0 =	rddreg [dreg:$0x2]  }
0x8a: {  	s0 =	sadd.s32 @!p0 $0x100000, s0  }
0x8b: {  	[sflag:s0] =	ssyncadd.tile.s32 @!p0 $0x1;
	_ =	shalt  }
.Lfunc_end2:
_tile_overlayer_lowered:
.L_overlay_start_2:
0x8c: {  	(tag) =	ssettag $0x2  }
0x8d: {  	s0 =	rddreg [dreg:$0x0];
	s2 =	stileid.u32  }
0x8e: {  	s1 =	rddreg [dreg:$0x1];
	p0 =	sne.s32 s2, $0x0  }
0x8f: {  	s3 =	rddreg [dreg:$0x2];
	[bflag:$0x3] =	sbarrier.arrive $0xFFFF;
	s2 =	simm.s32 @!p0 $0x1C02  }
0x90: {  	[timem:s3], [sflag:s2] =	dma.local @!p0 [hbm:s0], s1  }
0x91: {  	s0 =	simm.s32 @!p0 $0x2  }
0x92: {  	_ =	swait.ge @!p0 [sflag:s0], s1  }
0x93: {  	s1 =	ssub.s32 @!p0 $0x0, s1;
	[sflag:s0] =	ssyncset.done @!p0 $0x0  }
0x94: {  	[sflag:s0] =	ssyncadd.s32 @!p0 s1  }
0x95: {  	[bflag:$0x3] =	sbarrier.arrive $0xFFFF  }
0x96: {  	_ =	shalt  }

// kernel: kernel.20.cloned.1.call-start
scs
__scs_entry_jumppad:
0x0: {  	(pc) =	sbr.rel $0x88, $3  }
0x1: {  	(tag) =	ssettag $0x0;
	lr =	simm.s32 $0x1  }
0x2: {  	[smem:$0x3F97] =	sst lr;
	_ =	strace $0xD0000000  }
0x3: {  	_ = 	snop  }
0x4: {  	_ = 	snop  }
0x5: {  	_ = 	snop  }
0x6: {  	_ = 	snop  }
0x7: {  	_ = 	snop  }
__scs_overlays_trampoline_lowered:
0x8: {  	[smem:$0x3FA6] =	sst s0  }
0x9: {  	[smem:$0x3FA7] =	sst s1  }
0xa: {  	[smem:$0x3FA8] =	sst s2  }
0xb: {  	[smem:$0x3FA9] =	sst s3  }
0xc: {  	[smem:$0x3FAA] =	sst s4  }
0xd: {  	[smem:$0x3FAB] =	sst s5  }
0xe: {  	[smem:$0x3FAC] =	sst s6  }
0xf: {  	[smem:$0x3FAD] =	sst s7  }
0x10: {  	[smem:$0x3FAE] =	sst s8  }
0x11: {  	[smem:$0x3FAF] =	sst s9;
	s0 =	simm.s32 @!p0 $0x0  }
0x12: {  	s1 =	sld [smem:$0x3F95];
	s0 =	simm.s32 @p0 $0x1  }
0x13: {  	[smem:$0x3FB0] =	sst s0;
	s0 =	simm.s32 @!p1 $0x0  }
0x14: {  	s2 =	sld [smem:$0x3F94];
	s0 =	simm.s32 @p1 $0x1  }
0x15: {  	[smem:$0x3FB1] =	sst s0;
	s0 =	simm.s32 @!p2 $0x0  }
0x16: {  	s3 =	sld [smem:$0x3FDB];
	s0 =	simm.s32 @p2 $0x1  }
0x17: {  	s4 =	simm.s32 $0x1BF5;
	[smem:$0x3FB3] =	sst s0  }
0x18: {  	s0 =	sld [smem:$0x3F96];
	_ =	swait.ge [sflag:s4], $0x0  }
0x19: {  	s7 =	sld [smem:$0x3F97]  }
0x1a: {  	s8 =	sadd.s32 $0xFFFFE003, lr  }
0x1b: {  	s9 =	sadd.s32 $0xFFFFFEF7, lr;
	s5 =	simm.s32 $0xFFFFFFFF;
	p2 =	slt.u32 s8, $0xFFFFF086  }
0x1c: {  	p1 =	slt.u32 s9, $0xF7A;
	s5 =	simm.s32 @!p2 $0x0  }
0x1d: {  	s5 =	simm.s32 @p1 $0x1;
	p0 =	seq.s32 s7, s2  }
0x1e: {  	s7 =	smul.u32 @!p0 $0xF7A, s2;
	p2 =	seq.s32 @!p0 s5, $0x0  }
0x1f: {  	s9 =	smul.u32 $0xF7A, s1;
	s8 =	simm.s32 @!p0 $0x1BF5;
	p2 =	por !p2, p0  }
0x20: {  	[sflag:s8] =	ssyncset.s32 @!p0 $0xFFFFF086;
	s6 =	sadd.s32 @!p0 s3, s7;
	s7 =	simm.s32 @!p0 $0x108  }
0x21: {  	s3 =	sadd.s32 s3, s9;
	s6 =	sadd.s32 @!p0 $0x88, s6;
	s7 =	simm.s32 @p2 $0x1082  }
0x22: {  	[simem:s7], [sflag:s8] =	dma.local @!p0 [hbm:s6], $0xF7A  }
0x23: {  	s9 =	sor.u32 $0xD0000000, s2;
	s6 =	simm.s32 $0x108;
	_ =	swait.ge @!p0 [sflag:s8], $0x0  }
0x24: {  	s3 =	sadd.s32 $0x88, s3;
	s6 =	simm.s32 @!p1 $0x1082;
	[sflag:s4] =	ssyncset.s32 $0xFFFFF086  }
0x25: {  	[simem:s6], [sflag:s4] =	dma.local [hbm:s3], $0xF7A  }
0x26: {  	[smem:$0x3F97] =	sst s1;
	(tag) =	ssettag s2;
	_ =	strace s9  }
0x27: {  	s1 =	sld [smem:$0x3FA7]  }
0x28: {  	s2 =	sld [smem:$0x3FA8]  }
0x29: {  	s4 =	sld [smem:$0x3FAA]  }
0x2a: {  	p0 =	seq.s32 s5, $0x0;
	s5 =	sld [smem:$0x3FAB]  }
0x2b: {  	s6 =	sld [smem:$0x3FAC]  }
0x2c: {  	s7 =	sld [smem:$0x3FAD]  }
0x2d: {  	s3 =	simm.s32 $0x108;
	s8 =	sld [smem:$0x3FAE]  }
0x2e: {  	s3 =	simm.s32 @!p0 $0x1082;
	s9 =	sld [smem:$0x3FAF]  }
0x2f: {  	lr =	sadd.s32 s0, s3;
	s0 =	sld [smem:$0x3FA6]  }
0x30: {  	s3 =	sld [smem:$0x3FA9]  }
0x31: {  	[smem:$0x3FB2] =	sst s10  }
0x32: {  	s10 =	sld [smem:$0x3FB0];
	_ =	sdelay $0x3  }
0x33: {  	p0 =	seq.s32 s10, $0x1;
	s10 =	sld [smem:$0x3FB2];
	_ =	sdelay $0x3  }
0x34: {  	[smem:$0x3FB2] =	sst s10  }
0x35: {  	s10 =	sld [smem:$0x3FB1];
	_ =	sdelay $0x3  }
0x36: {  	p1 =	seq.s32 s10, $0x1;
	s10 =	sld [smem:$0x3FB2];
	_ =	sdelay $0x3  }
0x37: {  	[smem:$0x3FB2] =	sst s10  }
0x38: {  	s10 =	sld [smem:$0x3FB3]  }
0x39: {  	_ = 	snop;
	(pc) =	sbr.ind lr, $3  }
0x3a: {  	_ = 	snop  }
0x3b: {  	_ = 	snop  }
0x3c: {  	p2 =	seq.s32 s10, $0x1;
	s10 =	sld [smem:$0x3FB2]  }
0x3d: {  	_ =	shalt  }
0x3e: {  	_ =	shalt  }
0x3f: {  	_ =	shalt  }
0x40: {  	_ =	shalt  }
0x41: {  	_ =	shalt  }
0x42: {  	_ =	shalt  }
0x43: {  	_ =	shalt  }
0x44: {  	_ =	shalt  }
0x45: {  	_ =	shalt  }
0x46: {  	_ =	shalt  }
0x47: {  	_ =	shalt  }
0x48: {  	_ =	shalt  }
0x49: {  	_ =	shalt  }
0x4a: {  	_ =	shalt  }
0x4b: {  	_ =	shalt  }
0x4c: {  	_ =	shalt  }
0x4d: {  	_ =	shalt  }
0x4e: {  	_ =	shalt  }
0x4f: {  	_ =	shalt  }
0x50: {  	_ =	shalt  }
0x51: {  	_ =	shalt  }
0x52: {  	_ =	shalt  }
0x53: {  	_ =	shalt  }
0x54: {  	_ =	shalt  }
0x55: {  	_ =	shalt  }
0x56: {  	_ =	shalt  }
0x57: {  	_ =	shalt  }
0x58: {  	_ =	shalt  }
0x59: {  	_ =	shalt  }
0x5a: {  	_ =	shalt  }
0x5b: {  	_ =	shalt  }
0x5c: {  	_ =	shalt  }
0x5d: {  	_ =	shalt  }
0x5e: {  	_ =	shalt  }
0x5f: {  	_ =	shalt  }
0x60: {  	_ =	shalt  }
0x61: {  	_ =	shalt  }
0x62: {  	_ =	shalt  }
0x63: {  	_ =	shalt  }
0x64: {  	_ =	shalt  }
0x65: {  	_ =	shalt  }
0x66: {  	_ =	shalt  }
0x67: {  	_ =	shalt  }
0x68: {  	_ =	shalt  }
0x69: {  	_ =	shalt  }
0x6a: {  	_ =	shalt  }
0x6b: {  	_ =	shalt  }
0x6c: {  	_ =	shalt  }
0x6d: {  	_ =	shalt  }
0x6e: {  	_ =	shalt  }
0x6f: {  	_ =	shalt  }
0x70: {  	_ =	shalt  }
0x71: {  	_ =	shalt  }
0x72: {  	_ =	shalt  }
0x73: {  	_ =	shalt  }
0x74: {  	_ =	shalt  }
0x75: {  	_ =	shalt  }
0x76: {  	_ =	shalt  }
0x77: {  	_ =	shalt  }
0x78: {  	_ =	shalt  }
0x79: {  	_ =	shalt  }
0x7a: {  	_ =	shalt  }
0x7b: {  	_ =	shalt  }
0x7c: {  	_ =	shalt  }
0x7d: {  	_ =	shalt  }
0x7e: {  	_ =	shalt  }
0x7f: {  	_ =	shalt  }
0x80: {  	_ =	shalt  }
0x81: {  	_ =	shalt  }
0x82: {  	_ =	shalt  }
0x83: {  	_ =	shalt  }
0x84: {  	_ =	shalt  }
0x85: {  	_ =	shalt  }
0x86: {  	_ =	shalt  }
0x87: {  	_ =	shalt  }
.Lfunc_end0:
.L_simem_size_0:
called_computation.3_lowered:
.L_overlay_start_0:
0x88: {  	s2 =	sld [smem:$0x3FD9]  }
0x89: {  	s3 =	sld [smem:$0x3FFE];
	_ =	sdelay $0x1  }
0x8a: {  	s1 =	srdreg.scid  }
0x8b: {  	s0 =	sand.u32 $0x1, s1  }
0x8c: {  	s17 =	sshll.u32 s0, $0xA;
	s2 =	sadd.s32 s3, s2  }
0x8d: {  	s2 =	sadd.s32 s2, s17  }
0x8e: {  	[smem:$0x3FBE] =	sst s2  }
0x8f: {  	_ = 	snop  }
0x90: {  	s2 =	sld [smem:$0x3FD0];
	(tm) =	ssettm $0x1  }
0x91: {  	s18 =	sld [smem:$0x3FFB];
	_ =	sdelay $0x3  }
0x92: {  	_ =	strace s18  }
0x93: {  	s3 =	sld [smem:$0x3FFC];
	_ =	sdelay $0x3  }
0x94: {  	_ =	strace s3  }
0x95: {  	s3 =	sld [smem:$0x3FFD];
	_ =	sdelay $0x3  }
0x96: {  	_ =	strace s3  }
0x97: {  	_ =	strace $0x8FFFFFFF  }
0x98: {  	s19 =	sld [smem:$0x3FDB];
	_ =	sdelay $0x1  }
0x99: {  	s4 =	simm.s32 $_scs_section_size  }
0x9a: {  	s5 =	simm.s32 $_size__tile_overlayer_lowered;
	s6 =	simm.s32 $_tile_overlayer_lowered  }
0x9b: {  	s22 =	simm.s32 $0x1BFF;
	s21 =	sshll.u32 s6, $0x1;
	s3 =	sadd.s32 s4, s19  }
0x9c: {  	s7 =	simm.s32 $0x0;
	s20 =	sshll.u32 s5, $0x1;
	s5 =	sadd.s32 s21, s3  }
0x9d: {  	[timem:s7], [sflag:s22] =	dma.local [hbm:s5], s20  }
0x9e: {  	_ =	swait.ge [sflag:s22], s20  }
0x9f: {  	s4 =	ssub.s32 $0x0, s20;
	[sflag:s22] =	ssyncset.done $0x0  }
0xa0: {  	[sflag:s22] =	ssyncadd.s32 s4;
	_ =	sdelay $0x1  }
0xa1: {  	s23 =	simm.s32 $0x1B8B  }
0xa2: {  	_ =	swait.ge [sflag:s23], $0x1  }
0xa3: {  	[sflag:s23] =	ssyncset.done $0x0  }
0xa4: {  	s25 =	simm.s32 $0x1B8E;
	s24 =	sld [smem:$0x3FFE];
	[sflag:s23] =	ssyncadd.s32 $0xFFFFFFFF  }
0xa5: {  	s26 =	simm.s32 $execute0_lowered;
	[smem:$0x3FD2] =	sst s25  }
0xa6: {  	s5 =	sshll.u32 s26, $0x1;
	_ =	strace $0x8000004F;
	[dreg:$0x1] =	wrdreg $0xFFFFFFFF  }
0xa7: {  	s28 =	simm.s32 $_size_execute0_lowered;
	s3 =	sadd.s32 s3, s5;
	[dreg:$0x0] =	wrdreg $0x0  }
0xa8: {  	s5 =	sshll.u32 s28, $0x1;
	[dreg:$0x2] =	wrdreg s3  }
0xa9: {  	[dreg:$0x3] =	wrdreg s5  }
0xaa: {  	[dreg:$0x4] =	wrdreg $0xC0  }
0xab: {  	_ =	task [dreg:s7], $0x5FFFF  }
0xac: {  	[dreg:$0x1] =	wrdreg $0xFFFFFFFF  }
0xad: {  	[dreg:$0x0] =	wrdreg $0x60  }
0xae: {  	[dreg:$0x2] =	wrdreg s24  }
0xaf: {  	[dreg:$0x3] =	wrdreg s2  }
0xb0: {  	[dreg:$0x4] =	wrdreg $0x21000  }
0xb1: {  	[dreg:$0x5] =	wrdreg $0x9  }
0xb2: {  	_ =	task.clear_ibuf [dreg:s7], $0x6FFFF;
	_ =	strace $0x9000004F  }
0xb3: {  	s29 =	simm.s32 $0x9;
	_ =	strace $0x80000051  }
0xb4: {  	_ =	swait.ge [sflag:s29], $0x1  }
0xb5: {  	[sflag:s29] =	ssyncadd.s32 $0xFFFFFFFF  }
0xb6: {  	_ =	strace $0x90000051  }
0xb7: {  	_ =	sfence  }
0xb8: {  	s30 =	sld [smem:$0x0];
	_ =	sdelay $0x2  }
0xb9: {  	s31 =	sshll.u32 s1, $0xD;
	s1 =	sshrl.u32 s1, $0x2  }
0xba: {  	s3 =	sand.u32 $0x4000, s31;
	s1 =	sadd.s32 s1, s30  }
0xbb: {  	s0 =	sor.u32 s3, s0;
	s1 =	sshll.u32 s1, $0x11  }
0xbc: {  	s0 =	sor.u32 s1, s0  }
0xbd: {  	s0 =	sadd.s32 $0x8F2B, s0  }
0xbe: {  	[sflag:s0] =	ssyncadd.remote.s32 $0x1  }
0xbf: {  	_ =	sfence.sel $0xFFFF  }
0xc0: {  	[dreg:$0x0] =	wrdreg $0xFFFFFFFF;
	(pc) =	sbr.abs _section_cstart, $3  }
0xc1: {  	[dreg:$0x1] =	wrdreg $0xFFFFFFFF  }
0xc2: {  	_ =	task.clear_ibuf [dreg:s7], $0x2FFFF;
	_ =	strace $0x9FFFFFFF  }
0xc3: {  	(tm) =	ssettm $0x7FFFFFFF  }
tec
execute0_lowered:
.L_overlay_start_1:
0x0: {  	(tag) =	ssettag $0x1  }
0x1: {  	s0 =	rddreg [dreg:$0x0]  }
0x2: {  	s3 =	rddreg [dreg:$0x2];
	s4 =	simm.s32 $0x0;
	s2 =	stileid.u32  }
0x3: {  	s1 =	srdreg.scid;
	s28 =	simm.s32 $0x80;
	s29 =	simm.s32 $0x0  }
0x4: {  	[smem:$0x7FF] =	sst s4;
	s5 =	sshll.u32 s2, $0xA;
	s1 =	sand.u32 $0x1, s1  }
0x5: {  	s20 =	sshll.u32 s2, $0x4;
	s21 =	sshll.u32 s2, $0x6;
	s22 =	sshll.u32 s2, $0xD  }
0x6: {  	s30 =	sor.u32 $0xC0, s2;
	s31 =	sshll.u32 s2, $0x9;
	_ =	strace $0x80000050  }
0x7: {  	s6 =	sadd.s32 s5, s0;
	s7 =	ssub.s32 $0x2, s1;
	s20 =	sadd.s32 s20, s0  }
0x8: {  	s0 =	sadd.s32 s21, s0;
	s26 =	smul.u32 $0x61A8, s1;
	p0 =	seq.s32 s1, $0x1  }
0x9: {  	s5 =	sadd.s32 s22, s3;
	s18 =	sshll.u32 s30, $0xD;
	s22 =	sadd.s32 s31, s3  }
0xa: {  	p1 =	sgt.u32 s30, $0xC3;
	s8 =	sshrl.u32 s7, $0x1;
	s24 =	sadd.s32 $0x20000, s5  }
0xb: {  	s25 =	sadd.s32 $0x40000, s5;
	s9 =	sadd.s32 $0x60000, s5;
	s10 =	sadd.s32 $0x80000, s5  }
0xc: {  	s11 =	sadd.s32 $0xA0000, s5;
	s12 =	sadd.s32 $0xC0000, s5;
	s13 =	sadd.s32 $0xE0000, s5  }
0xd: {  	s14 =	sadd.s32 $0x100000, s5;
	s15 =	sadd.s32 $0x120000, s5;
	s16 =	sadd.s32 $0x140000, s5  }
.Ltmp0:
0xe: {  	s17 =	sadd.s32 $0x160000, s5;
	s18 =	sadd.s32 s18, s3;
	(pc) =	sbr.rel .LBB2_1-.Ltmp0, $4  }
0xf: {  	s19 =	sadd.s32 $0xF3400, s6;
	s20 =	sadd.s32 $0xDAA00, s20;
	[dreg:$0x5] =	wrdreg s24  }
0x10: {  	s21 =	sadd.s32 $0x3C00, s0;
	s7 =	ssub.s32 s7, s8;
	[dreg:$0x6] =	wrdreg s25  }
0x11: {  	s24 =	simm.s32 $0x100;
	s25 =	simm.s32 $0x1;
	s23 =	smax.u32 s7, $0x1  }
0x12: {  	v0 =	vmov s26;
	s26 =	simm.s32 $0x2;
	[dreg:$0x4] =	wrdreg s23;
	s23 =	sadd.s32 $0x34940, s0  }
.LBB2_6:
0x13: {  	p3 =	sgt.u32 s6, $0xC34  }
0x14: {  	[sflag:s1] =	ssyncadd.s32 @!p2 $0xFFFFFFC0;
	s0 =	sshll.u32 @!p3 s2, $0x6  }
0x15: {  	s1 =	sshrl.u32 @!p3 s30, $0x3;
	s6 =	simm.s32 @!p3 $0x1;
	s0 =	sor.u32 @!p3 $0x1C01, s0  }
0x16: {  	[hbm:s31], [sflag:s0] =	dma.local @!p3 [spmem:s1], $0x40  }
0x17: {  	_ =	swait.ge @!p3 [sflag:s6], $0x40  }
0x18: {  	[sflag:s6] =	ssyncset.done @!p3 $0x0  }
0x19: {  	[sflag:s6] =	ssyncadd.s32 @!p3 $0xFFFFFFC0  }
.LBB2_10:
0x1a: {  	s29 =	sadd.s32 $0x1, s29;
	s0 =	rddreg [dreg:$0x4]  }
0x1b: {  	p2 =	sne.s32 s29, s0  }
.Ltmp1:
0x1c: {  	_ = 	snop;
	(pc) =	sbr.rel @!p2 .LBB2_11-.Ltmp1, $2  }
0x1d: {  	_ =	sdelay $0x1  }
0x1e: {  	[bflag:$0x0] =	sbarrier.arrive $0xFFFF;
	_ =	sdelay $0x1  }
.LBB2_1:
0x1f: {  	s0 =	rddreg [dreg:$0x1]  }
0x20: {  	[tilespmem:s24], [sflag:$0x1] =	stream.linear.gather [hbm4b:s0+s4], $0x2000, $0x38;
	[tilespmem:$0x1A900] =	vst v63  }
0x21: {  	_ =	swait.ge [sflag:s25], $0x2000  }
0x22: {  	[sflag:s25] =	ssyncset.done $0x0  }
0x23: {  	[sflag:s25] =	ssyncadd.s32 $0xFFFFE000  }
0x24: {  	[spmem:s5] =	stream.linear.scatter [tilespmem:s24], [sflag:$0x1], $0x2000, $0x38;
	[tilespmem:$0x1A900] =	vst v63  }
0x25: {  	_ =	swait.ge [sflag:s25], $0x2000  }
0x26: {  	[sflag:s25] =	ssyncset.done $0x0  }
0x27: {  	s6 =	rddreg [dreg:$0x5];
	[sflag:s25] =	ssyncadd.s32 $0xFFFFE000  }
0x28: {  	[spmem:s6] =	stream.linear.scatter [tilespmem:s24], [sflag:$0x1], $0x2000, $0x38;
	[tilespmem:$0x1A900] =	vst v63  }
0x29: {  	_ =	swait.ge [sflag:s25], $0x2000  }
0x2a: {  	[sflag:s25] =	ssyncset.done $0x0  }
0x2b: {  	s7 =	rddreg [dreg:$0x6];
	[sflag:s25] =	ssyncadd.s32 $0xFFFFE000  }
0x2c: {  	[spmem:s7] =	stream.linear.scatter [tilespmem:s24], [sflag:$0x1], $0x2000, $0x38;
	[tilespmem:$0x1A900] =	vst v63  }
0x2d: {  	_ =	swait.ge [sflag:s25], $0x2000  }
0x2e: {  	[sflag:s25] =	ssyncset.done $0x0  }
0x2f: {  	[sflag:s25] =	ssyncadd.s32 $0xFFFFE000  }
0x30: {  	[spmem:s9] =	stream.linear.scatter [tilespmem:s24], [sflag:$0x1], $0x2000, $0x38;
	[tilespmem:$0x1A900] =	vst v63  }
0x31: {  	_ =	swait.ge [sflag:s25], $0x2000  }
0x32: {  	[sflag:s25] =	ssyncset.done $0x0  }
0x33: {  	[sflag:s25] =	ssyncadd.s32 $0xFFFFE000  }
0x34: {  	[spmem:s10] =	stream.linear.scatter [tilespmem:s24], [sflag:$0x1], $0x2000, $0x38;
	[tilespmem:$0x1A900] =	vst v63  }
0x35: {  	_ =	swait.ge [sflag:s25], $0x2000  }
0x36: {  	[sflag:s25] =	ssyncset.done $0x0  }
0x37: {  	[sflag:s25] =	ssyncadd.s32 $0xFFFFE000  }
0x38: {  	[spmem:s11] =	stream.linear.scatter [tilespmem:s24], [sflag:$0x1], $0x2000, $0x38;
	[tilespmem:$0x1A900] =	vst v63  }
0x39: {  	_ =	swait.ge [sflag:s25], $0x2000  }
0x3a: {  	[sflag:s25] =	ssyncset.done $0x0  }
0x3b: {  	[sflag:s25] =	ssyncadd.s32 $0xFFFFE000  }
0x3c: {  	[spmem:s12] =	stream.linear.scatter [tilespmem:s24], [sflag:$0x1], $0x2000, $0x38;
	[tilespmem:$0x1A900] =	vst v63  }
0x3d: {  	_ =	swait.ge [sflag:s25], $0x2000  }
0x3e: {  	[sflag:s25] =	ssyncset.done $0x0  }
0x3f: {  	[sflag:s25] =	ssyncadd.s32 $0xFFFFE000  }
0x40: {  	[spmem:s13] =	stream.linear.scatter [tilespmem:s24], [sflag:$0x1], $0x2000, $0x38;
	[tilespmem:$0x1A900] =	vst v63  }
0x41: {  	_ =	swait.ge [sflag:s25], $0x2000  }
0x42: {  	[sflag:s25] =	ssyncset.done $0x0  }
0x43: {  	[sflag:s25] =	ssyncadd.s32 $0xFFFFE000  }
0x44: {  	[spmem:s14] =	stream.linear.scatter [tilespmem:s24], [sflag:$0x1], $0x2000, $0x38;
	[tilespmem:$0x1A900] =	vst v63  }
0x45: {  	_ =	swait.ge [sflag:s25], $0x2000  }
0x46: {  	[sflag:s25] =	ssyncset.done $0x0  }
0x47: {  	[sflag:s25] =	ssyncadd.s32 $0xFFFFE000  }
0x48: {  	[spmem:s15] =	stream.linear.scatter [tilespmem:s24], [sflag:$0x1], $0x2000, $0x38;
	[tilespmem:$0x1A900] =	vst v63  }
0x49: {  	_ =	swait.ge [sflag:s25], $0x2000  }
0x4a: {  	[sflag:s25] =	ssyncset.done $0x0  }
0x4b: {  	[sflag:s25] =	ssyncadd.s32 $0xFFFFE000  }
0x4c: {  	[spmem:s16] =	stream.linear.scatter [tilespmem:s24], [sflag:$0x1], $0x2000, $0x38;
	[tilespmem:$0x1A900] =	vst v63  }
0x4d: {  	_ =	swait.ge [sflag:s25], $0x2000  }
0x4e: {  	[sflag:s25] =	ssyncset.done $0x0  }
0x4f: {  	[sflag:s25] =	ssyncadd.s32 $0xFFFFE000  }
0x50: {  	[spmem:s17] =	stream.linear.scatter [tilespmem:s24], [sflag:$0x1], $0x2000, $0x38;
	[tilespmem:$0x1A900] =	vst v63  }
0x51: {  	_ =	swait.ge [sflag:s25], $0x2000  }
0x52: {  	[sflag:s25] =	ssyncset.done $0x0  }
0x53: {  	s0 =	simm.s32 @!p1 $0x100;
	[sflag:s25] =	ssyncadd.s32 $0xFFFFE000  }
0x54: {  	[spmem:s18] =	stream.linear.scatter @!p1 [tilespmem:s0], [sflag:$0x1], $0x2000, $0x38;
	[tilespmem:$0x1A900] =	vst v63  }
0x55: {  	s0 =	simm.s32 @!p1 $0x1  }
0x56: {  	_ =	swait.ge @!p1 [sflag:s0], $0x2000  }
0x57: {  	[sflag:s0] =	ssyncset.done @!p1 $0x0  }
0x58: {  	[sflag:s0] =	ssyncadd.s32 @!p1 $0xFFFFE000  }
0x59: {  	s8 =	sadd.s32 $0x0, s20;
	[bflag:$0x0] =	sbarrier.arrive $0xFFFF  }
0x5a: {  	[tilespmem:s4], [sflag:$0x2] =	stream.linear.gather [hbm4b:s8+s4], $0x80, $0x38;
	[tilespmem:$0x1A900] =	vst v63  }
0x5b: {  	_ =	swait.ge [sflag:s26], $0x80  }
0x5c: {  	[sflag:s26] =	ssyncset.done $0x0  }
0x5d: {  	[sflag:s26] =	ssyncadd.s32 $0xFFFFFF80  }
0x5e: {  	[tilespmem:s24], [sflag:$0x2] =	stream.linear.gather [hbm4b:s19+s4], $0x2000, $0x38;
	[tilespmem:$0x1A900] =	vst v63  }
0x5f: {  	_ =	swait.ge [sflag:s26], $0x2000  }
0x60: {  	[sflag:s26] =	ssyncset.done $0x0  }
0x61: {  	[sflag:s26] =	ssyncadd.s32 $0xFFFFE000  }
0x62: {  	v1 =	vld [tilespmem:$0x50]  }
0x63: {  	v3 =	vld [tilespmem:$0x60]  }
0x64: {  	s30 =	simm.s32 $0x100;
	s31 =	smov.u32 s19;
	v2 =	vld [tilespmem:$0x70]  }
.LBB2_2:
0x65: {  	p2 =	sne.s32 s30, $0x18900  }
0x66: {  	v4 =	vld [tilespmem:$0x30];
	s31 =	sadd.s32 $0x4000, s31;
	s0 =	smov.u32 s30;
	s30 =	sadd.s32 $0x100, s30  }
0x67: {  	v5 =	vld [tilespmem:$0x10]  }
0x68: {  	v6 =	vld [tilespmem:$0x20]  }
0x69: {  	v7 =	vld [tilespmem:$0x0];
	v3 =	vsub.s32 v3, v0  }
0x6a: {  	v1 =	vsub.s32 v1, v0;
	v8 =	vld [tilespmem:$0x40];
	v3 =	vmin.u32 v3, $0x61A8;
	v2 =	vsub.s32 v2, v0  }
0x6b: {  	v1 =	vmin.u32 v1, $0x61A8;
	v4 =	vsub.s32 v4, v0;
	[tilespmem:$0xE0] =	vst v3;
	v2 =	vmin.u32 v2, $0x61A8  }
0x6c: {  	v3 =	vsub.s32 v5, v0;
	v4 =	vmin.u32 v4, $0x61A8;
	[tilespmem:$0xF0] =	vst v2  }
0x6d: {  	v2 =	vmin.u32 v3, $0x61A8;
	v3 =	vsub.s32 v6, v0;
	[tilespmem:$0xD0] =	vst v1  }
0x6e: {  	v1 =	vsub.s32 v7, v0;
	v3 =	vmin.u32 v3, $0x61A8;
	[tilespmem:$0xB0] =	vst v4  }
0x6f: {  	v1 =	vmin.u32 v1, $0x61A8;
	[tilespmem:$0x90] =	vst v2;
	v2 =	vsub.s32 v8, v0  }
0x70: {  	[tilespmem:$0xA0] =	vst v3;
	v2 =	vmin.u32 v2, $0x61A8  }
0x71: {  	[tilespmem:$0xC0] =	vst v2  }
0x72: {  	[tilespmem:$0x80] =	vst v1  }
0x73: {  	[spmem:s3] =	stream.indirect.scatter.add.f32 [tilespmem:s24], [sflag:$0x1], $0x40, s28, s28, $0xb8;
	[tilespmem:$0x1A900] =	vst v63  }
0x74: {  	_ =	swait.ge [sflag:s25], $0x2000  }
0x75: {  	[sflag:s25] =	ssyncset.done $0x0  }
0x76: {  	s0 =	sadd.s32 s0, s20;
	[sflag:s25] =	ssyncadd.s32 $0xFFFFE000  }
0x77: {  	[tilespmem:s4], [sflag:$0x2] =	stream.linear.gather [hbm4b:s0+s4], $0x80, $0x38;
	[tilespmem:$0x1A900] =	vst v63  }
0x78: {  	_ =	swait.ge [sflag:s26], $0x80  }
0x79: {  	[sflag:s26] =	ssyncset.done $0x0  }
0x7a: {  	[sflag:s26] =	ssyncadd.s32 $0xFFFFFF80  }
0x7b: {  	[tilespmem:s24], [sflag:$0x2] =	stream.linear.gather [hbm4b:s31+s4], $0x2000, $0x38;
	[tilespmem:$0x1A900] =	vst v63  }
0x7c: {  	_ =	swait.ge [sflag:s26], $0x2000  }
.Ltmp2:
0x7d: {  	[sflag:s26] =	ssyncset.done $0x0;
	(pc) =	sbr.rel @p2 .LBB2_2-.Ltmp2, $4  }
0x7e: {  	[sflag:s26] =	ssyncadd.s32 $0xFFFFE000  }
0x7f: {  	v1 =	vld [tilespmem:$0x50]  }
0x80: {  	v3 =	vld [tilespmem:$0x60]  }
0x81: {  	v2 =	vld [tilespmem:$0x70]  }
0x82: {  	v4 =	vld [tilespmem:$0x30]  }
0x83: {  	v5 =	vld [tilespmem:$0x10]  }
0x84: {  	v6 =	vld [tilespmem:$0x20];
	v1 =	vsub.s32 v1, v0  }
0x85: {  	v7 =	vld [tilespmem:$0x40];
	v3 =	vsub.s32 v3, v0;
	v1 =	vmin.u32 v1, $0x61A8  }
0x86: {  	v8 =	vld [tilespmem:$0x0];
	v3 =	vmin.u32 v3, $0x61A8;
	v2 =	vsub.s32 v2, v0;
	[tilespmem:$0xD0] =	vst v1  }
0x87: {  	[tilespmem:$0xE0] =	vst v3;
	v2 =	vmin.u32 v2, $0x61A8;
	v3 =	vsub.s32 v4, v0  }
0x88: {  	[tilespmem:$0xF0] =	vst v2;
	v2 =	vsub.s32 v5, v0;
	v3 =	vmin.u32 v3, $0x61A8  }
0x89: {  	v1 =	vmin.u32 v2, $0x61A8;
	v2 =	vsub.s32 v6, v0;
	[tilespmem:$0xB0] =	vst v3  }
0x8a: {  	v2 =	vmin.u32 v2, $0x61A8;
	[tilespmem:$0x90] =	vst v1;
	v1 =	vsub.s32 v7, v0  }
0x8b: {  	v3 =	vsub.s32 v8, v0;
	[tilespmem:$0xA0] =	vst v2;
	v1 =	vmin.u32 v1, $0x61A8  }
0x8c: {  	v2 =	vmin.u32 v3, $0x61A8;
	[tilespmem:$0xC0] =	vst v1  }
0x8d: {  	[tilespmem:$0x80] =	vst v2  }
0x8e: {  	[spmem:s3] =	stream.indirect.scatter.add.f32 [tilespmem:s24], [sflag:$0x1], $0x40, s28, s28, $0xb8;
	[tilespmem:$0x1A900] =	vst v63  }
.Ltmp3:
0x8f: {  	_ =	swait.ge [sflag:s25], $0x2000;
	(pc) =	sbr.rel @!p0 .LBB2_4-.Ltmp3, $4  }
0x90: {  	[sflag:s25] =	ssyncset.done $0x0  }
0x91: {  	[sflag:s25] =	ssyncadd.s32 $0xFFFFE000  }
0x92: {  	s0 =	sadd.s32 $0x0, s2;
	[bflag:$0x0] =	sbarrier.arrive $0xFFFF  }
0x93: {  	p2 =	sgt.u32 s0, $0xC34  }
0x94: {  	s0 =	sshll.u32 @!p2 s2, $0x6  }
0x95: {  	s6 =	sshrl.u32 @!p2 s22, $0x3;
	s1 =	simm.s32 @!p2 $0x1;
	s0 =	sor.u32 @!p2 $0x1C01, s0  }
0x96: {  	[hbm:s23], [sflag:s0] =	dma.local @!p2 [spmem:s6], $0x40  }
0x97: {  	s30 =	sadd.s32 $0x2000, s22;
	s31 =	sadd.s32 $0x400, s23;
	_ =	swait.ge @!p2 [sflag:s1], $0x40  }
0x98: {  	s0 =	simm.s32 $0x20;
	s6 =	sadd.s32 $0x10, s2;
	[sflag:s1] =	ssyncset.done @!p2 $0x0  }
.LBB2_8:
0x99: {  	[sflag:s1] =	ssyncadd.s32 @!p2 $0xFFFFFFC0  }
0x9a: {  	p2 =	sgt.u32 s6, $0xC34;
	s6 =	smov.u32 s0;
	s0 =	sadd.s32 $0x10, s0  }
0x9b: {  	p3 =	sne.s32 s0, $0xC40  }
.Ltmp4:
0x9c: {  	s1 =	sshll.u32 @!p2 s2, $0x6;
	s7 =	sshrl.u32 @!p2 s30, $0x3;
	(pc) =	sbr.rel @p3 .LBB2_8-.Ltmp4, $4  }
0x9d: {  	s8 =	sor.u32 @!p2 $0x1C01, s1;
	s1 =	simm.s32 @!p2 $0x1  }
0x9e: {  	[hbm:s31], [sflag:s8] =	dma.local @!p2 [spmem:s7], $0x40  }
0x9f: {  	s30 =	sadd.s32 $0x2000, s30;
	_ =	swait.ge @!p2 [sflag:s1], $0x40  }
0xa0: {  	s6 =	sadd.s32 s6, s2;
	s31 =	sadd.s32 $0x400, s31;
	[sflag:s1] =	ssyncset.done @!p2 $0x0  }
0xa1: {  	p3 =	sgt.u32 s6, $0xC34  }
0xa2: {  	[sflag:s1] =	ssyncadd.s32 @!p2 $0xFFFFFFC0;
	s0 =	sshll.u32 @!p3 s2, $0x6;
	s1 =	sshrl.u32 @!p3 s30, $0x3  }
.Ltmp5:
0xa3: {  	s6 =	simm.s32 @!p3 $0x1;
	s0 =	sor.u32 @!p3 $0x1C01, s0;
	(pc) =	sbr.rel .LBB2_10-.Ltmp5, $4  }
0xa4: {  	[hbm:s31], [sflag:s0] =	dma.local @!p3 [spmem:s1], $0x40  }
0xa5: {  	_ =	swait.ge @!p3 [sflag:s6], $0x40  }
0xa6: {  	[sflag:s6] =	ssyncset.done @!p3 $0x0  }
0xa7: {  	[sflag:s6] =	ssyncadd.s32 @!p3 $0xFFFFFFC0  }
.LBB2_4:
0xa8: {  	s0 =	sshll.u32 @!p2 s2, $0x6  }
0xa9: {  	s6 =	sshrl.u32 @!p2 s22, $0x3;
	s1 =	simm.s32 @!p2 $0x1;
	s0 =	sor.u32 @!p2 $0x1C01, s0  }
0xaa: {  	[hbm:s21], [sflag:s0] =	dma.local @!p2 [spmem:s6], $0x40  }
0xab: {  	s30 =	sadd.s32 $0x2000, s22;
	s31 =	sadd.s32 $0x400, s21;
	_ =	swait.ge @!p2 [sflag:s1], $0x40  }
0xac: {  	s0 =	simm.s32 $0x20;
	s6 =	sadd.s32 $0x10, s2;
	[sflag:s1] =	ssyncset.done @!p2 $0x0  }
.LBB2_5:
0xad: {  	[sflag:s1] =	ssyncadd.s32 @!p2 $0xFFFFFFC0  }
0xae: {  	p2 =	sgt.u32 s6, $0xC34;
	s6 =	smov.u32 s0;
	s0 =	sadd.s32 $0x10, s0  }
0xaf: {  	p3 =	seq.s32 s0, $0xC40  }
.Ltmp6:
0xb0: {  	s1 =	sshll.u32 @!p2 s2, $0x6;
	s7 =	sshrl.u32 @!p2 s30, $0x3;
	(pc) =	sbr.rel @!p3 .LBB2_5-.Ltmp6, $4  }
0xb1: {  	s8 =	sor.u32 @!p2 $0x1C01, s1;
	s1 =	simm.s32 @!p2 $0x1  }
0xb2: {  	[hbm:s31], [sflag:s8] =	dma.local @!p2 [spmem:s7], $0x40  }
0xb3: {  	s30 =	sadd.s32 $0x2000, s30;
	_ =	swait.ge @!p2 [sflag:s1], $0x40  }
0xb4: {  	s6 =	sadd.s32 s6, s2;
	s31 =	sadd.s32 $0x400, s31;
	[sflag:s1] =	ssyncset.done @!p2 $0x0  }
.Ltmp7:
0xb5: {  	_ = 	snop;
	(pc) =	sbr.rel .LBB2_6-.Ltmp7, $1  }
0xb6: {  	_ =	sdelay $0x3  }
.LBB2_11:
0xb7: {  	_ =	sfence.sel $0x180000  }
0xb8: {  	[bflag:$0x0] =	sbarrier.arrive $0xFFFF  }
0xb9: {  	_ =	strace $0x90000050  }
0xba: {  	[bflag:$0x2] =	sbarrier.arrive $0xFFFF  }
0xbb: {  	p0 =	sne.s32 s2, $0x0;
	s0 =	rddreg [dreg:$0x3]  }
0xbc: {  	s0 =	sadd.s32 @!p0 $0x100000, s0  }
0xbd: {  	[sflag:s0] =	ssyncadd.tile.s32 @!p0 $0x1;
	_ =	shalt  }
.Lfunc_end2:
_tile_overlayer_lowered:
.L_overlay_start_2:
0xbe: {  	(tag) =	ssettag $0x2  }
0xbf: {  	s0 =	rddreg [dreg:$0x0];
	s2 =	stileid.u32  }
0xc0: {  	s1 =	rddreg [dreg:$0x1];
	p0 =	sne.s32 s2, $0x0  }
0xc1: {  	s3 =	rddreg [dreg:$0x2];
	[bflag:$0x3] =	sbarrier.arrive $0xFFFF;
	s2 =	simm.s32 @!p0 $0x1C01  }
0xc2: {  	[timem:s3], [sflag:s2] =	dma.local @!p0 [hbm:s0], s1  }
0xc3: {  	s0 =	simm.s32 @!p0 $0x1  }
0xc4: {  	_ =	swait.ge @!p0 [sflag:s0], s1  }
0xc5: {  	s1 =	ssub.s32 @!p0 $0x0, s1;
	[sflag:s0] =	ssyncset.done @!p0 $0x0  }
0xc6: {  	[sflag:s0] =	ssyncadd.s32 @!p0 s1  }
0xc7: {  	[bflag:$0x3] =	sbarrier.arrive $0xFFFF  }
0xc8: {  	_ =	shalt  }

</sc_bundles>
